<compile_context>
chip_gen: v7x
topology: tpu7x:2x2x1
jax: 0.10.2.dev20260603
libtpu: 0.0.44.dev20260713+nightly
codegen_flags: <defaults>
</compile_context>

<pallas_src>
import functools

import jax
import jax.numpy as jnp
from jax import lax
from jax.experimental import pallas as pl
from jax.experimental.pallas import tpu as pltpu
from jax.experimental.pallas import tpu_sc as plsc

_C = 384
_NS = 1024
_WS = 4
_WNH = 8
_NW = 64
_K = 16
_G = 24
_GD = 4 * _G
_NT = _K * _WS * _WS
_NB = 8

_RHS_T = (((1,), (1,)), ((), ()))
_MM = (((1,), (0,)), ((), ()))


def _select_body(z_ref, x_ref, idx_ref):
    ti = lax.broadcasted_iota(jnp.int32, (_NW, _NS), 1)
    wi = lax.broadcasted_iota(jnp.int32, (_NW, _NS), 0)
    q_sel = ((ti // 128 == wi // _WNH)
             & ((ti % 32) // _WS == wi % _WNH)).astype(jnp.float32)
    eye = (lax.broadcasted_iota(jnp.int32, (_NW, _NW), 0)
           == lax.broadcasted_iota(jnp.int32, (_NW, _NW), 1)).astype(
        jnp.float32)
    wi64 = lax.broadcasted_iota(jnp.int32, (_NW, _NW), 0)
    ji64 = lax.broadcasted_iota(jnp.int32, (_NW, _NW), 1)
    fidx_row = lax.broadcasted_iota(jnp.int32, (1, _NW), 1).astype(jnp.float32)
    qlane = lax.broadcasted_iota(jnp.int32, (_NW, _NT), 1)
    q_row = lax.broadcasted_iota(jnp.int32, (1, _NT), 1)
    pid = pl.program_id(0)

    for i in range(_NB):
        z = z_ref[i]
        zmax = jnp.max(z, axis=0, keepdims=True)
        sim = lax.dot_general(zmax, x_ref[i], _RHS_T,
                              preferred_element_type=jnp.float32)
        win_row = lax.dot_general(sim, q_sel, _RHS_T,
                                  preferred_element_type=jnp.float32,
                                  precision=lax.Precision.HIGHEST)
        win_col = lax.dot_general(eye, win_row, _RHS_T,
                                  preferred_element_type=jnp.float32,
                                  precision=lax.Precision.HIGHEST)
        vj = jnp.broadcast_to(win_row, (_NW, _NW))
        vw = jnp.broadcast_to(win_col, (_NW, _NW))
        beats = (vj > vw) | ((vj == vw) & (ji64 < wi64))
        rank = jnp.sum(beats.astype(jnp.int32), axis=1, keepdims=True)
        sel_t = (jnp.broadcast_to(rank, (_NW, _NT))
                 == qlane // _K).astype(jnp.float32)
        w_q = lax.dot_general(fidx_row, sel_t, _MM,
                              preferred_element_type=jnp.float32)
        w_qi = w_q.astype(jnp.int32)
        r_q = (q_row // _WS) % _WS
        c_q = q_row % _WS
        gb = pid * _NB + i
        idx_ref[pl.ds(i, 1), :] = (gb * _NS + (w_qi // _WNH) * 128
                                   + (w_qi % _WNH) * _WS + r_q * 32 + c_q)


def _select(z, x):
    B = z.shape[0]
    return pl.pallas_call(
        _select_body,
        grid=(B // _NB,),
        in_specs=[
            pl.BlockSpec((_NB, z.shape[1], _C), lambda b: (b, 0, 0)),
            pl.BlockSpec((_NB, _NS, _C), lambda b: (b, 0, 0)),
        ],
        out_specs=pl.BlockSpec((_NB, _NT), lambda b: (b, 0)),
        out_shape=jax.ShapeDtypeStruct((B, _NT), jnp.int32),
    )(z, x)


_SC_CHUNK = 128


def _sc_gather(table, idx_flat):
    n = idx_flat.shape[0]
    info = plsc.get_sparse_core_info()
    nw = info.num_cores * info.num_subcores
    per_w = n // nw
    nchunk = per_w // _SC_CHUNK
    mesh = plsc.VectorSubcoreMesh(core_axis_name="c", subcore_axis_name="s")

    @functools.partial(
        pl.kernel,
        out_type=jax.ShapeDtypeStruct((n, _C), jnp.float32),
        mesh=mesh,
        scratch_types=[
            pltpu.VMEM((_SC_CHUNK,), jnp.int32),
            pltpu.VMEM((_SC_CHUNK, _C), jnp.float32),
            pltpu.SemaphoreType.DMA,
        ],
    )
    def gather_kernel(table_hbm, idx_hbm, out_hbm, idx_v, rows_v, sem):
        wid = lax.axis_index("s") * info.num_cores + lax.axis_index("c")
        for chunk in range(nchunk):
            base = wid * per_w + chunk * _SC_CHUNK
            pltpu.sync_copy(idx_hbm.at[pl.ds(base, _SC_CHUNK)], idx_v)
            pltpu.async_copy(table_hbm.at[idx_v], rows_v, sem).wait()
            pltpu.sync_copy(rows_v, out_hbm.at[pl.ds(base, _SC_CHUNK)])

    return gather_kernel(table, idx_flat)


def _dense_body(xe_ref, wd_ref, bd_ref, wu_ref, bu_ref, out_ref):
    rows = _NB * _NT
    xe = xe_ref[...]
    wd = wd_ref[...]
    bd = bd_ref[...]
    wu = wu_ref[...]
    bu = bu_ref[...]
    t = lax.dot_general(xe, wd, _RHS_T,
                        preferred_element_type=jnp.float32) + bd
    qi = lax.broadcasted_iota(jnp.int32, (rows, _GD), 0)
    li = lax.broadcasted_iota(jnp.int32, (rows, _GD), 1)
    c_tok = qi % _WS
    r_tok = (qi // _WS) % _WS
    z1 = jnp.zeros((1, _GD), jnp.float32)
    z4 = jnp.zeros((_WS, _GD), jnp.float32)
    tm1 = jnp.concatenate([t[1:], z1], axis=0)
    tp1 = jnp.concatenate([z1, t[:-1]], axis=0)
    tm4 = jnp.concatenate([t[_WS:], z4], axis=0)
    tp4 = jnp.concatenate([z4, t[:-_WS]], axis=0)
    g0 = jnp.where(c_tok < _WS - 1, tm1, 0.0)
    g1 = jnp.where(c_tok > 0, tp1, 0.0)
    g2 = jnp.where(r_tok < _WS - 1, tm4, 0.0)
    g3 = jnp.where(r_tok > 0, tp4, 0.0)
    s = jnp.where(li < _G, g0,
                  jnp.where(li < 2 * _G, g1,
                            jnp.where(li < 3 * _G, g2, g3)))
    su = lax.dot_general(s, wu, _RHS_T,
                         preferred_element_type=jnp.float32)
    out_ref[...] = xe + su + bu


def _dense(xe_flat, w_down, bd, w_up, bu):
    n = xe_flat.shape[0]
    rows = _NB * _NT
    return pl.pallas_call(
        _dense_body,
        grid=(n // rows,),
        in_specs=[
            pl.BlockSpec((rows, _C), lambda b: (b, 0)),
            pl.BlockSpec((_GD, _C), lambda b: (0, 0)),
            pl.BlockSpec((1, _GD), lambda b: (0, 0)),
            pl.BlockSpec((_C, _GD), lambda b: (0, 0)),
            pl.BlockSpec((1, _C), lambda b: (0, 0)),
        ],
        out_specs=pl.BlockSpec((rows, _C), lambda b: (b, 0)),
        out_shape=jax.ShapeDtypeStruct((n, _C), jnp.float32),
    )(xe_flat, w_down, bd, w_up, bu)


def kernel(z, x, w_down, b_down, w_up, b_up):
    B = z.shape[0]
    bd = b_down.reshape(1, _GD)
    bu = b_up.reshape(1, _C)
    idx = _select(z, x)
    xe_flat = _sc_gather(x.reshape(B * _NS, _C), idx.reshape(B * _NT))
    out = _dense(xe_flat, w_down, bd, w_up, bu)
    return out.reshape(B, _NT, _C)

# --- scband reference (transcript-rebuilt; emitter-appended) ---
"""Pipeline reference for scband-select-token-17471926960480 (READ-ONLY COPY).

The authoritative reference and input builder live on the scoring server;
editing this copy changes nothing except your own understanding.
"""

import jax, jax.numpy as jnp
import numpy as np
import math

TOPK = 16
WINSIZE = 4
G = 24

def setup_inputs(seed: int = 0) -> dict:
    key = jax.random.key(seed)
    k1, k2, k3, k4, k5, k6 = jax.random.split(key, 6)
    B, C, N_t, N_s, g = 64, 384, 64, 1024, G
    z = jax.random.normal(k1, (B, N_t, C), dtype=jnp.float32)
    x = jax.random.normal(k2, (B, N_s, C), dtype=jnp.float32)
    w_down = jax.random.normal(k3, (g * 4, C), dtype=jnp.float32) * 0.05
    b_down = jax.random.normal(k4, (g * 4,), dtype=jnp.float32) * 0.05
    w_up = jax.random.normal(k5, (C, g * 4), dtype=jnp.float32) * 0.05
    b_up = jax.random.normal(k6, (C,), dtype=jnp.float32) * 0.05
    return {"z": z, "x": x, "w_down": w_down, "b_down": b_down, "w_up": w_up, "b_up": b_up}

def reference(z, x, w_down, b_down, w_up, b_up):
    B, N_t, C = z.shape
    ws = WINSIZE
    g = G
    k = TOPK
    ws2 = ws * ws
    # AdaptiveMaxPool2d((1,1)) over z reshaped to [B,C,h_t,h_t] == max over token axis
    z_max = jnp.max(z, axis=1, keepdims=True)  # [B, 1, C]
    N_s = x.shape[1]
    h_s = int(math.isqrt(N_s))
    win_Num_H = h_s // ws
    sim_x = (z_max @ jnp.swapaxes(x, -2, -1) / C).reshape(B, -1)  # [B, N_s]
    sim_x = sim_x.reshape(B, win_Num_H, ws, win_Num_H, ws).transpose(0, 1, 3, 2, 4)
    sim_x = sim_x.reshape(B, -1, ws2).mean(axis=-1)  # [B, win_num]
    _, idx = jax.lax.top_k(sim_x, k)  # [B, k]
    x_ext = x.reshape(B, win_Num_H, ws, win_Num_H, ws, C)
    x_ext = x_ext.transpose(0, 1, 3, 2, 4, 5).reshape(B, -1, ws2, C)  # [B, win_num, ws2, C]
    idx_e = jnp.broadcast_to(idx[:, :, None, None], (B, k, ws2, C))
    x_ext = jnp.take_along_axis(x_ext, idx_e, axis=1)  # [B, k, ws2, C]
    x_ext = x_ext.transpose(0, 1, 3, 2).reshape(-1, C, ws, ws)  # [B*k, C, ws, ws]
    t = jnp.einsum('nchw,oc->nohw', x_ext, w_down) + b_down[None, :, None, None]
    s = jnp.zeros_like(t)
    s = s.at[:, 0 * g:1 * g, :, :-1].set(t[:, 0 * g:1 * g, :, 1:])
    s = s.at[:, 1 * g:2 * g, :, 1:].set(t[:, 1 * g:2 * g, :, :-1])
    s = s.at[:, 2 * g:3 * g, :-1, :].set(t[:, 2 * g:3 * g, 1:, :])
    s = s.at[:, 3 * g:4 * g, 1:, :].set(t[:, 3 * g:4 * g, :-1, :])
    x_tok = x_ext.transpose(0, 2, 3, 1).reshape(B, -1, C)
    s_up = jnp.einsum('nchw,oc->nohw', s, w_up) + b_up[None, :, None, None]
    s_tok = s_up.transpose(0, 2, 3, 1).reshape(B, -1, C)
    return x_tok + s_tok

if __name__ == "__main__":
    import jax
    _d = setup_inputs()
    print(jax.jit(kernel)(*tuple(_d.values())))

</pallas_src>

<mosaic_0001>
#map = affine_map<(d0, d1) -> (0, 0)>
#map1 = affine_map<(d0, d1) -> (0)>
module attributes {stable_mosaic.version = 14 : i64} {
  func.func @gather_kernel(%arg0: i32, %arg1: i32, %arg2: memref<65536x384xf32, #tpu.memory_space<hbm>>, %arg3: memref<16384xi32, #tpu.memory_space<hbm>>, %arg4: memref<16384x384xf32, #tpu.memory_space<hbm>>, %arg5: memref<128xi32, #tpu.memory_space<vmem>>, %arg6: memref<128x384xf32, #tpu.memory_space<vmem>>, %arg7: memref<!tpu.dma_semaphore, #tpu.memory_space<semaphore_mem>>) attributes {dimension_semantics = [#tpu.dimension_semantics<core_parallel>, #tpu.dimension_semantics<subcore_parallel>], iteration_bounds = array<i64: 2, 16>, scalar_prefetch = 0 : i64, scratch_operands = 3 : i64, tpu.core_type = #tpu.core_type<sc_vector_subcore>, window_params = [{transform_indices = #map}, {transform_indices = #map1}, {transform_indices = #map}]} {
    %mul3A = arith.constant 2 : i32
    %mul3A_0 = arith.muli %arg1, %mul3A : i32
    %add3A = arith.addi %mul3A_0, %arg0 : i32
    %mul3A_1 = arith.constant 512 : i32
    %mul3A_2 = arith.muli %add3A, %mul3A_1 : i32
    %add3A_3 = arith.constant 0 : i32
    %add3A_4 = arith.addi %mul3A_2, %add3A_3 : i32
    "tpu.region"() ({
      %run_scoped3A = tpu.sem_alloc : memref<!tpu.dma_semaphore, #tpu.memory_space<semaphore_mem>>
      %dma_start3A_39 = tpu.memref_slice %arg3[%add3A_4] : memref<16384xi32, #tpu.memory_space<hbm>> -> memref<128xi32, #tpu.memory_space<hbm>>
      %dma_start3A_40 = tpu.memref_slice %arg3[%add3A_4] : memref<16384xi32, #tpu.memory_space<hbm>> -> memref<128xi32, #tpu.memory_space<hbm>>
      tpu.enqueue_dma source(%dma_start3A_40 : memref<128xi32, #tpu.memory_space<hbm>>) target(%arg5 : memref<128xi32, #tpu.memory_space<vmem>>) target_semaphore(%run_scoped3A : memref<!tpu.dma_semaphore, #tpu.memory_space<semaphore_mem>>)
      %dma_wait3A_41 = tpu.memref_slice %arg3[%add3A_4] : memref<16384xi32, #tpu.memory_space<hbm>> -> memref<128xi32, #tpu.memory_space<hbm>>
      %dma_wait3A_42 = tpu.memref_slice %arg3[%add3A_4] : memref<16384xi32, #tpu.memory_space<hbm>> -> memref<128xi32, #tpu.memory_space<hbm>>
      tpu.wait_dma2 semaphore(%run_scoped3A : memref<!tpu.dma_semaphore, #tpu.memory_space<semaphore_mem>>) src(%dma_wait3A_42 : memref<128xi32, #tpu.memory_space<hbm>>) dst(%arg5 : memref<128xi32, #tpu.memory_space<vmem>>)
      tpu.yield
    }) : () -> ()
    %dma_start3A = arith.constant 0 : i32
    %dma_start3A_5 = arith.constant 0 : i32
    %dma_start3A_6 = tpu.memref_slice %arg2[%dma_start3A, %dma_start3A_5] : memref<65536x384xf32, #tpu.memory_space<hbm>> -> memref<65536x384xf32, #tpu.memory_space<hbm>>
    tpu.enqueue_indirect_dma source(%dma_start3A_6 : memref<65536x384xf32, #tpu.memory_space<hbm>>) target(%arg6 : memref<128x384xf32, #tpu.memory_space<vmem>>) offsets(%arg5 : memref<128xi32, #tpu.memory_space<vmem>>) semaphore(%arg7 : memref<!tpu.dma_semaphore, #tpu.memory_space<semaphore_mem>>)
    %dma_wait3A = arith.constant 0 : i32
    %dma_wait3A_7 = arith.constant 0 : i32
    %dma_wait3A_8 = tpu.memref_slice %arg2[%dma_wait3A, %dma_wait3A_7] : memref<65536x384xf32, #tpu.memory_space<hbm>> -> memref<65536x384xf32, #tpu.memory_space<hbm>>
    tpu.wait_indirect_dma semaphore(%arg7 : memref<!tpu.dma_semaphore, #tpu.memory_space<semaphore_mem>>) src(%dma_wait3A_8 : memref<65536x384xf32, #tpu.memory_space<hbm>>) dst(%arg6 : memref<128x384xf32, #tpu.memory_space<vmem>>)
    "tpu.region"() ({
      %run_scoped3A = tpu.sem_alloc : memref<!tpu.dma_semaphore, #tpu.memory_space<semaphore_mem>>
      %dma_start3A_39 = arith.constant 0 : i32
      %dma_start3A_40 = tpu.memref_slice %arg4[%add3A_4, %dma_start3A_39] : memref<16384x384xf32, #tpu.memory_space<hbm>> -> memref<128x384xf32, #tpu.memory_space<hbm>>
      %dma_start3A_41 = arith.constant 0 : i32
      %dma_start3A_42 = tpu.memref_slice %arg4[%add3A_4, %dma_start3A_41] : memref<16384x384xf32, #tpu.memory_space<hbm>> -> memref<128x384xf32, #tpu.memory_space<hbm>>
      tpu.enqueue_dma source(%arg6 : memref<128x384xf32, #tpu.memory_space<vmem>>) target(%dma_start3A_42 : memref<128x384xf32, #tpu.memory_space<hbm>>) target_semaphore(%run_scoped3A : memref<!tpu.dma_semaphore, #tpu.memory_space<semaphore_mem>>)
      %dma_wait3A_43 = arith.constant 0 : i32
      %dma_wait3A_44 = tpu.memref_slice %arg4[%add3A_4, %dma_wait3A_43] : memref<16384x384xf32, #tpu.memory_space<hbm>> -> memref<128x384xf32, #tpu.memory_space<hbm>>
      %dma_wait3A_45 = arith.constant 0 : i32
      %dma_wait3A_46 = tpu.memref_slice %arg4[%add3A_4, %dma_wait3A_45] : memref<16384x384xf32, #tpu.memory_space<hbm>> -> memref<128x384xf32, #tpu.memory_space<hbm>>
      tpu.wait_dma2 semaphore(%run_scoped3A : memref<!tpu.dma_semaphore, #tpu.memory_space<semaphore_mem>>) src(%arg6 : memref<128x384xf32, #tpu.memory_space<vmem>>) dst(%dma_wait3A_46 : memref<128x384xf32, #tpu.memory_space<hbm>>)
      tpu.yield
    }) : () -> ()
    %mul3A_9 = arith.constant 512 : i32
    %mul3A_10 = arith.muli %add3A, %mul3A_9 : i32
    %add3A_11 = arith.constant 128 : i32
    %add3A_12 = arith.addi %mul3A_10, %add3A_11 : i32
    "tpu.region"() ({
      %run_scoped3A = tpu.sem_alloc : memref<!tpu.dma_semaphore, #tpu.memory_space<semaphore_mem>>
      %dma_start3A_39 = tpu.memref_slice %arg3[%add3A_12] : memref<16384xi32, #tpu.memory_space<hbm>> -> memref<128xi32, #tpu.memory_space<hbm>>
      %dma_start3A_40 = tpu.memref_slice %arg3[%add3A_12] : memref<16384xi32, #tpu.memory_space<hbm>> -> memref<128xi32, #tpu.memory_space<hbm>>
      tpu.enqueue_dma source(%dma_start3A_40 : memref<128xi32, #tpu.memory_space<hbm>>) target(%arg5 : memref<128xi32, #tpu.memory_space<vmem>>) target_semaphore(%run_scoped3A : memref<!tpu.dma_semaphore, #tpu.memory_space<semaphore_mem>>)
      %dma_wait3A_41 = tpu.memref_slice %arg3[%add3A_12] : memref<16384xi32, #tpu.memory_space<hbm>> -> memref<128xi32, #tpu.memory_space<hbm>>
      %dma_wait3A_42 = tpu.memref_slice %arg3[%add3A_12] : memref<16384xi32, #tpu.memory_space<hbm>> -> memref<128xi32, #tpu.memory_space<hbm>>
      tpu.wait_dma2 semaphore(%run_scoped3A : memref<!tpu.dma_semaphore, #tpu.memory_space<semaphore_mem>>) src(%dma_wait3A_42 : memref<128xi32, #tpu.memory_space<hbm>>) dst(%arg5 : memref<128xi32, #tpu.memory_space<vmem>>)
      tpu.yield
    }) : () -> ()
    %dma_start3A_13 = arith.constant 0 : i32
    %dma_start3A_14 = arith.constant 0 : i32
    %dma_start3A_15 = tpu.memref_slice %arg2[%dma_start3A_13, %dma_start3A_14] : memref<65536x384xf32, #tpu.memory_space<hbm>> -> memref<65536x384xf32, #tpu.memory_space<hbm>>
    tpu.enqueue_indirect_dma source(%dma_start3A_15 : memref<65536x384xf32, #tpu.memory_space<hbm>>) target(%arg6 : memref<128x384xf32, #tpu.memory_space<vmem>>) offsets(%arg5 : memref<128xi32, #tpu.memory_space<vmem>>) semaphore(%arg7 : memref<!tpu.dma_semaphore, #tpu.memory_space<semaphore_mem>>)
    %dma_wait3A_16 = arith.constant 0 : i32
    %dma_wait3A_17 = arith.constant 0 : i32
    %dma_wait3A_18 = tpu.memref_slice %arg2[%dma_wait3A_16, %dma_wait3A_17] : memref<65536x384xf32, #tpu.memory_space<hbm>> -> memref<65536x384xf32, #tpu.memory_space<hbm>>
    tpu.wait_indirect_dma semaphore(%arg7 : memref<!tpu.dma_semaphore, #tpu.memory_space<semaphore_mem>>) src(%dma_wait3A_18 : memref<65536x384xf32, #tpu.memory_space<hbm>>) dst(%arg6 : memref<128x384xf32, #tpu.memory_space<vmem>>)
    "tpu.region"() ({
      %run_scoped3A = tpu.sem_alloc : memref<!tpu.dma_semaphore, #tpu.memory_space<semaphore_mem>>
      %dma_start3A_39 = arith.constant 0 : i32
      %dma_start3A_40 = tpu.memref_slice %arg4[%add3A_12, %dma_start3A_39] : memref<16384x384xf32, #tpu.memory_space<hbm>> -> memref<128x384xf32, #tpu.memory_space<hbm>>
      %dma_start3A_41 = arith.constant 0 : i32
      %dma_start3A_42 = tpu.memref_slice %arg4[%add3A_12, %dma_start3A_41] : memref<16384x384xf32, #tpu.memory_space<hbm>> -> memref<128x384xf32, #tpu.memory_space<hbm>>
      tpu.enqueue_dma source(%arg6 : memref<128x384xf32, #tpu.memory_space<vmem>>) target(%dma_start3A_42 : memref<128x384xf32, #tpu.memory_space<hbm>>) target_semaphore(%run_scoped3A : memref<!tpu.dma_semaphore, #tpu.memory_space<semaphore_mem>>)
      %dma_wait3A_43 = arith.constant 0 : i32
      %dma_wait3A_44 = tpu.memref_slice %arg4[%add3A_12, %dma_wait3A_43] : memref<16384x384xf32, #tpu.memory_space<hbm>> -> memref<128x384xf32, #tpu.memory_space<hbm>>
      %dma_wait3A_45 = arith.constant 0 : i32
      %dma_wait3A_46 = tpu.memref_slice %arg4[%add3A_12, %dma_wait3A_45] : memref<16384x384xf32, #tpu.memory_space<hbm>> -> memref<128x384xf32, #tpu.memory_space<hbm>>
      tpu.wait_dma2 semaphore(%run_scoped3A : memref<!tpu.dma_semaphore, #tpu.memory_space<semaphore_mem>>) src(%arg6 : memref<128x384xf32, #tpu.memory_space<vmem>>) dst(%dma_wait3A_46 : memref<128x384xf32, #tpu.memory_space<hbm>>)
      tpu.yield
    }) : () -> ()
    %mul3A_19 = arith.constant 512 : i32
    %mul3A_20 = arith.muli %add3A, %mul3A_19 : i32
    %add3A_21 = arith.constant 256 : i32
    %add3A_22 = arith.addi %mul3A_20, %add3A_21 : i32
    "tpu.region"() ({
      %run_scoped3A = tpu.sem_alloc : memref<!tpu.dma_semaphore, #tpu.memory_space<semaphore_mem>>
      %dma_start3A_39 = tpu.memref_slice %arg3[%add3A_22] : memref<16384xi32, #tpu.memory_space<hbm>> -> memref<128xi32, #tpu.memory_space<hbm>>
      %dma_start3A_40 = tpu.memref_slice %arg3[%add3A_22] : memref<16384xi32, #tpu.memory_space<hbm>> -> memref<128xi32, #tpu.memory_space<hbm>>
      tpu.enqueue_dma source(%dma_start3A_40 : memref<128xi32, #tpu.memory_space<hbm>>) target(%arg5 : memref<128xi32, #tpu.memory_space<vmem>>) target_semaphore(%run_scoped3A : memref<!tpu.dma_semaphore, #tpu.memory_space<semaphore_mem>>)
      %dma_wait3A_41 = tpu.memref_slice %arg3[%add3A_22] : memref<16384xi32, #tpu.memory_space<hbm>> -> memref<128xi32, #tpu.memory_space<hbm>>
      %dma_wait3A_42 = tpu.memref_slice %arg3[%add3A_22] : memref<16384xi32, #tpu.memory_space<hbm>> -> memref<128xi32, #tpu.memory_space<hbm>>
      tpu.wait_dma2 semaphore(%run_scoped3A : memref<!tpu.dma_semaphore, #tpu.memory_space<semaphore_mem>>) src(%dma_wait3A_42 : memref<128xi32, #tpu.memory_space<hbm>>) dst(%arg5 : memref<128xi32, #tpu.memory_space<vmem>>)
      tpu.yield
    }) : () -> ()
    %dma_start3A_23 = arith.constant 0 : i32
    %dma_start3A_24 = arith.constant 0 : i32
    %dma_start3A_25 = tpu.memref_slice %arg2[%dma_start3A_23, %dma_start3A_24] : memref<65536x384xf32, #tpu.memory_space<hbm>> -> memref<65536x384xf32, #tpu.memory_space<hbm>>
    tpu.enqueue_indirect_dma source(%dma_start3A_25 : memref<65536x384xf32, #tpu.memory_space<hbm>>) target(%arg6 : memref<128x384xf32, #tpu.memory_space<vmem>>) offsets(%arg5 : memref<128xi32, #tpu.memory_space<vmem>>) semaphore(%arg7 : memref<!tpu.dma_semaphore, #tpu.memory_space<semaphore_mem>>)
    %dma_wait3A_26 = arith.constant 0 : i32
    %dma_wait3A_27 = arith.constant 0 : i32
    %dma_wait3A_28 = tpu.memref_slice %arg2[%dma_wait3A_26, %dma_wait3A_27] : memref<65536x384xf32, #tpu.memory_space<hbm>> -> memref<65536x384xf32, #tpu.memory_space<hbm>>
    tpu.wait_indirect_dma semaphore(%arg7 : memref<!tpu.dma_semaphore, #tpu.memory_space<semaphore_mem>>) src(%dma_wait3A_28 : memref<65536x384xf32, #tpu.memory_space<hbm>>) dst(%arg6 : memref<128x384xf32, #tpu.memory_space<vmem>>)
    "tpu.region"() ({
      %run_scoped3A = tpu.sem_alloc : memref<!tpu.dma_semaphore, #tpu.memory_space<semaphore_mem>>
      %dma_start3A_39 = arith.constant 0 : i32
      %dma_start3A_40 = tpu.memref_slice %arg4[%add3A_22, %dma_start3A_39] : memref<16384x384xf32, #tpu.memory_space<hbm>> -> memref<128x384xf32, #tpu.memory_space<hbm>>
      %dma_start3A_41 = arith.constant 0 : i32
      %dma_start3A_42 = tpu.memref_slice %arg4[%add3A_22, %dma_start3A_41] : memref<16384x384xf32, #tpu.memory_space<hbm>> -> memref<128x384xf32, #tpu.memory_space<hbm>>
      tpu.enqueue_dma source(%arg6 : memref<128x384xf32, #tpu.memory_space<vmem>>) target(%dma_start3A_42 : memref<128x384xf32, #tpu.memory_space<hbm>>) target_semaphore(%run_scoped3A : memref<!tpu.dma_semaphore, #tpu.memory_space<semaphore_mem>>)
      %dma_wait3A_43 = arith.constant 0 : i32
      %dma_wait3A_44 = tpu.memref_slice %arg4[%add3A_22, %dma_wait3A_43] : memref<16384x384xf32, #tpu.memory_space<hbm>> -> memref<128x384xf32, #tpu.memory_space<hbm>>
      %dma_wait3A_45 = arith.constant 0 : i32
      %dma_wait3A_46 = tpu.memref_slice %arg4[%add3A_22, %dma_wait3A_45] : memref<16384x384xf32, #tpu.memory_space<hbm>> -> memref<128x384xf32, #tpu.memory_space<hbm>>
      tpu.wait_dma2 semaphore(%run_scoped3A : memref<!tpu.dma_semaphore, #tpu.memory_space<semaphore_mem>>) src(%arg6 : memref<128x384xf32, #tpu.memory_space<vmem>>) dst(%dma_wait3A_46 : memref<128x384xf32, #tpu.memory_space<hbm>>)
      tpu.yield
    }) : () -> ()
    %mul3A_29 = arith.constant 512 : i32
    %mul3A_30 = arith.muli %add3A, %mul3A_29 : i32
    %add3A_31 = arith.constant 384 : i32
    %add3A_32 = arith.addi %mul3A_30, %add3A_31 : i32
    "tpu.region"() ({
      %run_scoped3A = tpu.sem_alloc : memref<!tpu.dma_semaphore, #tpu.memory_space<semaphore_mem>>
      %dma_start3A_39 = tpu.memref_slice %arg3[%add3A_32] : memref<16384xi32, #tpu.memory_space<hbm>> -> memref<128xi32, #tpu.memory_space<hbm>>
      %dma_start3A_40 = tpu.memref_slice %arg3[%add3A_32] : memref<16384xi32, #tpu.memory_space<hbm>> -> memref<128xi32, #tpu.memory_space<hbm>>
      tpu.enqueue_dma source(%dma_start3A_40 : memref<128xi32, #tpu.memory_space<hbm>>) target(%arg5 : memref<128xi32, #tpu.memory_space<vmem>>) target_semaphore(%run_scoped3A : memref<!tpu.dma_semaphore, #tpu.memory_space<semaphore_mem>>)
      %dma_wait3A_41 = tpu.memref_slice %arg3[%add3A_32] : memref<16384xi32, #tpu.memory_space<hbm>> -> memref<128xi32, #tpu.memory_space<hbm>>
      %dma_wait3A_42 = tpu.memref_slice %arg3[%add3A_32] : memref<16384xi32, #tpu.memory_space<hbm>> -> memref<128xi32, #tpu.memory_space<hbm>>
      tpu.wait_dma2 semaphore(%run_scoped3A : memref<!tpu.dma_semaphore, #tpu.memory_space<semaphore_mem>>) src(%dma_wait3A_42 : memref<128xi32, #tpu.memory_space<hbm>>) dst(%arg5 : memref<128xi32, #tpu.memory_space<vmem>>)
      tpu.yield
    }) : () -> ()
    %dma_start3A_33 = arith.constant 0 : i32
    %dma_start3A_34 = arith.constant 0 : i32
    %dma_start3A_35 = tpu.memref_slice %arg2[%dma_start3A_33, %dma_start3A_34] : memref<65536x384xf32, #tpu.memory_space<hbm>> -> memref<65536x384xf32, #tpu.memory_space<hbm>>
    tpu.enqueue_indirect_dma source(%dma_start3A_35 : memref<65536x384xf32, #tpu.memory_space<hbm>>) target(%arg6 : memref<128x384xf32, #tpu.memory_space<vmem>>) offsets(%arg5 : memref<128xi32, #tpu.memory_space<vmem>>) semaphore(%arg7 : memref<!tpu.dma_semaphore, #tpu.memory_space<semaphore_mem>>)
    %dma_wait3A_36 = arith.constant 0 : i32
    %dma_wait3A_37 = arith.constant 0 : i32
    %dma_wait3A_38 = tpu.memref_slice %arg2[%dma_wait3A_36, %dma_wait3A_37] : memref<65536x384xf32, #tpu.memory_space<hbm>> -> memref<65536x384xf32, #tpu.memory_space<hbm>>
    tpu.wait_indirect_dma semaphore(%arg7 : memref<!tpu.dma_semaphore, #tpu.memory_space<semaphore_mem>>) src(%dma_wait3A_38 : memref<65536x384xf32, #tpu.memory_space<hbm>>) dst(%arg6 : memref<128x384xf32, #tpu.memory_space<vmem>>)
    "tpu.region"() ({
      %run_scoped3A = tpu.sem_alloc : memref<!tpu.dma_semaphore, #tpu.memory_space<semaphore_mem>>
      %dma_start3A_39 = arith.constant 0 : i32
      %dma_start3A_40 = tpu.memref_slice %arg4[%add3A_32, %dma_start3A_39] : memref<16384x384xf32, #tpu.memory_space<hbm>> -> memref<128x384xf32, #tpu.memory_space<hbm>>
      %dma_start3A_41 = arith.constant 0 : i32
      %dma_start3A_42 = tpu.memref_slice %arg4[%add3A_32, %dma_start3A_41] : memref<16384x384xf32, #tpu.memory_space<hbm>> -> memref<128x384xf32, #tpu.memory_space<hbm>>
      tpu.enqueue_dma source(%arg6 : memref<128x384xf32, #tpu.memory_space<vmem>>) target(%dma_start3A_42 : memref<128x384xf32, #tpu.memory_space<hbm>>) target_semaphore(%run_scoped3A : memref<!tpu.dma_semaphore, #tpu.memory_space<semaphore_mem>>)
      %dma_wait3A_43 = arith.constant 0 : i32
      %dma_wait3A_44 = tpu.memref_slice %arg4[%add3A_32, %dma_wait3A_43] : memref<16384x384xf32, #tpu.memory_space<hbm>> -> memref<128x384xf32, #tpu.memory_space<hbm>>
      %dma_wait3A_45 = arith.constant 0 : i32
      %dma_wait3A_46 = tpu.memref_slice %arg4[%add3A_32, %dma_wait3A_45] : memref<16384x384xf32, #tpu.memory_space<hbm>> -> memref<128x384xf32, #tpu.memory_space<hbm>>
      tpu.wait_dma2 semaphore(%run_scoped3A : memref<!tpu.dma_semaphore, #tpu.memory_space<semaphore_mem>>) src(%arg6 : memref<128x384xf32, #tpu.memory_space<vmem>>) dst(%dma_wait3A_46 : memref<128x384xf32, #tpu.memory_space<hbm>>)
      tpu.yield
    }) : () -> ()
    return
  }
}

module attributes {stable_mosaic.version = 14 : i64} {
  func.func @_dense_body(%arg0: i32, %arg1: memref<2048x384xf32, #tpu.memory_space<vmem>>, %arg2: memref<96x384xf32, #tpu.memory_space<vmem>>, %arg3: memref<1x96xf32, #tpu.memory_space<vmem>>, %arg4: memref<384x96xf32, #tpu.memory_space<vmem>>, %arg5: memref<1x384xf32, #tpu.memory_space<vmem>>, %arg6: memref<2048x384xf32, #tpu.memory_space<vmem>>) attributes {dimension_semantics = [#tpu.dimension_semantics<arbitrary>], iteration_bounds = array<i64: 8>, scalar_prefetch = 0 : i64, scratch_operands = 0 : i64, tpu.core_type = #tpu.core_type<tc>, window_params = [{transform_indices = @transform_0, window_bounds = array<i64: 2048, 384>}, {pipeline_mode = #tpu.pipeline_mode<synchronous>, transform_indices = @transform_1, window_bounds = array<i64: 96, 384>}, {pipeline_mode = #tpu.pipeline_mode<synchronous>, transform_indices = @transform_2, window_bounds = array<i64: 1, 96>}, {pipeline_mode = #tpu.pipeline_mode<synchronous>, transform_indices = @transform_3, window_bounds = array<i64: 384, 96>}, {pipeline_mode = #tpu.pipeline_mode<synchronous>, transform_indices = @transform_4, window_bounds = array<i64: 1, 384>}, {transform_indices = @transform_5, window_bounds = array<i64: 2048, 384>}]} {
    %get3A = arith.constant 0 : index
    %get3A_0 = arith.constant 0 : index
    %get3A_1 = vector.load %arg1[%get3A, %get3A_0] : memref<2048x384xf32, #tpu.memory_space<vmem>>, vector<2048x384xf32>
    %get3A_2 = arith.constant 0 : index
    %get3A_3 = arith.constant 0 : index
    %get3A_4 = vector.load %arg2[%get3A_2, %get3A_3] : memref<96x384xf32, #tpu.memory_space<vmem>>, vector<96x384xf32>
    %get3A_5 = arith.constant 0 : index
    %get3A_6 = arith.constant 0 : index
    %get3A_7 = vector.load %arg3[%get3A_5, %get3A_6] : memref<1x96xf32, #tpu.memory_space<vmem>>, vector<1x96xf32>
    %get3A_8 = arith.constant 0 : index
    %get3A_9 = arith.constant 0 : index
    %get3A_10 = vector.load %arg4[%get3A_8, %get3A_9] : memref<384x96xf32, #tpu.memory_space<vmem>>, vector<384x96xf32>
    %get3A_11 = arith.constant 0 : index
    %get3A_12 = arith.constant 0 : index
    %get3A_13 = vector.load %arg5[%get3A_11, %get3A_12] : memref<1x384xf32, #tpu.memory_space<vmem>>, vector<1x384xf32>
    %dot_general3A = arith.constant dense<0.000000e+00> : vector<2048x96xf32>
    %dot_general3A_14 = tpu.matmul %get3A_1, %get3A_4, %dot_general3A {dimension_numbers = #tpu.dot_dimension_numbers<[1], [1], [0], [0], [0, 0, 1, 0], [], []>, transpose_lhs_hint = false} : vector<2048x384xf32>, vector<96x384xf32>, vector<2048x96xf32> -> vector<2048x96xf32>
    %add3A = vector.broadcast %get3A_7 : vector<1x96xf32> to vector<2048x96xf32>
    %add3A_15 = arith.addf %dot_general3A_14, %add3A : vector<2048x96xf32>
    %iota3A = tpu.iota {dimensions = array<i32: 0>} : vector<2048x96xi32>
    %iota3A_16 = tpu.iota {dimensions = array<i32: 1>} : vector<2048x96xi32>
    %jit3A = arith.constant 4 : i32
    %eq3A = arith.constant 0 : i32
    %eq3A_17 = arith.cmpi eq, %jit3A, %eq3A : i32
    %jit3A_18 = arith.constant 1 : i32
    %select_n3A = arith.select %eq3A_17, %jit3A_18, %jit3A : i32
    %rem3A = vector.broadcast %select_n3A : i32 to vector<2048x96xi32>
    %rem3A_19 = arith.remsi %iota3A, %rem3A : vector<2048x96xi32>
    %ne3A = arith.constant 0 : i32
    %ne3A_20 = vector.broadcast %ne3A : i32 to vector<2048x96xi32>
    %ne3A_21 = arith.cmpi ne, %rem3A_19, %ne3A_20 : vector<2048x96xi32>
    %lt3A = arith.constant 0 : i32
    %lt3A_22 = vector.broadcast %lt3A : i32 to vector<2048x96xi32>
    %lt3A_23 = arith.cmpi slt, %rem3A_19, %lt3A_22 : vector<2048x96xi32>
    %lt3A_24 = arith.constant 0 : i32
    %lt3A_25 = arith.cmpi slt, %select_n3A, %lt3A_24 : i32
    %ne3A_26 = vector.broadcast %lt3A_25 : i1 to vector<2048x96xi1>
    %ne3A_27 = vector.broadcast %ne3A_26 : vector<2048x96xi1> to vector<2048x96xi1>
    %ne3A_28 = arith.xori %lt3A_23, %ne3A_27 : vector<2048x96xi1>
    %and3A = arith.andi %ne3A_28, %ne3A_21 : vector<2048x96xi1>
    %add3A_29 = vector.broadcast %select_n3A : i32 to vector<2048x96xi32>
    %add3A_30 = arith.addi %rem3A_19, %add3A_29 : vector<2048x96xi32>
    %select_n3A_31 = arith.select %and3A, %add3A_30, %rem3A_19 : vector<2048x96xi1>, vector<2048x96xi32>
    %jit3A_32 = arith.constant 4 : i32
    %div3A = vector.broadcast %jit3A_32 : i32 to vector<2048x96xi32>
    %div3A_33 = arith.divsi %iota3A, %div3A : vector<2048x96xi32>
    %sign3A = arith.constant 0 : i32
    %sign3A_34 = vector.broadcast %sign3A : i32 to vector<2048x96xi32>
    %sign3A_35 = arith.cmpi sgt, %iota3A, %sign3A_34 : vector<2048x96xi32>
    %sign3A_36 = arith.extui %sign3A_35 : vector<2048x96xi1> to vector<2048x96xi32>
    %sign3A_37 = arith.constant 0 : i32
    %sign3A_38 = vector.broadcast %sign3A_37 : i32 to vector<2048x96xi32>
    %sign3A_39 = arith.cmpi slt, %iota3A, %sign3A_38 : vector<2048x96xi32>
    %sign3A_40 = arith.extui %sign3A_39 : vector<2048x96xi1> to vector<2048x96xi32>
    %sign3A_41 = arith.subi %sign3A_36, %sign3A_40 : vector<2048x96xi32>
    %sign3A_42 = arith.constant 0 : i32
    %sign3A_43 = arith.cmpi sgt, %jit3A_32, %sign3A_42 : i32
    %sign3A_44 = arith.extui %sign3A_43 : i1 to i32
    %sign3A_45 = arith.constant 0 : i32
    %sign3A_46 = arith.cmpi slt, %jit3A_32, %sign3A_45 : i32
    %sign3A_47 = arith.extui %sign3A_46 : i1 to i32
    %sign3A_48 = arith.subi %sign3A_44, %sign3A_47 : i32
    %ne3A_49 = vector.broadcast %sign3A_48 : i32 to vector<2048x96xi32>
    %ne3A_50 = arith.cmpi ne, %sign3A_41, %ne3A_49 : vector<2048x96xi32>
    %rem3A_51 = vector.broadcast %jit3A_32 : i32 to vector<2048x96xi32>
    %rem3A_52 = arith.remsi %iota3A, %rem3A_51 : vector<2048x96xi32>
    %ne3A_53 = arith.constant 0 : i32
    %ne3A_54 = vector.broadcast %ne3A_53 : i32 to vector<2048x96xi32>
    %ne3A_55 = arith.cmpi ne, %rem3A_52, %ne3A_54 : vector<2048x96xi32>
    %and3A_56 = arith.andi %ne3A_50, %ne3A_55 : vector<2048x96xi1>
    %sub3A = arith.constant 1 : i32
    %sub3A_57 = vector.broadcast %sub3A : i32 to vector<2048x96xi32>
    %sub3A_58 = arith.subi %div3A_33, %sub3A_57 : vector<2048x96xi32>
    %select_n3A_59 = arith.select %and3A_56, %sub3A_58, %div3A_33 : vector<2048x96xi1>, vector<2048x96xi32>
    %jit3A_60 = arith.constant 4 : i32
    %eq3A_61 = arith.constant 0 : i32
    %eq3A_62 = arith.cmpi eq, %jit3A_60, %eq3A_61 : i32
    %jit3A_63 = arith.constant 1 : i32
    %select_n3A_64 = arith.select %eq3A_62, %jit3A_63, %jit3A_60 : i32
    %rem3A_65 = vector.broadcast %select_n3A_64 : i32 to vector<2048x96xi32>
    %rem3A_66 = arith.remsi %select_n3A_59, %rem3A_65 : vector<2048x96xi32>
    %ne3A_67 = arith.constant 0 : i32
    %ne3A_68 = vector.broadcast %ne3A_67 : i32 to vector<2048x96xi32>
    %ne3A_69 = arith.cmpi ne, %rem3A_66, %ne3A_68 : vector<2048x96xi32>
    %lt3A_70 = arith.constant 0 : i32
    %lt3A_71 = vector.broadcast %lt3A_70 : i32 to vector<2048x96xi32>
    %lt3A_72 = arith.cmpi slt, %rem3A_66, %lt3A_71 : vector<2048x96xi32>
    %lt3A_73 = arith.constant 0 : i32
    %lt3A_74 = arith.cmpi slt, %select_n3A_64, %lt3A_73 : i32
    %ne3A_75 = vector.broadcast %lt3A_74 : i1 to vector<2048x96xi1>
    %ne3A_76 = vector.broadcast %ne3A_75 : vector<2048x96xi1> to vector<2048x96xi1>
    %ne3A_77 = arith.xori %lt3A_72, %ne3A_76 : vector<2048x96xi1>
    %and3A_78 = arith.andi %ne3A_77, %ne3A_69 : vector<2048x96xi1>
    %add3A_79 = vector.broadcast %select_n3A_64 : i32 to vector<2048x96xi32>
    %add3A_80 = arith.addi %rem3A_66, %add3A_79 : vector<2048x96xi32>
    %select_n3A_81 = arith.select %and3A_78, %add3A_80, %rem3A_66 : vector<2048x96xi1>, vector<2048x96xi32>
    %broadcast_in_dim3A = arith.constant 0.000000e+00 : f32
    %broadcast_in_dim3A_82 = vector.broadcast %broadcast_in_dim3A : f32 to vector<1x96xf32>
    %broadcast_in_dim3A_83 = arith.constant 0.000000e+00 : f32
    %broadcast_in_dim3A_84 = vector.broadcast %broadcast_in_dim3A_83 : f32 to vector<4x96xf32>
    %slice3A = vector.extract_strided_slice %add3A_15 {offsets = [1, 0], sizes = [2047, 96], strides = [1, 1]} : vector<2048x96xf32> to vector<2047x96xf32>
    %concatenate3A = tpu.concatenate %slice3A, %broadcast_in_dim3A_82 in 0 : vector<2047x96xf32>, vector<1x96xf32> -> vector<2048x96xf32>
    %slice3A_85 = vector.extract_strided_slice %add3A_15 {offsets = [0, 0], sizes = [2047, 96], strides = [1, 1]} : vector<2048x96xf32> to vector<2047x96xf32>
    %concatenate3A_86 = tpu.concatenate %broadcast_in_dim3A_82, %slice3A_85 in 0 : vector<1x96xf32>, vector<2047x96xf32> -> vector<2048x96xf32>
    %slice3A_87 = vector.extract_strided_slice %add3A_15 {offsets = [4, 0], sizes = [2044, 96], strides = [1, 1]} : vector<2048x96xf32> to vector<2044x96xf32>
    %concatenate3A_88 = tpu.concatenate %slice3A_87, %broadcast_in_dim3A_84 in 0 : vector<2044x96xf32>, vector<4x96xf32> -> vector<2048x96xf32>
    %slice3A_89 = vector.extract_strided_slice %add3A_15 {offsets = [0, 0], sizes = [2044, 96], strides = [1, 1]} : vector<2048x96xf32> to vector<2044x96xf32>
    %concatenate3A_90 = tpu.concatenate %broadcast_in_dim3A_84, %slice3A_89 in 0 : vector<4x96xf32>, vector<2044x96xf32> -> vector<2048x96xf32>
    %lt3A_91 = arith.constant 3 : i32
    %lt3A_92 = vector.broadcast %lt3A_91 : i32 to vector<2048x96xi32>
    %lt3A_93 = arith.cmpi slt, %select_n3A_31, %lt3A_92 : vector<2048x96xi32>
    %jit3A_94 = arith.constant 0.000000e+00 : f32
    %broadcast_in_dim3A_95 = vector.broadcast %jit3A_94 : f32 to vector<2048x96xf32>
    %select_n3A_96 = arith.select %lt3A_93, %concatenate3A, %broadcast_in_dim3A_95 : vector<2048x96xi1>, vector<2048x96xf32>
    %gt3A = arith.constant 0 : i32
    %gt3A_97 = vector.broadcast %gt3A : i32 to vector<2048x96xi32>
    %gt3A_98 = arith.cmpi sgt, %select_n3A_31, %gt3A_97 : vector<2048x96xi32>
    %jit3A_99 = arith.constant 0.000000e+00 : f32
    %broadcast_in_dim3A_100 = vector.broadcast %jit3A_99 : f32 to vector<2048x96xf32>
    %select_n3A_101 = arith.select %gt3A_98, %concatenate3A_86, %broadcast_in_dim3A_100 : vector<2048x96xi1>, vector<2048x96xf32>
    %lt3A_102 = arith.constant 3 : i32
    %lt3A_103 = vector.broadcast %lt3A_102 : i32 to vector<2048x96xi32>
    %lt3A_104 = arith.cmpi slt, %select_n3A_81, %lt3A_103 : vector<2048x96xi32>
    %jit3A_105 = arith.constant 0.000000e+00 : f32
    %broadcast_in_dim3A_106 = vector.broadcast %jit3A_105 : f32 to vector<2048x96xf32>
    %select_n3A_107 = arith.select %lt3A_104, %concatenate3A_88, %broadcast_in_dim3A_106 : vector<2048x96xi1>, vector<2048x96xf32>
    %gt3A_108 = arith.constant 0 : i32
    %gt3A_109 = vector.broadcast %gt3A_108 : i32 to vector<2048x96xi32>
    %gt3A_110 = arith.cmpi sgt, %select_n3A_81, %gt3A_109 : vector<2048x96xi32>
    %jit3A_111 = arith.constant 0.000000e+00 : f32
    %broadcast_in_dim3A_112 = vector.broadcast %jit3A_111 : f32 to vector<2048x96xf32>
    %select_n3A_113 = arith.select %gt3A_110, %concatenate3A_90, %broadcast_in_dim3A_112 : vector<2048x96xi1>, vector<2048x96xf32>
    %lt3A_114 = arith.constant 24 : i32
    %lt3A_115 = vector.broadcast %lt3A_114 : i32 to vector<2048x96xi32>
    %lt3A_116 = arith.cmpi slt, %iota3A_16, %lt3A_115 : vector<2048x96xi32>
    %lt3A_117 = arith.constant 48 : i32
    %lt3A_118 = vector.broadcast %lt3A_117 : i32 to vector<2048x96xi32>
    %lt3A_119 = arith.cmpi slt, %iota3A_16, %lt3A_118 : vector<2048x96xi32>
    %lt3A_120 = arith.constant 72 : i32
    %lt3A_121 = vector.broadcast %lt3A_120 : i32 to vector<2048x96xi32>
    %lt3A_122 = arith.cmpi slt, %iota3A_16, %lt3A_121 : vector<2048x96xi32>
    %select_n3A_123 = arith.select %lt3A_122, %select_n3A_107, %select_n3A_113 : vector<2048x96xi1>, vector<2048x96xf32>
    %select_n3A_124 = arith.select %lt3A_119, %select_n3A_101, %select_n3A_123 : vector<2048x96xi1>, vector<2048x96xf32>
    %select_n3A_125 = arith.select %lt3A_116, %select_n3A_96, %select_n3A_124 : vector<2048x96xi1>, vector<2048x96xf32>
    %dot_general3A_126 = arith.constant dense<0.000000e+00> : vector<2048x384xf32>
    %dot_general3A_127 = tpu.matmul %select_n3A_125, %get3A_10, %dot_general3A_126 {dimension_numbers = #tpu.dot_dimension_numbers<[1], [1], [0], [0], [0, 0, 1, 0], [], []>, transpose_lhs_hint = false} : vector<2048x96xf32>, vector<384x96xf32>, vector<2048x384xf32> -> vector<2048x384xf32>
    %add3A_128 = arith.addf %get3A_1, %dot_general3A_127 : vector<2048x384xf32>
    %add3A_129 = vector.broadcast %get3A_13 : vector<1x384xf32> to vector<2048x384xf32>
    %add3A_130 = arith.addf %add3A_128, %add3A_129 : vector<2048x384xf32>
    %swap3A = arith.constant 0 : index
    %swap3A_131 = arith.constant 0 : index
    %swap3A_132 = vector.load %arg6[%swap3A, %swap3A_131] : memref<2048x384xf32, #tpu.memory_space<vmem>>, vector<2048x384xf32>
    tpu.vector_store %arg6[%swap3A, %swap3A_131], %add3A_130 {strides = array<i32>} : memref<2048x384xf32, #tpu.memory_space<vmem>>, vector<2048x384xf32>,
    return
  }
  func.func @transform_0(%arg0: i32) -> (i32, i32) {
    %c0_i32 = arith.constant 0 : i32
    %c0_i32_0 = arith.constant 0 : i32
    return %arg0, %c0_i32 : i32, i32
  }
  func.func @transform_1(%arg0: i32) -> (i32, i32) {
    %c0_i32 = arith.constant 0 : i32
    %c0_i32_0 = arith.constant 0 : i32
    %c0_i32_1 = arith.constant 0 : i32
    return %c0_i32, %c0_i32_0 : i32, i32
  }
  func.func @transform_2(%arg0: i32) -> (i32, i32) {
    %c0_i32 = arith.constant 0 : i32
    %c0_i32_0 = arith.constant 0 : i32
    %c0_i32_1 = arith.constant 0 : i32
    return %c0_i32, %c0_i32_0 : i32, i32
  }
  func.func @transform_3(%arg0: i32) -> (i32, i32) {
    %c0_i32 = arith.constant 0 : i32
    %c0_i32_0 = arith.constant 0 : i32
    %c0_i32_1 = arith.constant 0 : i32
    return %c0_i32, %c0_i32_0 : i32, i32
  }
  func.func @transform_4(%arg0: i32) -> (i32, i32) {
    %c0_i32 = arith.constant 0 : i32
    %c0_i32_0 = arith.constant 0 : i32
    %c0_i32_1 = arith.constant 0 : i32
    return %c0_i32, %c0_i32_0 : i32, i32
  }
  func.func @transform_5(%arg0: i32) -> (i32, i32) {
    %c0_i32 = arith.constant 0 : i32
    %c0_i32_0 = arith.constant 0 : i32
    return %arg0, %c0_i32 : i32, i32
  }
}

module attributes {stable_mosaic.version = 14 : i64} {
  func.func @_select_body(%arg0: i32, %arg1: memref<8x64x384xf32, #tpu.memory_space<vmem>>, %arg2: memref<8x1024x384xf32, #tpu.memory_space<vmem>>, %arg3: memref<8x256xi32, #tpu.memory_space<vmem>>) attributes {dimension_semantics = [#tpu.dimension_semantics<arbitrary>], iteration_bounds = array<i64: 8>, scalar_prefetch = 0 : i64, scratch_operands = 0 : i64, tpu.core_type = #tpu.core_type<tc>, window_params = [{transform_indices = @transform_0, window_bounds = array<i64: 8, 64, 384>}, {transform_indices = @transform_1, window_bounds = array<i64: 8, 1024, 384>}, {transform_indices = @transform_2, window_bounds = array<i64: 8, 256>}]} {
    %iota3A = tpu.iota {dimensions = array<i32: 1>} : vector<64x1024xi32>
    %iota3A_0 = tpu.iota {dimensions = array<i32: 0>} : vector<64x1024xi32>
    %jit3A = arith.constant 128 : i32
    %div3A = vector.broadcast %jit3A : i32 to vector<64x1024xi32>
    %div3A_1 = arith.divsi %iota3A, %div3A : vector<64x1024xi32>
    %sign3A = arith.constant 0 : i32
    %sign3A_2 = vector.broadcast %sign3A : i32 to vector<64x1024xi32>
    %sign3A_3 = arith.cmpi sgt, %iota3A, %sign3A_2 : vector<64x1024xi32>
    %sign3A_4 = arith.extui %sign3A_3 : vector<64x1024xi1> to vector<64x1024xi32>
    %sign3A_5 = arith.constant 0 : i32
    %sign3A_6 = vector.broadcast %sign3A_5 : i32 to vector<64x1024xi32>
    %sign3A_7 = arith.cmpi slt, %iota3A, %sign3A_6 : vector<64x1024xi32>
    %sign3A_8 = arith.extui %sign3A_7 : vector<64x1024xi1> to vector<64x1024xi32>
    %sign3A_9 = arith.subi %sign3A_4, %sign3A_8 : vector<64x1024xi32>
    %sign3A_10 = arith.constant 0 : i32
    %sign3A_11 = arith.cmpi sgt, %jit3A, %sign3A_10 : i32
    %sign3A_12 = arith.extui %sign3A_11 : i1 to i32
    %sign3A_13 = arith.constant 0 : i32
    %sign3A_14 = arith.cmpi slt, %jit3A, %sign3A_13 : i32
    %sign3A_15 = arith.extui %sign3A_14 : i1 to i32
    %sign3A_16 = arith.subi %sign3A_12, %sign3A_15 : i32
    %ne3A = vector.broadcast %sign3A_16 : i32 to vector<64x1024xi32>
    %ne3A_17 = arith.cmpi ne, %sign3A_9, %ne3A : vector<64x1024xi32>
    %rem3A = vector.broadcast %jit3A : i32 to vector<64x1024xi32>
    %rem3A_18 = arith.remsi %iota3A, %rem3A : vector<64x1024xi32>
    %ne3A_19 = arith.constant 0 : i32
    %ne3A_20 = vector.broadcast %ne3A_19 : i32 to vector<64x1024xi32>
    %ne3A_21 = arith.cmpi ne, %rem3A_18, %ne3A_20 : vector<64x1024xi32>
    %and3A = arith.andi %ne3A_17, %ne3A_21 : vector<64x1024xi1>
    %sub3A = arith.constant 1 : i32
    %sub3A_22 = vector.broadcast %sub3A : i32 to vector<64x1024xi32>
    %sub3A_23 = arith.subi %div3A_1, %sub3A_22 : vector<64x1024xi32>
    %select_n3A = arith.select %and3A, %sub3A_23, %div3A_1 : vector<64x1024xi1>, vector<64x1024xi32>
    %jit3A_24 = arith.constant 8 : i32
    %div3A_25 = vector.broadcast %jit3A_24 : i32 to vector<64x1024xi32>
    %div3A_26 = arith.divsi %iota3A_0, %div3A_25 : vector<64x1024xi32>
    %sign3A_27 = arith.constant 0 : i32
    %sign3A_28 = vector.broadcast %sign3A_27 : i32 to vector<64x1024xi32>
    %sign3A_29 = arith.cmpi sgt, %iota3A_0, %sign3A_28 : vector<64x1024xi32>
    %sign3A_30 = arith.extui %sign3A_29 : vector<64x1024xi1> to vector<64x1024xi32>
    %sign3A_31 = arith.constant 0 : i32
    %sign3A_32 = vector.broadcast %sign3A_31 : i32 to vector<64x1024xi32>
    %sign3A_33 = arith.cmpi slt, %iota3A_0, %sign3A_32 : vector<64x1024xi32>
    %sign3A_34 = arith.extui %sign3A_33 : vector<64x1024xi1> to vector<64x1024xi32>
    %sign3A_35 = arith.subi %sign3A_30, %sign3A_34 : vector<64x1024xi32>
    %sign3A_36 = arith.constant 0 : i32
    %sign3A_37 = arith.cmpi sgt, %jit3A_24, %sign3A_36 : i32
    %sign3A_38 = arith.extui %sign3A_37 : i1 to i32
    %sign3A_39 = arith.constant 0 : i32
    %sign3A_40 = arith.cmpi slt, %jit3A_24, %sign3A_39 : i32
    %sign3A_41 = arith.extui %sign3A_40 : i1 to i32
    %sign3A_42 = arith.subi %sign3A_38, %sign3A_41 : i32
    %ne3A_43 = vector.broadcast %sign3A_42 : i32 to vector<64x1024xi32>
    %ne3A_44 = arith.cmpi ne, %sign3A_35, %ne3A_43 : vector<64x1024xi32>
    %rem3A_45 = vector.broadcast %jit3A_24 : i32 to vector<64x1024xi32>
    %rem3A_46 = arith.remsi %iota3A_0, %rem3A_45 : vector<64x1024xi32>
    %ne3A_47 = arith.constant 0 : i32
    %ne3A_48 = vector.broadcast %ne3A_47 : i32 to vector<64x1024xi32>
    %ne3A_49 = arith.cmpi ne, %rem3A_46, %ne3A_48 : vector<64x1024xi32>
    %and3A_50 = arith.andi %ne3A_44, %ne3A_49 : vector<64x1024xi1>
    %sub3A_51 = arith.constant 1 : i32
    %sub3A_52 = vector.broadcast %sub3A_51 : i32 to vector<64x1024xi32>
    %sub3A_53 = arith.subi %div3A_26, %sub3A_52 : vector<64x1024xi32>
    %select_n3A_54 = arith.select %and3A_50, %sub3A_53, %div3A_26 : vector<64x1024xi1>, vector<64x1024xi32>
    %eq3A = arith.cmpi eq, %select_n3A, %select_n3A_54 : vector<64x1024xi32>
    %jit3A_55 = arith.constant 32 : i32
    %eq3A_56 = arith.constant 0 : i32
    %eq3A_57 = arith.cmpi eq, %jit3A_55, %eq3A_56 : i32
    %jit3A_58 = arith.constant 1 : i32
    %select_n3A_59 = arith.select %eq3A_57, %jit3A_58, %jit3A_55 : i32
    %rem3A_60 = vector.broadcast %select_n3A_59 : i32 to vector<64x1024xi32>
    %rem3A_61 = arith.remsi %iota3A, %rem3A_60 : vector<64x1024xi32>
    %ne3A_62 = arith.constant 0 : i32
    %ne3A_63 = vector.broadcast %ne3A_62 : i32 to vector<64x1024xi32>
    %ne3A_64 = arith.cmpi ne, %rem3A_61, %ne3A_63 : vector<64x1024xi32>
    %lt3A = arith.constant 0 : i32
    %lt3A_65 = vector.broadcast %lt3A : i32 to vector<64x1024xi32>
    %lt3A_66 = arith.cmpi slt, %rem3A_61, %lt3A_65 : vector<64x1024xi32>
    %lt3A_67 = arith.constant 0 : i32
    %lt3A_68 = arith.cmpi slt, %select_n3A_59, %lt3A_67 : i32
    %ne3A_69 = vector.broadcast %lt3A_68 : i1 to vector<64x1024xi1>
    %ne3A_70 = vector.broadcast %ne3A_69 : vector<64x1024xi1> to vector<64x1024xi1>
    %ne3A_71 = arith.xori %lt3A_66, %ne3A_70 : vector<64x1024xi1>
    %and3A_72 = arith.andi %ne3A_71, %ne3A_64 : vector<64x1024xi1>
    %add3A = vector.broadcast %select_n3A_59 : i32 to vector<64x1024xi32>
    %add3A_73 = arith.addi %rem3A_61, %add3A : vector<64x1024xi32>
    %select_n3A_74 = arith.select %and3A_72, %add3A_73, %rem3A_61 : vector<64x1024xi1>, vector<64x1024xi32>
    %jit3A_75 = arith.constant 4 : i32
    %div3A_76 = vector.broadcast %jit3A_75 : i32 to vector<64x1024xi32>
    %div3A_77 = arith.divsi %select_n3A_74, %div3A_76 : vector<64x1024xi32>
    %sign3A_78 = arith.constant 0 : i32
    %sign3A_79 = vector.broadcast %sign3A_78 : i32 to vector<64x1024xi32>
    %sign3A_80 = arith.cmpi sgt, %select_n3A_74, %sign3A_79 : vector<64x1024xi32>
    %sign3A_81 = arith.extui %sign3A_80 : vector<64x1024xi1> to vector<64x1024xi32>
    %sign3A_82 = arith.constant 0 : i32
    %sign3A_83 = vector.broadcast %sign3A_82 : i32 to vector<64x1024xi32>
    %sign3A_84 = arith.cmpi slt, %select_n3A_74, %sign3A_83 : vector<64x1024xi32>
    %sign3A_85 = arith.extui %sign3A_84 : vector<64x1024xi1> to vector<64x1024xi32>
    %sign3A_86 = arith.subi %sign3A_81, %sign3A_85 : vector<64x1024xi32>
    %sign3A_87 = arith.constant 0 : i32
    %sign3A_88 = arith.cmpi sgt, %jit3A_75, %sign3A_87 : i32
    %sign3A_89 = arith.extui %sign3A_88 : i1 to i32
    %sign3A_90 = arith.constant 0 : i32
    %sign3A_91 = arith.cmpi slt, %jit3A_75, %sign3A_90 : i32
    %sign3A_92 = arith.extui %sign3A_91 : i1 to i32
    %sign3A_93 = arith.subi %sign3A_89, %sign3A_92 : i32
    %ne3A_94 = vector.broadcast %sign3A_93 : i32 to vector<64x1024xi32>
    %ne3A_95 = arith.cmpi ne, %sign3A_86, %ne3A_94 : vector<64x1024xi32>
    %rem3A_96 = vector.broadcast %jit3A_75 : i32 to vector<64x1024xi32>
    %rem3A_97 = arith.remsi %select_n3A_74, %rem3A_96 : vector<64x1024xi32>
    %ne3A_98 = arith.constant 0 : i32
    %ne3A_99 = vector.broadcast %ne3A_98 : i32 to vector<64x1024xi32>
    %ne3A_100 = arith.cmpi ne, %rem3A_97, %ne3A_99 : vector<64x1024xi32>
    %and3A_101 = arith.andi %ne3A_95, %ne3A_100 : vector<64x1024xi1>
    %sub3A_102 = arith.constant 1 : i32
    %sub3A_103 = vector.broadcast %sub3A_102 : i32 to vector<64x1024xi32>
    %sub3A_104 = arith.subi %div3A_77, %sub3A_103 : vector<64x1024xi32>
    %select_n3A_105 = arith.select %and3A_101, %sub3A_104, %div3A_77 : vector<64x1024xi1>, vector<64x1024xi32>
    %jit3A_106 = arith.constant 8 : i32
    %eq3A_107 = arith.constant 0 : i32
    %eq3A_108 = arith.cmpi eq, %jit3A_106, %eq3A_107 : i32
    %jit3A_109 = arith.constant 1 : i32
    %select_n3A_110 = arith.select %eq3A_108, %jit3A_109, %jit3A_106 : i32
    %rem3A_111 = vector.broadcast %select_n3A_110 : i32 to vector<64x1024xi32>
    %rem3A_112 = arith.remsi %iota3A_0, %rem3A_111 : vector<64x1024xi32>
    %ne3A_113 = arith.constant 0 : i32
    %ne3A_114 = vector.broadcast %ne3A_113 : i32 to vector<64x1024xi32>
    %ne3A_115 = arith.cmpi ne, %rem3A_112, %ne3A_114 : vector<64x1024xi32>
    %lt3A_116 = arith.constant 0 : i32
    %lt3A_117 = vector.broadcast %lt3A_116 : i32 to vector<64x1024xi32>
    %lt3A_118 = arith.cmpi slt, %rem3A_112, %lt3A_117 : vector<64x1024xi32>
    %lt3A_119 = arith.constant 0 : i32
    %lt3A_120 = arith.cmpi slt, %select_n3A_110, %lt3A_119 : i32
    %ne3A_121 = vector.broadcast %lt3A_120 : i1 to vector<64x1024xi1>
    %ne3A_122 = vector.broadcast %ne3A_121 : vector<64x1024xi1> to vector<64x1024xi1>
    %ne3A_123 = arith.xori %lt3A_118, %ne3A_122 : vector<64x1024xi1>
    %and3A_124 = arith.andi %ne3A_123, %ne3A_115 : vector<64x1024xi1>
    %add3A_125 = vector.broadcast %select_n3A_110 : i32 to vector<64x1024xi32>
    %add3A_126 = arith.addi %rem3A_112, %add3A_125 : vector<64x1024xi32>
    %select_n3A_127 = arith.select %and3A_124, %add3A_126, %rem3A_112 : vector<64x1024xi1>, vector<64x1024xi32>
    %eq3A_128 = arith.cmpi eq, %select_n3A_105, %select_n3A_127 : vector<64x1024xi32>
    %and3A_129 = arith.andi %eq3A, %eq3A_128 : vector<64x1024xi1>
    %convert_element_type3A = arith.extui %and3A_129 : vector<64x1024xi1> to vector<64x1024xi32>
    %convert_element_type3A_130 = arith.sitofp %convert_element_type3A : vector<64x1024xi32> to vector<64x1024xf32>
    %iota3A_131 = tpu.iota {dimensions = array<i32: 0>} : vector<64x64xi32>
    %iota3A_132 = tpu.iota {dimensions = array<i32: 1>} : vector<64x64xi32>
    %eq3A_133 = arith.cmpi eq, %iota3A_131, %iota3A_132 : vector<64x64xi32>
    %convert_element_type3A_134 = arith.extui %eq3A_133 : vector<64x64xi1> to vector<64x64xi32>
    %convert_element_type3A_135 = arith.sitofp %convert_element_type3A_134 : vector<64x64xi32> to vector<64x64xf32>
    %iota3A_136 = tpu.iota {dimensions = array<i32: 0>} : vector<64x64xi32>
    %iota3A_137 = tpu.iota {dimensions = array<i32: 1>} : vector<64x64xi32>
    %iota3A_138 = tpu.iota {dimensions = array<i32: 1>} : vector<1x64xi32>
    %convert_element_type3A_139 = arith.sitofp %iota3A_138 : vector<1x64xi32> to vector<1x64xf32>
    %iota3A_140 = tpu.iota {dimensions = array<i32: 1>} : vector<64x256xi32>
    %iota3A_141 = tpu.iota {dimensions = array<i32: 1>} : vector<1x256xi32>
    %get3A = arith.constant 0 : index
    %get3A_142 = arith.constant 0 : index
    %get3A_143 = arith.constant 0 : index
    %get3A_144 = vector.load %arg1[%get3A, %get3A_142, %get3A_143] : memref<8x64x384xf32, #tpu.memory_space<vmem>>, vector<1x64x384xf32>
    %get3A_145 = vector.shape_cast %get3A_144 : vector<1x64x384xf32> to vector<64x384xf32>
    %reduce_max3A = arith.constant dense<0xFF800000> : vector<384xf32>
    %reduce_max3A_146 = vector.multi_reduction <maximumf>, %get3A_145, %reduce_max3A [0] : vector<64x384xf32> to vector<384xf32>
    %broadcast_in_dim3A = vector.shape_cast %reduce_max3A_146 : vector<384xf32> to vector<1x384xf32>
    %get3A_147 = arith.constant 0 : index
    %get3A_148 = arith.constant 0 : index
    %get3A_149 = arith.constant 0 : index
    %get3A_150 = vector.load %arg2[%get3A_147, %get3A_148, %get3A_149] : memref<8x1024x384xf32, #tpu.memory_space<vmem>>, vector<1x1024x384xf32>
    %get3A_151 = vector.shape_cast %get3A_150 : vector<1x1024x384xf32> to vector<1024x384xf32>
    %dot_general3A = arith.constant dense<0.000000e+00> : vector<1x1024xf32>
    %dot_general3A_152 = tpu.matmul %broadcast_in_dim3A, %get3A_151, %dot_general3A {dimension_numbers = #tpu.dot_dimension_numbers<[1], [1], [0], [0], [0, 0, 1, 0], [], []>, transpose_lhs_hint = false} : vector<1x384xf32>, vector<1024x384xf32>, vector<1x1024xf32> -> vector<1x1024xf32>
    %dot_general3A_153 = arith.constant dense<0.000000e+00> : vector<1x64xf32>
    %dot_general3A_154 = tpu.matmul %dot_general3A_152, %convert_element_type3A_130, %dot_general3A_153 {dimension_numbers = #tpu.dot_dimension_numbers<[1], [1], [0], [0], [0, 0, 1, 0], [], []>, precision = #tpu.contract_precision<fp32>, transpose_lhs_hint = false} : vector<1x1024xf32>, vector<64x1024xf32>, vector<1x64xf32> -> vector<1x64xf32>
    %dot_general3A_155 = arith.constant dense<0.000000e+00> : vector<64x1xf32>
    %dot_general3A_156 = tpu.matmul %convert_element_type3A_135, %dot_general3A_154, %dot_general3A_155 {dimension_numbers = #tpu.dot_dimension_numbers<[1], [1], [0], [0], [0, 0, 1, 0], [], []>, precision = #tpu.contract_precision<fp32>, transpose_lhs_hint = false} : vector<64x64xf32>, vector<1x64xf32>, vector<64x1xf32> -> vector<64x1xf32>
    %broadcast_in_dim3A_157 = vector.shape_cast %dot_general3A_154 : vector<1x64xf32> to vector<1x64xf32>
    %broadcast_in_dim3A_158 = vector.broadcast %broadcast_in_dim3A_157 : vector<1x64xf32> to vector<64x64xf32>
    %broadcast_in_dim3A_159 = vector.shape_cast %dot_general3A_156 : vector<64x1xf32> to vector<64x1xf32>
    %broadcast_in_dim3A_160 = vector.broadcast %broadcast_in_dim3A_159 : vector<64x1xf32> to vector<64x64xf32>
    %gt3A = arith.cmpf ogt, %broadcast_in_dim3A_158, %broadcast_in_dim3A_160 : vector<64x64xf32>
    %eq3A_161 = arith.cmpf oeq, %broadcast_in_dim3A_158, %broadcast_in_dim3A_160 : vector<64x64xf32>
    %lt3A_162 = arith.cmpi slt, %iota3A_137, %iota3A_136 : vector<64x64xi32>
    %and3A_163 = arith.andi %eq3A_161, %lt3A_162 : vector<64x64xi1>
    %or3A = arith.ori %gt3A, %and3A_163 : vector<64x64xi1>
    %convert_element_type3A_164 = arith.extui %or3A : vector<64x64xi1> to vector<64x64xi32>
    %reduce_sum3A = arith.constant dense<0> : vector<64xi32>
    %reduce_sum3A_165 = vector.multi_reduction <add>, %convert_element_type3A_164, %reduce_sum3A [1] : vector<64x64xi32> to vector<64xi32>
    %broadcast_in_dim3A_166 = vector.shape_cast %reduce_sum3A_165 : vector<64xi32> to vector<64x1xi32>
    %broadcast_in_dim3A_167 = vector.shape_cast %broadcast_in_dim3A_166 : vector<64x1xi32> to vector<64x1xi32>
    %broadcast_in_dim3A_168 = vector.broadcast %broadcast_in_dim3A_167 : vector<64x1xi32> to vector<64x256xi32>
    %jit3A_169 = arith.constant 16 : i32
    %div3A_170 = vector.broadcast %jit3A_169 : i32 to vector<64x256xi32>
    %div3A_171 = arith.divsi %iota3A_140, %div3A_170 : vector<64x256xi32>
    %sign3A_172 = arith.constant 0 : i32
    %sign3A_173 = vector.broadcast %sign3A_172 : i32 to vector<64x256xi32>
    %sign3A_174 = arith.cmpi sgt, %iota3A_140, %sign3A_173 : vector<64x256xi32>
    %sign3A_175 = arith.extui %sign3A_174 : vector<64x256xi1> to vector<64x256xi32>
    %sign3A_176 = arith.constant 0 : i32
    %sign3A_177 = vector.broadcast %sign3A_176 : i32 to vector<64x256xi32>
    %sign3A_178 = arith.cmpi slt, %iota3A_140, %sign3A_177 : vector<64x256xi32>
    %sign3A_179 = arith.extui %sign3A_178 : vector<64x256xi1> to vector<64x256xi32>
    %sign3A_180 = arith.subi %sign3A_175, %sign3A_179 : vector<64x256xi32>
    %sign3A_181 = arith.constant 0 : i32
    %sign3A_182 = arith.cmpi sgt, %jit3A_169, %sign3A_181 : i32
    %sign3A_183 = arith.extui %sign3A_182 : i1 to i32
    %sign3A_184 = arith.constant 0 : i32
    %sign3A_185 = arith.cmpi slt, %jit3A_169, %sign3A_184 : i32
    %sign3A_186 = arith.extui %sign3A_185 : i1 to i32
    %sign3A_187 = arith.subi %sign3A_183, %sign3A_186 : i32
    %ne3A_188 = vector.broadcast %sign3A_187 : i32 to vector<64x256xi32>
    %ne3A_189 = arith.cmpi ne, %sign3A_180, %ne3A_188 : vector<64x256xi32>
    %rem3A_190 = vector.broadcast %jit3A_169 : i32 to vector<64x256xi32>
    %rem3A_191 = arith.remsi %iota3A_140, %rem3A_190 : vector<64x256xi32>
    %ne3A_192 = arith.constant 0 : i32
    %ne3A_193 = vector.broadcast %ne3A_192 : i32 to vector<64x256xi32>
    %ne3A_194 = arith.cmpi ne, %rem3A_191, %ne3A_193 : vector<64x256xi32>
    %and3A_195 = arith.andi %ne3A_189, %ne3A_194 : vector<64x256xi1>
    %sub3A_196 = arith.constant 1 : i32
    %sub3A_197 = vector.broadcast %sub3A_196 : i32 to vector<64x256xi32>
    %sub3A_198 = arith.subi %div3A_171, %sub3A_197 : vector<64x256xi32>
    %select_n3A_199 = arith.select %and3A_195, %sub3A_198, %div3A_171 : vector<64x256xi1>, vector<64x256xi32>
    %eq3A_200 = arith.cmpi eq, %broadcast_in_dim3A_168, %select_n3A_199 : vector<64x256xi32>
    %convert_element_type3A_201 = arith.extui %eq3A_200 : vector<64x256xi1> to vector<64x256xi32>
    %convert_element_type3A_202 = arith.sitofp %convert_element_type3A_201 : vector<64x256xi32> to vector<64x256xf32>
    %dot_general3A_203 = arith.constant dense<0.000000e+00> : vector<1x256xf32>
    %dot_general3A_204 = tpu.matmul %convert_element_type3A_139, %convert_element_type3A_202, %dot_general3A_203 {dimension_numbers = #tpu.dot_dimension_numbers<[1], [0], [0], [1], [0, 0, 1, 1], [], []>, transpose_lhs_hint = false} : vector<1x64xf32>, vector<64x256xf32>, vector<1x256xf32> -> vector<1x256xf32>
    %convert_element_type3A_205 = arith.fptosi %dot_general3A_204 : vector<1x256xf32> to vector<1x256xi32>
    %jit3A_206 = arith.constant 4 : i32
    %div3A_207 = vector.broadcast %jit3A_206 : i32 to vector<1x256xi32>
    %div3A_208 = arith.divsi %iota3A_141, %div3A_207 : vector<1x256xi32>
    %sign3A_209 = arith.constant 0 : i32
    %sign3A_210 = vector.broadcast %sign3A_209 : i32 to vector<1x256xi32>
    %sign3A_211 = arith.cmpi sgt, %iota3A_141, %sign3A_210 : vector<1x256xi32>
    %sign3A_212 = arith.extui %sign3A_211 : vector<1x256xi1> to vector<1x256xi32>
    %sign3A_213 = arith.constant 0 : i32
    %sign3A_214 = vector.broadcast %sign3A_213 : i32 to vector<1x256xi32>
    %sign3A_215 = arith.cmpi slt, %iota3A_141, %sign3A_214 : vector<1x256xi32>
    %sign3A_216 = arith.extui %sign3A_215 : vector<1x256xi1> to vector<1x256xi32>
    %sign3A_217 = arith.subi %sign3A_212, %sign3A_216 : vector<1x256xi32>
    %sign3A_218 = arith.constant 0 : i32
    %sign3A_219 = arith.cmpi sgt, %jit3A_206, %sign3A_218 : i32
    %sign3A_220 = arith.extui %sign3A_219 : i1 to i32
    %sign3A_221 = arith.constant 0 : i32
    %sign3A_222 = arith.cmpi slt, %jit3A_206, %sign3A_221 : i32
    %sign3A_223 = arith.extui %sign3A_222 : i1 to i32
    %sign3A_224 = arith.subi %sign3A_220, %sign3A_223 : i32
    %ne3A_225 = vector.broadcast %sign3A_224 : i32 to vector<1x256xi32>
    %ne3A_226 = arith.cmpi ne, %sign3A_217, %ne3A_225 : vector<1x256xi32>
    %rem3A_227 = vector.broadcast %jit3A_206 : i32 to vector<1x256xi32>
    %rem3A_228 = arith.remsi %iota3A_141, %rem3A_227 : vector<1x256xi32>
    %ne3A_229 = arith.constant 0 : i32
    %ne3A_230 = vector.broadcast %ne3A_229 : i32 to vector<1x256xi32>
    %ne3A_231 = arith.cmpi ne, %rem3A_228, %ne3A_230 : vector<1x256xi32>
    %and3A_232 = arith.andi %ne3A_226, %ne3A_231 : vector<1x256xi1>
    %sub3A_233 = arith.constant 1 : i32
    %sub3A_234 = vector.broadcast %sub3A_233 : i32 to vector<1x256xi32>
    %sub3A_235 = arith.subi %div3A_208, %sub3A_234 : vector<1x256xi32>
    %select_n3A_236 = arith.select %and3A_232, %sub3A_235, %div3A_208 : vector<1x256xi1>, vector<1x256xi32>
    %jit3A_237 = arith.constant 4 : i32
    %eq3A_238 = arith.constant 0 : i32
    %eq3A_239 = arith.cmpi eq, %jit3A_237, %eq3A_238 : i32
    %jit3A_240 = arith.constant 1 : i32
    %select_n3A_241 = arith.select %eq3A_239, %jit3A_240, %jit3A_237 : i32
    %rem3A_242 = vector.broadcast %select_n3A_241 : i32 to vector<1x256xi32>
    %rem3A_243 = arith.remsi %select_n3A_236, %rem3A_242 : vector<1x256xi32>
    %ne3A_244 = arith.constant 0 : i32
    %ne3A_245 = vector.broadcast %ne3A_244 : i32 to vector<1x256xi32>
    %ne3A_246 = arith.cmpi ne, %rem3A_243, %ne3A_245 : vector<1x256xi32>
    %lt3A_247 = arith.constant 0 : i32
    %lt3A_248 = vector.broadcast %lt3A_247 : i32 to vector<1x256xi32>
    %lt3A_249 = arith.cmpi slt, %rem3A_243, %lt3A_248 : vector<1x256xi32>
    %lt3A_250 = arith.constant 0 : i32
    %lt3A_251 = arith.cmpi slt, %select_n3A_241, %lt3A_250 : i32
    %ne3A_252 = vector.broadcast %lt3A_251 : i1 to vector<1x256xi1>
    %ne3A_253 = vector.broadcast %ne3A_252 : vector<1x256xi1> to vector<1x256xi1>
    %ne3A_254 = arith.xori %lt3A_249, %ne3A_253 : vector<1x256xi1>
    %and3A_255 = arith.andi %ne3A_254, %ne3A_246 : vector<1x256xi1>
    %add3A_256 = vector.broadcast %select_n3A_241 : i32 to vector<1x256xi32>
    %add3A_257 = arith.addi %rem3A_243, %add3A_256 : vector<1x256xi32>
    %select_n3A_258 = arith.select %and3A_255, %add3A_257, %rem3A_243 : vector<1x256xi1>, vector<1x256xi32>
    %jit3A_259 = arith.constant 4 : i32
    %eq3A_260 = arith.constant 0 : i32
    %eq3A_261 = arith.cmpi eq, %jit3A_259, %eq3A_260 : i32
    %jit3A_262 = arith.constant 1 : i32
    %select_n3A_263 = arith.select %eq3A_261, %jit3A_262, %jit3A_259 : i32
    %rem3A_264 = vector.broadcast %select_n3A_263 : i32 to vector<1x256xi32>
    %rem3A_265 = arith.remsi %iota3A_141, %rem3A_264 : vector<1x256xi32>
    %ne3A_266 = arith.constant 0 : i32
    %ne3A_267 = vector.broadcast %ne3A_266 : i32 to vector<1x256xi32>
    %ne3A_268 = arith.cmpi ne, %rem3A_265, %ne3A_267 : vector<1x256xi32>
    %lt3A_269 = arith.constant 0 : i32
    %lt3A_270 = vector.broadcast %lt3A_269 : i32 to vector<1x256xi32>
    %lt3A_271 = arith.cmpi slt, %rem3A_265, %lt3A_270 : vector<1x256xi32>
    %lt3A_272 = arith.constant 0 : i32
    %lt3A_273 = arith.cmpi slt, %select_n3A_263, %lt3A_272 : i32
    %ne3A_274 = vector.broadcast %lt3A_273 : i1 to vector<1x256xi1>
    %ne3A_275 = vector.broadcast %ne3A_274 : vector<1x256xi1> to vector<1x256xi1>
    %ne3A_276 = arith.xori %lt3A_271, %ne3A_275 : vector<1x256xi1>
    %and3A_277 = arith.andi %ne3A_276, %ne3A_268 : vector<1x256xi1>
    %add3A_278 = vector.broadcast %select_n3A_263 : i32 to vector<1x256xi32>
    %add3A_279 = arith.addi %rem3A_265, %add3A_278 : vector<1x256xi32>
    %select_n3A_280 = arith.select %and3A_277, %add3A_279, %rem3A_265 : vector<1x256xi1>, vector<1x256xi32>
    %mul3A = arith.constant 8 : i32
    %mul3A_281 = arith.muli %arg0, %mul3A : i32
    %add3A_282 = arith.constant 0 : i32
    %add3A_283 = arith.addi %mul3A_281, %add3A_282 : i32
    %mul3A_284 = arith.constant 1024 : i32
    %mul3A_285 = arith.muli %add3A_283, %mul3A_284 : i32
    %jit3A_286 = arith.constant 8 : i32
    %div3A_287 = vector.broadcast %jit3A_286 : i32 to vector<1x256xi32>
    %div3A_288 = arith.divsi %convert_element_type3A_205, %div3A_287 : vector<1x256xi32>
    %sign3A_289 = arith.constant 0 : i32
    %sign3A_290 = vector.broadcast %sign3A_289 : i32 to vector<1x256xi32>
    %sign3A_291 = arith.cmpi sgt, %convert_element_type3A_205, %sign3A_290 : vector<1x256xi32>
    %sign3A_292 = arith.extui %sign3A_291 : vector<1x256xi1> to vector<1x256xi32>
    %sign3A_293 = arith.constant 0 : i32
    %sign3A_294 = vector.broadcast %sign3A_293 : i32 to vector<1x256xi32>
    %sign3A_295 = arith.cmpi slt, %convert_element_type3A_205, %sign3A_294 : vector<1x256xi32>
    %sign3A_296 = arith.extui %sign3A_295 : vector<1x256xi1> to vector<1x256xi32>
    %sign3A_297 = arith.subi %sign3A_292, %sign3A_296 : vector<1x256xi32>
    %sign3A_298 = arith.constant 0 : i32
    %sign3A_299 = arith.cmpi sgt, %jit3A_286, %sign3A_298 : i32
    %sign3A_300 = arith.extui %sign3A_299 : i1 to i32
    %sign3A_301 = arith.constant 0 : i32
    %sign3A_302 = arith.cmpi slt, %jit3A_286, %sign3A_301 : i32
    %sign3A_303 = arith.extui %sign3A_302 : i1 to i32
    %sign3A_304 = arith.subi %sign3A_300, %sign3A_303 : i32
    %ne3A_305 = vector.broadcast %sign3A_304 : i32 to vector<1x256xi32>
    %ne3A_306 = arith.cmpi ne, %sign3A_297, %ne3A_305 : vector<1x256xi32>
    %rem3A_307 = vector.broadcast %jit3A_286 : i32 to vector<1x256xi32>
    %rem3A_308 = arith.remsi %convert_element_type3A_205, %rem3A_307 : vector<1x256xi32>
    %ne3A_309 = arith.constant 0 : i32
    %ne3A_310 = vector.broadcast %ne3A_309 : i32 to vector<1x256xi32>
    %ne3A_311 = arith.cmpi ne, %rem3A_308, %ne3A_310 : vector<1x256xi32>
    %and3A_312 = arith.andi %ne3A_306, %ne3A_311 : vector<1x256xi1>
    %sub3A_313 = arith.constant 1 : i32
    %sub3A_314 = vector.broadcast %sub3A_313 : i32 to vector<1x256xi32>
    %sub3A_315 = arith.subi %div3A_288, %sub3A_314 : vector<1x256xi32>
    %select_n3A_316 = arith.select %and3A_312, %sub3A_315, %div3A_288 : vector<1x256xi1>, vector<1x256xi32>
    %mul3A_317 = arith.constant 128 : i32
    %mul3A_318 = vector.broadcast %mul3A_317 : i32 to vector<1x256xi32>
    %mul3A_319 = arith.muli %select_n3A_316, %mul3A_318 : vector<1x256xi32>
    %add3A_320 = vector.broadcast %mul3A_285 : i32 to vector<1x256xi32>
    %add3A_321 = arith.addi %add3A_320, %mul3A_319 : vector<1x256xi32>
    %jit3A_322 = arith.constant 8 : i32
    %eq3A_323 = arith.constant 0 : i32
    %eq3A_324 = arith.cmpi eq, %jit3A_322, %eq3A_323 : i32
    %jit3A_325 = arith.constant 1 : i32
    %select_n3A_326 = arith.select %eq3A_324, %jit3A_325, %jit3A_322 : i32
    %rem3A_327 = vector.broadcast %select_n3A_326 : i32 to vector<1x256xi32>
    %rem3A_328 = arith.remsi %convert_element_type3A_205, %rem3A_327 : vector<1x256xi32>
    %ne3A_329 = arith.constant 0 : i32
    %ne3A_330 = vector.broadcast %ne3A_329 : i32 to vector<1x256xi32>
    %ne3A_331 = arith.cmpi ne, %rem3A_328, %ne3A_330 : vector<1x256xi32>
    %lt3A_332 = arith.constant 0 : i32
    %lt3A_333 = vector.broadcast %lt3A_332 : i32 to vector<1x256xi32>
    %lt3A_334 = arith.cmpi slt, %rem3A_328, %lt3A_333 : vector<1x256xi32>
    %lt3A_335 = arith.constant 0 : i32
    %lt3A_336 = arith.cmpi slt, %select_n3A_326, %lt3A_335 : i32
    %ne3A_337 = vector.broadcast %lt3A_336 : i1 to vector<1x256xi1>
    %ne3A_338 = vector.broadcast %ne3A_337 : vector<1x256xi1> to vector<1x256xi1>
    %ne3A_339 = arith.xori %lt3A_334, %ne3A_338 : vector<1x256xi1>
    %and3A_340 = arith.andi %ne3A_339, %ne3A_331 : vector<1x256xi1>
    %add3A_341 = vector.broadcast %select_n3A_326 : i32 to vector<1x256xi32>
    %add3A_342 = arith.addi %rem3A_328, %add3A_341 : vector<1x256xi32>
    %select_n3A_343 = arith.select %and3A_340, %add3A_342, %rem3A_328 : vector<1x256xi1>, vector<1x256xi32>
    %mul3A_344 = arith.constant 4 : i32
    %mul3A_345 = vector.broadcast %mul3A_344 : i32 to vector<1x256xi32>
    %mul3A_346 = arith.muli %select_n3A_343, %mul3A_345 : vector<1x256xi32>
    %add3A_347 = arith.addi %add3A_321, %mul3A_346 : vector<1x256xi32>
    %mul3A_348 = arith.constant 32 : i32
    %mul3A_349 = vector.broadcast %mul3A_348 : i32 to vector<1x256xi32>
    %mul3A_350 = arith.muli %select_n3A_258, %mul3A_349 : vector<1x256xi32>
    %add3A_351 = arith.addi %add3A_347, %mul3A_350 : vector<1x256xi32>
    %add3A_352 = arith.addi %add3A_351, %select_n3A_280 : vector<1x256xi32>
    %swap3A = arith.constant 0 : index
    %swap3A_353 = arith.constant 0 : index
    %swap3A_354 = vector.load %arg3[%swap3A, %swap3A_353] : memref<8x256xi32, #tpu.memory_space<vmem>>, vector<1x256xi32>
    tpu.vector_store %arg3[%swap3A, %swap3A_353], %add3A_352 {strides = array<i32>} : memref<8x256xi32, #tpu.memory_space<vmem>>, vector<1x256xi32>,
    %get3A_355 = arith.constant 1 : index
    %get3A_356 = arith.constant 0 : index
    %get3A_357 = arith.constant 0 : index
    %get3A_358 = vector.load %arg1[%get3A_355, %get3A_356, %get3A_357] : memref<8x64x384xf32, #tpu.memory_space<vmem>>, vector<1x64x384xf32>
    %get3A_359 = vector.shape_cast %get3A_358 : vector<1x64x384xf32> to vector<64x384xf32>
    %reduce_max3A_360 = arith.constant dense<0xFF800000> : vector<384xf32>
    %reduce_max3A_361 = vector.multi_reduction <maximumf>, %get3A_359, %reduce_max3A_360 [0] : vector<64x384xf32> to vector<384xf32>
    %broadcast_in_dim3A_362 = vector.shape_cast %reduce_max3A_361 : vector<384xf32> to vector<1x384xf32>
    %get3A_363 = arith.constant 1 : index
    %get3A_364 = arith.constant 0 : index
    %get3A_365 = arith.constant 0 : index
    %get3A_366 = vector.load %arg2[%get3A_363, %get3A_364, %get3A_365] : memref<8x1024x384xf32, #tpu.memory_space<vmem>>, vector<1x1024x384xf32>
    %get3A_367 = vector.shape_cast %get3A_366 : vector<1x1024x384xf32> to vector<1024x384xf32>
    %dot_general3A_368 = arith.constant dense<0.000000e+00> : vector<1x1024xf32>
    %dot_general3A_369 = tpu.matmul %broadcast_in_dim3A_362, %get3A_367, %dot_general3A_368 {dimension_numbers = #tpu.dot_dimension_numbers<[1], [1], [0], [0], [0, 0, 1, 0], [], []>, transpose_lhs_hint = false} : vector<1x384xf32>, vector<1024x384xf32>, vector<1x1024xf32> -> vector<1x1024xf32>
    %dot_general3A_370 = arith.constant dense<0.000000e+00> : vector<1x64xf32>
    %dot_general3A_371 = tpu.matmul %dot_general3A_369, %convert_element_type3A_130, %dot_general3A_370 {dimension_numbers = #tpu.dot_dimension_numbers<[1], [1], [0], [0], [0, 0, 1, 0], [], []>, precision = #tpu.contract_precision<fp32>, transpose_lhs_hint = false} : vector<1x1024xf32>, vector<64x1024xf32>, vector<1x64xf32> -> vector<1x64xf32>
    %dot_general3A_372 = arith.constant dense<0.000000e+00> : vector<64x1xf32>
    %dot_general3A_373 = tpu.matmul %convert_element_type3A_135, %dot_general3A_371, %dot_general3A_372 {dimension_numbers = #tpu.dot_dimension_numbers<[1], [1], [0], [0], [0, 0, 1, 0], [], []>, precision = #tpu.contract_precision<fp32>, transpose_lhs_hint = false} : vector<64x64xf32>, vector<1x64xf32>, vector<64x1xf32> -> vector<64x1xf32>
    %broadcast_in_dim3A_374 = vector.shape_cast %dot_general3A_371 : vector<1x64xf32> to vector<1x64xf32>
    %broadcast_in_dim3A_375 = vector.broadcast %broadcast_in_dim3A_374 : vector<1x64xf32> to vector<64x64xf32>
    %broadcast_in_dim3A_376 = vector.shape_cast %dot_general3A_373 : vector<64x1xf32> to vector<64x1xf32>
    %broadcast_in_dim3A_377 = vector.broadcast %broadcast_in_dim3A_376 : vector<64x1xf32> to vector<64x64xf32>
    %gt3A_378 = arith.cmpf ogt, %broadcast_in_dim3A_375, %broadcast_in_dim3A_377 : vector<64x64xf32>
    %eq3A_379 = arith.cmpf oeq, %broadcast_in_dim3A_375, %broadcast_in_dim3A_377 : vector<64x64xf32>
    %lt3A_380 = arith.cmpi slt, %iota3A_137, %iota3A_136 : vector<64x64xi32>
    %and3A_381 = arith.andi %eq3A_379, %lt3A_380 : vector<64x64xi1>
    %or3A_382 = arith.ori %gt3A_378, %and3A_381 : vector<64x64xi1>
    %convert_element_type3A_383 = arith.extui %or3A_382 : vector<64x64xi1> to vector<64x64xi32>
    %reduce_sum3A_384 = arith.constant dense<0> : vector<64xi32>
    %reduce_sum3A_385 = vector.multi_reduction <add>, %convert_element_type3A_383, %reduce_sum3A_384 [1] : vector<64x64xi32> to vector<64xi32>
    %broadcast_in_dim3A_386 = vector.shape_cast %reduce_sum3A_385 : vector<64xi32> to vector<64x1xi32>
    %broadcast_in_dim3A_387 = vector.shape_cast %broadcast_in_dim3A_386 : vector<64x1xi32> to vector<64x1xi32>
    %broadcast_in_dim3A_388 = vector.broadcast %broadcast_in_dim3A_387 : vector<64x1xi32> to vector<64x256xi32>
    %jit3A_389 = arith.constant 16 : i32
    %div3A_390 = vector.broadcast %jit3A_389 : i32 to vector<64x256xi32>
    %div3A_391 = arith.divsi %iota3A_140, %div3A_390 : vector<64x256xi32>
    %sign3A_392 = arith.constant 0 : i32
    %sign3A_393 = vector.broadcast %sign3A_392 : i32 to vector<64x256xi32>
    %sign3A_394 = arith.cmpi sgt, %iota3A_140, %sign3A_393 : vector<64x256xi32>
    %sign3A_395 = arith.extui %sign3A_394 : vector<64x256xi1> to vector<64x256xi32>
    %sign3A_396 = arith.constant 0 : i32
    %sign3A_397 = vector.broadcast %sign3A_396 : i32 to vector<64x256xi32>
    %sign3A_398 = arith.cmpi slt, %iota3A_140, %sign3A_397 : vector<64x256xi32>
    %sign3A_399 = arith.extui %sign3A_398 : vector<64x256xi1> to vector<64x256xi32>
    %sign3A_400 = arith.subi %sign3A_395, %sign3A_399 : vector<64x256xi32>
    %sign3A_401 = arith.constant 0 : i32
    %sign3A_402 = arith.cmpi sgt, %jit3A_389, %sign3A_401 : i32
    %sign3A_403 = arith.extui %sign3A_402 : i1 to i32
    %sign3A_404 = arith.constant 0 : i32
    %sign3A_405 = arith.cmpi slt, %jit3A_389, %sign3A_404 : i32
    %sign3A_406 = arith.extui %sign3A_405 : i1 to i32
    %sign3A_407 = arith.subi %sign3A_403, %sign3A_406 : i32
    %ne3A_408 = vector.broadcast %sign3A_407 : i32 to vector<64x256xi32>
    %ne3A_409 = arith.cmpi ne, %sign3A_400, %ne3A_408 : vector<64x256xi32>
    %rem3A_410 = vector.broadcast %jit3A_389 : i32 to vector<64x256xi32>
    %rem3A_411 = arith.remsi %iota3A_140, %rem3A_410 : vector<64x256xi32>
    %ne3A_412 = arith.constant 0 : i32
    %ne3A_413 = vector.broadcast %ne3A_412 : i32 to vector<64x256xi32>
    %ne3A_414 = arith.cmpi ne, %rem3A_411, %ne3A_413 : vector<64x256xi32>
    %and3A_415 = arith.andi %ne3A_409, %ne3A_414 : vector<64x256xi1>
    %sub3A_416 = arith.constant 1 : i32
    %sub3A_417 = vector.broadcast %sub3A_416 : i32 to vector<64x256xi32>
    %sub3A_418 = arith.subi %div3A_391, %sub3A_417 : vector<64x256xi32>
    %select_n3A_419 = arith.select %and3A_415, %sub3A_418, %div3A_391 : vector<64x256xi1>, vector<64x256xi32>
    %eq3A_420 = arith.cmpi eq, %broadcast_in_dim3A_388, %select_n3A_419 : vector<64x256xi32>
    %convert_element_type3A_421 = arith.extui %eq3A_420 : vector<64x256xi1> to vector<64x256xi32>
    %convert_element_type3A_422 = arith.sitofp %convert_element_type3A_421 : vector<64x256xi32> to vector<64x256xf32>
    %dot_general3A_423 = arith.constant dense<0.000000e+00> : vector<1x256xf32>
    %dot_general3A_424 = tpu.matmul %convert_element_type3A_139, %convert_element_type3A_422, %dot_general3A_423 {dimension_numbers = #tpu.dot_dimension_numbers<[1], [0], [0], [1], [0, 0, 1, 1], [], []>, transpose_lhs_hint = false} : vector<1x64xf32>, vector<64x256xf32>, vector<1x256xf32> -> vector<1x256xf32>
    %convert_element_type3A_425 = arith.fptosi %dot_general3A_424 : vector<1x256xf32> to vector<1x256xi32>
    %jit3A_426 = arith.constant 4 : i32
    %div3A_427 = vector.broadcast %jit3A_426 : i32 to vector<1x256xi32>
    %div3A_428 = arith.divsi %iota3A_141, %div3A_427 : vector<1x256xi32>
    %sign3A_429 = arith.constant 0 : i32
    %sign3A_430 = vector.broadcast %sign3A_429 : i32 to vector<1x256xi32>
    %sign3A_431 = arith.cmpi sgt, %iota3A_141, %sign3A_430 : vector<1x256xi32>
    %sign3A_432 = arith.extui %sign3A_431 : vector<1x256xi1> to vector<1x256xi32>
    %sign3A_433 = arith.constant 0 : i32
    %sign3A_434 = vector.broadcast %sign3A_433 : i32 to vector<1x256xi32>
    %sign3A_435 = arith.cmpi slt, %iota3A_141, %sign3A_434 : vector<1x256xi32>
    %sign3A_436 = arith.extui %sign3A_435 : vector<1x256xi1> to vector<1x256xi32>
    %sign3A_437 = arith.subi %sign3A_432, %sign3A_436 : vector<1x256xi32>
    %sign3A_438 = arith.constant 0 : i32
    %sign3A_439 = arith.cmpi sgt, %jit3A_426, %sign3A_438 : i32
    %sign3A_440 = arith.extui %sign3A_439 : i1 to i32
    %sign3A_441 = arith.constant 0 : i32
    %sign3A_442 = arith.cmpi slt, %jit3A_426, %sign3A_441 : i32
    %sign3A_443 = arith.extui %sign3A_442 : i1 to i32
    %sign3A_444 = arith.subi %sign3A_440, %sign3A_443 : i32
    %ne3A_445 = vector.broadcast %sign3A_444 : i32 to vector<1x256xi32>
    %ne3A_446 = arith.cmpi ne, %sign3A_437, %ne3A_445 : vector<1x256xi32>
    %rem3A_447 = vector.broadcast %jit3A_426 : i32 to vector<1x256xi32>
    %rem3A_448 = arith.remsi %iota3A_141, %rem3A_447 : vector<1x256xi32>
    %ne3A_449 = arith.constant 0 : i32
    %ne3A_450 = vector.broadcast %ne3A_449 : i32 to vector<1x256xi32>
    %ne3A_451 = arith.cmpi ne, %rem3A_448, %ne3A_450 : vector<1x256xi32>
    %and3A_452 = arith.andi %ne3A_446, %ne3A_451 : vector<1x256xi1>
    %sub3A_453 = arith.constant 1 : i32
    %sub3A_454 = vector.broadcast %sub3A_453 : i32 to vector<1x256xi32>
    %sub3A_455 = arith.subi %div3A_428, %sub3A_454 : vector<1x256xi32>
    %select_n3A_456 = arith.select %and3A_452, %sub3A_455, %div3A_428 : vector<1x256xi1>, vector<1x256xi32>
    %jit3A_457 = arith.constant 4 : i32
    %eq3A_458 = arith.constant 0 : i32
    %eq3A_459 = arith.cmpi eq, %jit3A_457, %eq3A_458 : i32
    %jit3A_460 = arith.constant 1 : i32
    %select_n3A_461 = arith.select %eq3A_459, %jit3A_460, %jit3A_457 : i32
    %rem3A_462 = vector.broadcast %select_n3A_461 : i32 to vector<1x256xi32>
    %rem3A_463 = arith.remsi %select_n3A_456, %rem3A_462 : vector<1x256xi32>
    %ne3A_464 = arith.constant 0 : i32
    %ne3A_465 = vector.broadcast %ne3A_464 : i32 to vector<1x256xi32>
    %ne3A_466 = arith.cmpi ne, %rem3A_463, %ne3A_465 : vector<1x256xi32>
    %lt3A_467 = arith.constant 0 : i32
    %lt3A_468 = vector.broadcast %lt3A_467 : i32 to vector<1x256xi32>
    %lt3A_469 = arith.cmpi slt, %rem3A_463, %lt3A_468 : vector<1x256xi32>
    %lt3A_470 = arith.constant 0 : i32
    %lt3A_471 = arith.cmpi slt, %select_n3A_461, %lt3A_470 : i32
    %ne3A_472 = vector.broadcast %lt3A_471 : i1 to vector<1x256xi1>
    %ne3A_473 = vector.broadcast %ne3A_472 : vector<1x256xi1> to vector<1x256xi1>
    %ne3A_474 = arith.xori %lt3A_469, %ne3A_473 : vector<1x256xi1>
    %and3A_475 = arith.andi %ne3A_474, %ne3A_466 : vector<1x256xi1>
    %add3A_476 = vector.broadcast %select_n3A_461 : i32 to vector<1x256xi32>
    %add3A_477 = arith.addi %rem3A_463, %add3A_476 : vector<1x256xi32>
    %select_n3A_478 = arith.select %and3A_475, %add3A_477, %rem3A_463 : vector<1x256xi1>, vector<1x256xi32>
    %jit3A_479 = arith.constant 4 : i32
    %eq3A_480 = arith.constant 0 : i32
    %eq3A_481 = arith.cmpi eq, %jit3A_479, %eq3A_480 : i32
    %jit3A_482 = arith.constant 1 : i32
    %select_n3A_483 = arith.select %eq3A_481, %jit3A_482, %jit3A_479 : i32
    %rem3A_484 = vector.broadcast %select_n3A_483 : i32 to vector<1x256xi32>
    %rem3A_485 = arith.remsi %iota3A_141, %rem3A_484 : vector<1x256xi32>
    %ne3A_486 = arith.constant 0 : i32
    %ne3A_487 = vector.broadcast %ne3A_486 : i32 to vector<1x256xi32>
    %ne3A_488 = arith.cmpi ne, %rem3A_485, %ne3A_487 : vector<1x256xi32>
    %lt3A_489 = arith.constant 0 : i32
    %lt3A_490 = vector.broadcast %lt3A_489 : i32 to vector<1x256xi32>
    %lt3A_491 = arith.cmpi slt, %rem3A_485, %lt3A_490 : vector<1x256xi32>
    %lt3A_492 = arith.constant 0 : i32
    %lt3A_493 = arith.cmpi slt, %select_n3A_483, %lt3A_492 : i32
    %ne3A_494 = vector.broadcast %lt3A_493 : i1 to vector<1x256xi1>
    %ne3A_495 = vector.broadcast %ne3A_494 : vector<1x256xi1> to vector<1x256xi1>
    %ne3A_496 = arith.xori %lt3A_491, %ne3A_495 : vector<1x256xi1>
    %and3A_497 = arith.andi %ne3A_496, %ne3A_488 : vector<1x256xi1>
    %add3A_498 = vector.broadcast %select_n3A_483 : i32 to vector<1x256xi32>
    %add3A_499 = arith.addi %rem3A_485, %add3A_498 : vector<1x256xi32>
    %select_n3A_500 = arith.select %and3A_497, %add3A_499, %rem3A_485 : vector<1x256xi1>, vector<1x256xi32>
    %mul3A_501 = arith.constant 8 : i32
    %mul3A_502 = arith.muli %arg0, %mul3A_501 : i32
    %add3A_503 = arith.constant 1 : i32
    %add3A_504 = arith.addi %mul3A_502, %add3A_503 : i32
    %mul3A_505 = arith.constant 1024 : i32
    %mul3A_506 = arith.muli %add3A_504, %mul3A_505 : i32
    %jit3A_507 = arith.constant 8 : i32
    %div3A_508 = vector.broadcast %jit3A_507 : i32 to vector<1x256xi32>
    %div3A_509 = arith.divsi %convert_element_type3A_425, %div3A_508 : vector<1x256xi32>
    %sign3A_510 = arith.constant 0 : i32
    %sign3A_511 = vector.broadcast %sign3A_510 : i32 to vector<1x256xi32>
    %sign3A_512 = arith.cmpi sgt, %convert_element_type3A_425, %sign3A_511 : vector<1x256xi32>
    %sign3A_513 = arith.extui %sign3A_512 : vector<1x256xi1> to vector<1x256xi32>
    %sign3A_514 = arith.constant 0 : i32
    %sign3A_515 = vector.broadcast %sign3A_514 : i32 to vector<1x256xi32>
    %sign3A_516 = arith.cmpi slt, %convert_element_type3A_425, %sign3A_515 : vector<1x256xi32>
    %sign3A_517 = arith.extui %sign3A_516 : vector<1x256xi1> to vector<1x256xi32>
    %sign3A_518 = arith.subi %sign3A_513, %sign3A_517 : vector<1x256xi32>
    %sign3A_519 = arith.constant 0 : i32
    %sign3A_520 = arith.cmpi sgt, %jit3A_507, %sign3A_519 : i32
    %sign3A_521 = arith.extui %sign3A_520 : i1 to i32
    %sign3A_522 = arith.constant 0 : i32
    %sign3A_523 = arith.cmpi slt, %jit3A_507, %sign3A_522 : i32
    %sign3A_524 = arith.extui %sign3A_523 : i1 to i32
    %sign3A_525 = arith.subi %sign3A_521, %sign3A_524 : i32
    %ne3A_526 = vector.broadcast %sign3A_525 : i32 to vector<1x256xi32>
    %ne3A_527 = arith.cmpi ne, %sign3A_518, %ne3A_526 : vector<1x256xi32>
    %rem3A_528 = vector.broadcast %jit3A_507 : i32 to vector<1x256xi32>
    %rem3A_529 = arith.remsi %convert_element_type3A_425, %rem3A_528 : vector<1x256xi32>
    %ne3A_530 = arith.constant 0 : i32
    %ne3A_531 = vector.broadcast %ne3A_530 : i32 to vector<1x256xi32>
    %ne3A_532 = arith.cmpi ne, %rem3A_529, %ne3A_531 : vector<1x256xi32>
    %and3A_533 = arith.andi %ne3A_527, %ne3A_532 : vector<1x256xi1>
    %sub3A_534 = arith.constant 1 : i32
    %sub3A_535 = vector.broadcast %sub3A_534 : i32 to vector<1x256xi32>
    %sub3A_536 = arith.subi %div3A_509, %sub3A_535 : vector<1x256xi32>
    %select_n3A_537 = arith.select %and3A_533, %sub3A_536, %div3A_509 : vector<1x256xi1>, vector<1x256xi32>
    %mul3A_538 = arith.constant 128 : i32
    %mul3A_539 = vector.broadcast %mul3A_538 : i32 to vector<1x256xi32>
    %mul3A_540 = arith.muli %select_n3A_537, %mul3A_539 : vector<1x256xi32>
    %add3A_541 = vector.broadcast %mul3A_506 : i32 to vector<1x256xi32>
    %add3A_542 = arith.addi %add3A_541, %mul3A_540 : vector<1x256xi32>
    %jit3A_543 = arith.constant 8 : i32
    %eq3A_544 = arith.constant 0 : i32
    %eq3A_545 = arith.cmpi eq, %jit3A_543, %eq3A_544 : i32
    %jit3A_546 = arith.constant 1 : i32
    %select_n3A_547 = arith.select %eq3A_545, %jit3A_546, %jit3A_543 : i32
    %rem3A_548 = vector.broadcast %select_n3A_547 : i32 to vector<1x256xi32>
    %rem3A_549 = arith.remsi %convert_element_type3A_425, %rem3A_548 : vector<1x256xi32>
    %ne3A_550 = arith.constant 0 : i32
    %ne3A_551 = vector.broadcast %ne3A_550 : i32 to vector<1x256xi32>
    %ne3A_552 = arith.cmpi ne, %rem3A_549, %ne3A_551 : vector<1x256xi32>
    %lt3A_553 = arith.constant 0 : i32
    %lt3A_554 = vector.broadcast %lt3A_553 : i32 to vector<1x256xi32>
    %lt3A_555 = arith.cmpi slt, %rem3A_549, %lt3A_554 : vector<1x256xi32>
    %lt3A_556 = arith.constant 0 : i32
    %lt3A_557 = arith.cmpi slt, %select_n3A_547, %lt3A_556 : i32
    %ne3A_558 = vector.broadcast %lt3A_557 : i1 to vector<1x256xi1>
    %ne3A_559 = vector.broadcast %ne3A_558 : vector<1x256xi1> to vector<1x256xi1>
    %ne3A_560 = arith.xori %lt3A_555, %ne3A_559 : vector<1x256xi1>
    %and3A_561 = arith.andi %ne3A_560, %ne3A_552 : vector<1x256xi1>
    %add3A_562 = vector.broadcast %select_n3A_547 : i32 to vector<1x256xi32>
    %add3A_563 = arith.addi %rem3A_549, %add3A_562 : vector<1x256xi32>
    %select_n3A_564 = arith.select %and3A_561, %add3A_563, %rem3A_549 : vector<1x256xi1>, vector<1x256xi32>
    %mul3A_565 = arith.constant 4 : i32
    %mul3A_566 = vector.broadcast %mul3A_565 : i32 to vector<1x256xi32>
    %mul3A_567 = arith.muli %select_n3A_564, %mul3A_566 : vector<1x256xi32>
    %add3A_568 = arith.addi %add3A_542, %mul3A_567 : vector<1x256xi32>
    %mul3A_569 = arith.constant 32 : i32
    %mul3A_570 = vector.broadcast %mul3A_569 : i32 to vector<1x256xi32>
    %mul3A_571 = arith.muli %select_n3A_478, %mul3A_570 : vector<1x256xi32>
    %add3A_572 = arith.addi %add3A_568, %mul3A_571 : vector<1x256xi32>
    %add3A_573 = arith.addi %add3A_572, %select_n3A_500 : vector<1x256xi32>
    %swap3A_574 = arith.constant 1 : index
    %swap3A_575 = arith.constant 0 : index
    %swap3A_576 = vector.load %arg3[%swap3A_574, %swap3A_575] : memref<8x256xi32, #tpu.memory_space<vmem>>, vector<1x256xi32>
    tpu.vector_store %arg3[%swap3A_574, %swap3A_575], %add3A_573 {strides = array<i32>} : memref<8x256xi32, #tpu.memory_space<vmem>>, vector<1x256xi32>,
    %get3A_577 = arith.constant 2 : index
    %get3A_578 = arith.constant 0 : index
    %get3A_579 = arith.constant 0 : index
    %get3A_580 = vector.load %arg1[%get3A_577, %get3A_578, %get3A_579] : memref<8x64x384xf32, #tpu.memory_space<vmem>>, vector<1x64x384xf32>
    %get3A_581 = vector.shape_cast %get3A_580 : vector<1x64x384xf32> to vector<64x384xf32>
    %reduce_max3A_582 = arith.constant dense<0xFF800000> : vector<384xf32>
    %reduce_max3A_583 = vector.multi_reduction <maximumf>, %get3A_581, %reduce_max3A_582 [0] : vector<64x384xf32> to vector<384xf32>
    %broadcast_in_dim3A_584 = vector.shape_cast %reduce_max3A_583 : vector<384xf32> to vector<1x384xf32>
    %get3A_585 = arith.constant 2 : index
    %get3A_586 = arith.constant 0 : index
    %get3A_587 = arith.constant 0 : index
    %get3A_588 = vector.load %arg2[%get3A_585, %get3A_586, %get3A_587] : memref<8x1024x384xf32, #tpu.memory_space<vmem>>, vector<1x1024x384xf32>
    %get3A_589 = vector.shape_cast %get3A_588 : vector<1x1024x384xf32> to vector<1024x384xf32>
    %dot_general3A_590 = arith.constant dense<0.000000e+00> : vector<1x1024xf32>
    %dot_general3A_591 = tpu.matmul %broadcast_in_dim3A_584, %get3A_589, %dot_general3A_590 {dimension_numbers = #tpu.dot_dimension_numbers<[1], [1], [0], [0], [0, 0, 1, 0], [], []>, transpose_lhs_hint = false} : vector<1x384xf32>, vector<1024x384xf32>, vector<1x1024xf32> -> vector<1x1024xf32>
    %dot_general3A_592 = arith.constant dense<0.000000e+00> : vector<1x64xf32>
    %dot_general3A_593 = tpu.matmul %dot_general3A_591, %convert_element_type3A_130, %dot_general3A_592 {dimension_numbers = #tpu.dot_dimension_numbers<[1], [1], [0], [0], [0, 0, 1, 0], [], []>, precision = #tpu.contract_precision<fp32>, transpose_lhs_hint = false} : vector<1x1024xf32>, vector<64x1024xf32>, vector<1x64xf32> -> vector<1x64xf32>
    %dot_general3A_594 = arith.constant dense<0.000000e+00> : vector<64x1xf32>
    %dot_general3A_595 = tpu.matmul %convert_element_type3A_135, %dot_general3A_593, %dot_general3A_594 {dimension_numbers = #tpu.dot_dimension_numbers<[1], [1], [0], [0], [0, 0, 1, 0], [], []>, precision = #tpu.contract_precision<fp32>, transpose_lhs_hint = false} : vector<64x64xf32>, vector<1x64xf32>, vector<64x1xf32> -> vector<64x1xf32>
    %broadcast_in_dim3A_596 = vector.shape_cast %dot_general3A_593 : vector<1x64xf32> to vector<1x64xf32>
    %broadcast_in_dim3A_597 = vector.broadcast %broadcast_in_dim3A_596 : vector<1x64xf32> to vector<64x64xf32>
    %broadcast_in_dim3A_598 = vector.shape_cast %dot_general3A_595 : vector<64x1xf32> to vector<64x1xf32>
    %broadcast_in_dim3A_599 = vector.broadcast %broadcast_in_dim3A_598 : vector<64x1xf32> to vector<64x64xf32>
    %gt3A_600 = arith.cmpf ogt, %broadcast_in_dim3A_597, %broadcast_in_dim3A_599 : vector<64x64xf32>
    %eq3A_601 = arith.cmpf oeq, %broadcast_in_dim3A_597, %broadcast_in_dim3A_599 : vector<64x64xf32>
    %lt3A_602 = arith.cmpi slt, %iota3A_137, %iota3A_136 : vector<64x64xi32>
    %and3A_603 = arith.andi %eq3A_601, %lt3A_602 : vector<64x64xi1>
    %or3A_604 = arith.ori %gt3A_600, %and3A_603 : vector<64x64xi1>
    %convert_element_type3A_605 = arith.extui %or3A_604 : vector<64x64xi1> to vector<64x64xi32>
    %reduce_sum3A_606 = arith.constant dense<0> : vector<64xi32>
    %reduce_sum3A_607 = vector.multi_reduction <add>, %convert_element_type3A_605, %reduce_sum3A_606 [1] : vector<64x64xi32> to vector<64xi32>
    %broadcast_in_dim3A_608 = vector.shape_cast %reduce_sum3A_607 : vector<64xi32> to vector<64x1xi32>
    %broadcast_in_dim3A_609 = vector.shape_cast %broadcast_in_dim3A_608 : vector<64x1xi32> to vector<64x1xi32>
    %broadcast_in_dim3A_610 = vector.broadcast %broadcast_in_dim3A_609 : vector<64x1xi32> to vector<64x256xi32>
    %jit3A_611 = arith.constant 16 : i32
    %div3A_612 = vector.broadcast %jit3A_611 : i32 to vector<64x256xi32>
    %div3A_613 = arith.divsi %iota3A_140, %div3A_612 : vector<64x256xi32>
    %sign3A_614 = arith.constant 0 : i32
    %sign3A_615 = vector.broadcast %sign3A_614 : i32 to vector<64x256xi32>
    %sign3A_616 = arith.cmpi sgt, %iota3A_140, %sign3A_615 : vector<64x256xi32>
    %sign3A_617 = arith.extui %sign3A_616 : vector<64x256xi1> to vector<64x256xi32>
    %sign3A_618 = arith.constant 0 : i32
    %sign3A_619 = vector.broadcast %sign3A_618 : i32 to vector<64x256xi32>
    %sign3A_620 = arith.cmpi slt, %iota3A_140, %sign3A_619 : vector<64x256xi32>
    %sign3A_621 = arith.extui %sign3A_620 : vector<64x256xi1> to vector<64x256xi32>
    %sign3A_622 = arith.subi %sign3A_617, %sign3A_621 : vector<64x256xi32>
    %sign3A_623 = arith.constant 0 : i32
    %sign3A_624 = arith.cmpi sgt, %jit3A_611, %sign3A_623 : i32
    %sign3A_625 = arith.extui %sign3A_624 : i1 to i32
    %sign3A_626 = arith.constant 0 : i32
    %sign3A_627 = arith.cmpi slt, %jit3A_611, %sign3A_626 : i32
    %sign3A_628 = arith.extui %sign3A_627 : i1 to i32
    %sign3A_629 = arith.subi %sign3A_625, %sign3A_628 : i32
    %ne3A_630 = vector.broadcast %sign3A_629 : i32 to vector<64x256xi32>
    %ne3A_631 = arith.cmpi ne, %sign3A_622, %ne3A_630 : vector<64x256xi32>
    %rem3A_632 = vector.broadcast %jit3A_611 : i32 to vector<64x256xi32>
    %rem3A_633 = arith.remsi %iota3A_140, %rem3A_632 : vector<64x256xi32>
    %ne3A_634 = arith.constant 0 : i32
    %ne3A_635 = vector.broadcast %ne3A_634 : i32 to vector<64x256xi32>
    %ne3A_636 = arith.cmpi ne, %rem3A_633, %ne3A_635 : vector<64x256xi32>
    %and3A_637 = arith.andi %ne3A_631, %ne3A_636 : vector<64x256xi1>
    %sub3A_638 = arith.constant 1 : i32
    %sub3A_639 = vector.broadcast %sub3A_638 : i32 to vector<64x256xi32>
    %sub3A_640 = arith.subi %div3A_613, %sub3A_639 : vector<64x256xi32>
    %select_n3A_641 = arith.select %and3A_637, %sub3A_640, %div3A_613 : vector<64x256xi1>, vector<64x256xi32>
    %eq3A_642 = arith.cmpi eq, %broadcast_in_dim3A_610, %select_n3A_641 : vector<64x256xi32>
    %convert_element_type3A_643 = arith.extui %eq3A_642 : vector<64x256xi1> to vector<64x256xi32>
    %convert_element_type3A_644 = arith.sitofp %convert_element_type3A_643 : vector<64x256xi32> to vector<64x256xf32>
    %dot_general3A_645 = arith.constant dense<0.000000e+00> : vector<1x256xf32>
    %dot_general3A_646 = tpu.matmul %convert_element_type3A_139, %convert_element_type3A_644, %dot_general3A_645 {dimension_numbers = #tpu.dot_dimension_numbers<[1], [0], [0], [1], [0, 0, 1, 1], [], []>, transpose_lhs_hint = false} : vector<1x64xf32>, vector<64x256xf32>, vector<1x256xf32> -> vector<1x256xf32>
    %convert_element_type3A_647 = arith.fptosi %dot_general3A_646 : vector<1x256xf32> to vector<1x256xi32>
    %jit3A_648 = arith.constant 4 : i32
    %div3A_649 = vector.broadcast %jit3A_648 : i32 to vector<1x256xi32>
    %div3A_650 = arith.divsi %iota3A_141, %div3A_649 : vector<1x256xi32>
    %sign3A_651 = arith.constant 0 : i32
    %sign3A_652 = vector.broadcast %sign3A_651 : i32 to vector<1x256xi32>
    %sign3A_653 = arith.cmpi sgt, %iota3A_141, %sign3A_652 : vector<1x256xi32>
    %sign3A_654 = arith.extui %sign3A_653 : vector<1x256xi1> to vector<1x256xi32>
    %sign3A_655 = arith.constant 0 : i32
    %sign3A_656 = vector.broadcast %sign3A_655 : i32 to vector<1x256xi32>
    %sign3A_657 = arith.cmpi slt, %iota3A_141, %sign3A_656 : vector<1x256xi32>
    %sign3A_658 = arith.extui %sign3A_657 : vector<1x256xi1> to vector<1x256xi32>
    %sign3A_659 = arith.subi %sign3A_654, %sign3A_658 : vector<1x256xi32>
    %sign3A_660 = arith.constant 0 : i32
    %sign3A_661 = arith.cmpi sgt, %jit3A_648, %sign3A_660 : i32
    %sign3A_662 = arith.extui %sign3A_661 : i1 to i32
    %sign3A_663 = arith.constant 0 : i32
    %sign3A_664 = arith.cmpi slt, %jit3A_648, %sign3A_663 : i32
    %sign3A_665 = arith.extui %sign3A_664 : i1 to i32
    %sign3A_666 = arith.subi %sign3A_662, %sign3A_665 : i32
    %ne3A_667 = vector.broadcast %sign3A_666 : i32 to vector<1x256xi32>
    %ne3A_668 = arith.cmpi ne, %sign3A_659, %ne3A_667 : vector<1x256xi32>
    %rem3A_669 = vector.broadcast %jit3A_648 : i32 to vector<1x256xi32>
    %rem3A_670 = arith.remsi %iota3A_141, %rem3A_669 : vector<1x256xi32>
    %ne3A_671 = arith.constant 0 : i32
    %ne3A_672 = vector.broadcast %ne3A_671 : i32 to vector<1x256xi32>
    %ne3A_673 = arith.cmpi ne, %rem3A_670, %ne3A_672 : vector<1x256xi32>
    %and3A_674 = arith.andi %ne3A_668, %ne3A_673 : vector<1x256xi1>
    %sub3A_675 = arith.constant 1 : i32
    %sub3A_676 = vector.broadcast %sub3A_675 : i32 to vector<1x256xi32>
    %sub3A_677 = arith.subi %div3A_650, %sub3A_676 : vector<1x256xi32>
    %select_n3A_678 = arith.select %and3A_674, %sub3A_677, %div3A_650 : vector<1x256xi1>, vector<1x256xi32>
    %jit3A_679 = arith.constant 4 : i32
    %eq3A_680 = arith.constant 0 : i32
    %eq3A_681 = arith.cmpi eq, %jit3A_679, %eq3A_680 : i32
    %jit3A_682 = arith.constant 1 : i32
    %select_n3A_683 = arith.select %eq3A_681, %jit3A_682, %jit3A_679 : i32
    %rem3A_684 = vector.broadcast %select_n3A_683 : i32 to vector<1x256xi32>
    %rem3A_685 = arith.remsi %select_n3A_678, %rem3A_684 : vector<1x256xi32>
    %ne3A_686 = arith.constant 0 : i32
    %ne3A_687 = vector.broadcast %ne3A_686 : i32 to vector<1x256xi32>
    %ne3A_688 = arith.cmpi ne, %rem3A_685, %ne3A_687 : vector<1x256xi32>
    %lt3A_689 = arith.constant 0 : i32
    %lt3A_690 = vector.broadcast %lt3A_689 : i32 to vector<1x256xi32>
    %lt3A_691 = arith.cmpi slt, %rem3A_685, %lt3A_690 : vector<1x256xi32>
    %lt3A_692 = arith.constant 0 : i32
    %lt3A_693 = arith.cmpi slt, %select_n3A_683, %lt3A_692 : i32
    %ne3A_694 = vector.broadcast %lt3A_693 : i1 to vector<1x256xi1>
    %ne3A_695 = vector.broadcast %ne3A_694 : vector<1x256xi1> to vector<1x256xi1>
    %ne3A_696 = arith.xori %lt3A_691, %ne3A_695 : vector<1x256xi1>
    %and3A_697 = arith.andi %ne3A_696, %ne3A_688 : vector<1x256xi1>
    %add3A_698 = vector.broadcast %select_n3A_683 : i32 to vector<1x256xi32>
    %add3A_699 = arith.addi %rem3A_685, %add3A_698 : vector<1x256xi32>
    %select_n3A_700 = arith.select %and3A_697, %add3A_699, %rem3A_685 : vector<1x256xi1>, vector<1x256xi32>
    %jit3A_701 = arith.constant 4 : i32
    %eq3A_702 = arith.constant 0 : i32
    %eq3A_703 = arith.cmpi eq, %jit3A_701, %eq3A_702 : i32
    %jit3A_704 = arith.constant 1 : i32
    %select_n3A_705 = arith.select %eq3A_703, %jit3A_704, %jit3A_701 : i32
    %rem3A_706 = vector.broadcast %select_n3A_705 : i32 to vector<1x256xi32>
    %rem3A_707 = arith.remsi %iota3A_141, %rem3A_706 : vector<1x256xi32>
    %ne3A_708 = arith.constant 0 : i32
    %ne3A_709 = vector.broadcast %ne3A_708 : i32 to vector<1x256xi32>
    %ne3A_710 = arith.cmpi ne, %rem3A_707, %ne3A_709 : vector<1x256xi32>
    %lt3A_711 = arith.constant 0 : i32
    %lt3A_712 = vector.broadcast %lt3A_711 : i32 to vector<1x256xi32>
    %lt3A_713 = arith.cmpi slt, %rem3A_707, %lt3A_712 : vector<1x256xi32>
    %lt3A_714 = arith.constant 0 : i32
    %lt3A_715 = arith.cmpi slt, %select_n3A_705, %lt3A_714 : i32
    %ne3A_716 = vector.broadcast %lt3A_715 : i1 to vector<1x256xi1>
    %ne3A_717 = vector.broadcast %ne3A_716 : vector<1x256xi1> to vector<1x256xi1>
    %ne3A_718 = arith.xori %lt3A_713, %ne3A_717 : vector<1x256xi1>
    %and3A_719 = arith.andi %ne3A_718, %ne3A_710 : vector<1x256xi1>
    %add3A_720 = vector.broadcast %select_n3A_705 : i32 to vector<1x256xi32>
    %add3A_721 = arith.addi %rem3A_707, %add3A_720 : vector<1x256xi32>
    %select_n3A_722 = arith.select %and3A_719, %add3A_721, %rem3A_707 : vector<1x256xi1>, vector<1x256xi32>
    %mul3A_723 = arith.constant 8 : i32
    %mul3A_724 = arith.muli %arg0, %mul3A_723 : i32
    %add3A_725 = arith.constant 2 : i32
    %add3A_726 = arith.addi %mul3A_724, %add3A_725 : i32
    %mul3A_727 = arith.constant 1024 : i32
    %mul3A_728 = arith.muli %add3A_726, %mul3A_727 : i32
    %jit3A_729 = arith.constant 8 : i32
    %div3A_730 = vector.broadcast %jit3A_729 : i32 to vector<1x256xi32>
    %div3A_731 = arith.divsi %convert_element_type3A_647, %div3A_730 : vector<1x256xi32>
    %sign3A_732 = arith.constant 0 : i32
    %sign3A_733 = vector.broadcast %sign3A_732 : i32 to vector<1x256xi32>
    %sign3A_734 = arith.cmpi sgt, %convert_element_type3A_647, %sign3A_733 : vector<1x256xi32>
    %sign3A_735 = arith.extui %sign3A_734 : vector<1x256xi1> to vector<1x256xi32>
    %sign3A_736 = arith.constant 0 : i32
    %sign3A_737 = vector.broadcast %sign3A_736 : i32 to vector<1x256xi32>
    %sign3A_738 = arith.cmpi slt, %convert_element_type3A_647, %sign3A_737 : vector<1x256xi32>
    %sign3A_739 = arith.extui %sign3A_738 : vector<1x256xi1> to vector<1x256xi32>
    %sign3A_740 = arith.subi %sign3A_735, %sign3A_739 : vector<1x256xi32>
    %sign3A_741 = arith.constant 0 : i32
    %sign3A_742 = arith.cmpi sgt, %jit3A_729, %sign3A_741 : i32
    %sign3A_743 = arith.extui %sign3A_742 : i1 to i32
    %sign3A_744 = arith.constant 0 : i32
    %sign3A_745 = arith.cmpi slt, %jit3A_729, %sign3A_744 : i32
    %sign3A_746 = arith.extui %sign3A_745 : i1 to i32
    %sign3A_747 = arith.subi %sign3A_743, %sign3A_746 : i32
    %ne3A_748 = vector.broadcast %sign3A_747 : i32 to vector<1x256xi32>
    %ne3A_749 = arith.cmpi ne, %sign3A_740, %ne3A_748 : vector<1x256xi32>
    %rem3A_750 = vector.broadcast %jit3A_729 : i32 to vector<1x256xi32>
    %rem3A_751 = arith.remsi %convert_element_type3A_647, %rem3A_750 : vector<1x256xi32>
    %ne3A_752 = arith.constant 0 : i32
    %ne3A_753 = vector.broadcast %ne3A_752 : i32 to vector<1x256xi32>
    %ne3A_754 = arith.cmpi ne, %rem3A_751, %ne3A_753 : vector<1x256xi32>
    %and3A_755 = arith.andi %ne3A_749, %ne3A_754 : vector<1x256xi1>
    %sub3A_756 = arith.constant 1 : i32
    %sub3A_757 = vector.broadcast %sub3A_756 : i32 to vector<1x256xi32>
    %sub3A_758 = arith.subi %div3A_731, %sub3A_757 : vector<1x256xi32>
    %select_n3A_759 = arith.select %and3A_755, %sub3A_758, %div3A_731 : vector<1x256xi1>, vector<1x256xi32>
    %mul3A_760 = arith.constant 128 : i32
    %mul3A_761 = vector.broadcast %mul3A_760 : i32 to vector<1x256xi32>
    %mul3A_762 = arith.muli %select_n3A_759, %mul3A_761 : vector<1x256xi32>
    %add3A_763 = vector.broadcast %mul3A_728 : i32 to vector<1x256xi32>
    %add3A_764 = arith.addi %add3A_763, %mul3A_762 : vector<1x256xi32>
    %jit3A_765 = arith.constant 8 : i32
    %eq3A_766 = arith.constant 0 : i32
    %eq3A_767 = arith.cmpi eq, %jit3A_765, %eq3A_766 : i32
    %jit3A_768 = arith.constant 1 : i32
    %select_n3A_769 = arith.select %eq3A_767, %jit3A_768, %jit3A_765 : i32
    %rem3A_770 = vector.broadcast %select_n3A_769 : i32 to vector<1x256xi32>
    %rem3A_771 = arith.remsi %convert_element_type3A_647, %rem3A_770 : vector<1x256xi32>
    %ne3A_772 = arith.constant 0 : i32
    %ne3A_773 = vector.broadcast %ne3A_772 : i32 to vector<1x256xi32>
    %ne3A_774 = arith.cmpi ne, %rem3A_771, %ne3A_773 : vector<1x256xi32>
    %lt3A_775 = arith.constant 0 : i32
    %lt3A_776 = vector.broadcast %lt3A_775 : i32 to vector<1x256xi32>
    %lt3A_777 = arith.cmpi slt, %rem3A_771, %lt3A_776 : vector<1x256xi32>
    %lt3A_778 = arith.constant 0 : i32
    %lt3A_779 = arith.cmpi slt, %select_n3A_769, %lt3A_778 : i32
    %ne3A_780 = vector.broadcast %lt3A_779 : i1 to vector<1x256xi1>
    %ne3A_781 = vector.broadcast %ne3A_780 : vector<1x256xi1> to vector<1x256xi1>
    %ne3A_782 = arith.xori %lt3A_777, %ne3A_781 : vector<1x256xi1>
    %and3A_783 = arith.andi %ne3A_782, %ne3A_774 : vector<1x256xi1>
    %add3A_784 = vector.broadcast %select_n3A_769 : i32 to vector<1x256xi32>
    %add3A_785 = arith.addi %rem3A_771, %add3A_784 : vector<1x256xi32>
    %select_n3A_786 = arith.select %and3A_783, %add3A_785, %rem3A_771 : vector<1x256xi1>, vector<1x256xi32>
    %mul3A_787 = arith.constant 4 : i32
    %mul3A_788 = vector.broadcast %mul3A_787 : i32 to vector<1x256xi32>
    %mul3A_789 = arith.muli %select_n3A_786, %mul3A_788 : vector<1x256xi32>
    %add3A_790 = arith.addi %add3A_764, %mul3A_789 : vector<1x256xi32>
    %mul3A_791 = arith.constant 32 : i32
    %mul3A_792 = vector.broadcast %mul3A_791 : i32 to vector<1x256xi32>
    %mul3A_793 = arith.muli %select_n3A_700, %mul3A_792 : vector<1x256xi32>
    %add3A_794 = arith.addi %add3A_790, %mul3A_793 : vector<1x256xi32>
    %add3A_795 = arith.addi %add3A_794, %select_n3A_722 : vector<1x256xi32>
    %swap3A_796 = arith.constant 2 : index
    %swap3A_797 = arith.constant 0 : index
    %swap3A_798 = vector.load %arg3[%swap3A_796, %swap3A_797] : memref<8x256xi32, #tpu.memory_space<vmem>>, vector<1x256xi32>
    tpu.vector_store %arg3[%swap3A_796, %swap3A_797], %add3A_795 {strides = array<i32>} : memref<8x256xi32, #tpu.memory_space<vmem>>, vector<1x256xi32>,
    %get3A_799 = arith.constant 3 : index
    %get3A_800 = arith.constant 0 : index
    %get3A_801 = arith.constant 0 : index
    %get3A_802 = vector.load %arg1[%get3A_799, %get3A_800, %get3A_801] : memref<8x64x384xf32, #tpu.memory_space<vmem>>, vector<1x64x384xf32>
    %get3A_803 = vector.shape_cast %get3A_802 : vector<1x64x384xf32> to vector<64x384xf32>
    %reduce_max3A_804 = arith.constant dense<0xFF800000> : vector<384xf32>
    %reduce_max3A_805 = vector.multi_reduction <maximumf>, %get3A_803, %reduce_max3A_804 [0] : vector<64x384xf32> to vector<384xf32>
    %broadcast_in_dim3A_806 = vector.shape_cast %reduce_max3A_805 : vector<384xf32> to vector<1x384xf32>
    %get3A_807 = arith.constant 3 : index
    %get3A_808 = arith.constant 0 : index
    %get3A_809 = arith.constant 0 : index
    %get3A_810 = vector.load %arg2[%get3A_807, %get3A_808, %get3A_809] : memref<8x1024x384xf32, #tpu.memory_space<vmem>>, vector<1x1024x384xf32>
    %get3A_811 = vector.shape_cast %get3A_810 : vector<1x1024x384xf32> to vector<1024x384xf32>
    %dot_general3A_812 = arith.constant dense<0.000000e+00> : vector<1x1024xf32>
    %dot_general3A_813 = tpu.matmul %broadcast_in_dim3A_806, %get3A_811, %dot_general3A_812 {dimension_numbers = #tpu.dot_dimension_numbers<[1], [1], [0], [0], [0, 0, 1, 0], [], []>, transpose_lhs_hint = false} : vector<1x384xf32>, vector<1024x384xf32>, vector<1x1024xf32> -> vector<1x1024xf32>
    %dot_general3A_814 = arith.constant dense<0.000000e+00> : vector<1x64xf32>
    %dot_general3A_815 = tpu.matmul %dot_general3A_813, %convert_element_type3A_130, %dot_general3A_814 {dimension_numbers = #tpu.dot_dimension_numbers<[1], [1], [0], [0], [0, 0, 1, 0], [], []>, precision = #tpu.contract_precision<fp32>, transpose_lhs_hint = false} : vector<1x1024xf32>, vector<64x1024xf32>, vector<1x64xf32> -> vector<1x64xf32>
    %dot_general3A_816 = arith.constant dense<0.000000e+00> : vector<64x1xf32>
    %dot_general3A_817 = tpu.matmul %convert_element_type3A_135, %dot_general3A_815, %dot_general3A_816 {dimension_numbers = #tpu.dot_dimension_numbers<[1], [1], [0], [0], [0, 0, 1, 0], [], []>, precision = #tpu.contract_precision<fp32>, transpose_lhs_hint = false} : vector<64x64xf32>, vector<1x64xf32>, vector<64x1xf32> -> vector<64x1xf32>
    %broadcast_in_dim3A_818 = vector.shape_cast %dot_general3A_815 : vector<1x64xf32> to vector<1x64xf32>
    %broadcast_in_dim3A_819 = vector.broadcast %broadcast_in_dim3A_818 : vector<1x64xf32> to vector<64x64xf32>
    %broadcast_in_dim3A_820 = vector.shape_cast %dot_general3A_817 : vector<64x1xf32> to vector<64x1xf32>
    %broadcast_in_dim3A_821 = vector.broadcast %broadcast_in_dim3A_820 : vector<64x1xf32> to vector<64x64xf32>
    %gt3A_822 = arith.cmpf ogt, %broadcast_in_dim3A_819, %broadcast_in_dim3A_821 : vector<64x64xf32>
    %eq3A_823 = arith.cmpf oeq, %broadcast_in_dim3A_819, %broadcast_in_dim3A_821 : vector<64x64xf32>
    %lt3A_824 = arith.cmpi slt, %iota3A_137, %iota3A_136 : vector<64x64xi32>
    %and3A_825 = arith.andi %eq3A_823, %lt3A_824 : vector<64x64xi1>
    %or3A_826 = arith.ori %gt3A_822, %and3A_825 : vector<64x64xi1>
    %convert_element_type3A_827 = arith.extui %or3A_826 : vector<64x64xi1> to vector<64x64xi32>
    %reduce_sum3A_828 = arith.constant dense<0> : vector<64xi32>
    %reduce_sum3A_829 = vector.multi_reduction <add>, %convert_element_type3A_827, %reduce_sum3A_828 [1] : vector<64x64xi32> to vector<64xi32>
    %broadcast_in_dim3A_830 = vector.shape_cast %reduce_sum3A_829 : vector<64xi32> to vector<64x1xi32>
    %broadcast_in_dim3A_831 = vector.shape_cast %broadcast_in_dim3A_830 : vector<64x1xi32> to vector<64x1xi32>
    %broadcast_in_dim3A_832 = vector.broadcast %broadcast_in_dim3A_831 : vector<64x1xi32> to vector<64x256xi32>
    %jit3A_833 = arith.constant 16 : i32
    %div3A_834 = vector.broadcast %jit3A_833 : i32 to vector<64x256xi32>
    %div3A_835 = arith.divsi %iota3A_140, %div3A_834 : vector<64x256xi32>
    %sign3A_836 = arith.constant 0 : i32
    %sign3A_837 = vector.broadcast %sign3A_836 : i32 to vector<64x256xi32>
    %sign3A_838 = arith.cmpi sgt, %iota3A_140, %sign3A_837 : vector<64x256xi32>
    %sign3A_839 = arith.extui %sign3A_838 : vector<64x256xi1> to vector<64x256xi32>
    %sign3A_840 = arith.constant 0 : i32
    %sign3A_841 = vector.broadcast %sign3A_840 : i32 to vector<64x256xi32>
    %sign3A_842 = arith.cmpi slt, %iota3A_140, %sign3A_841 : vector<64x256xi32>
    %sign3A_843 = arith.extui %sign3A_842 : vector<64x256xi1> to vector<64x256xi32>
    %sign3A_844 = arith.subi %sign3A_839, %sign3A_843 : vector<64x256xi32>
    %sign3A_845 = arith.constant 0 : i32
    %sign3A_846 = arith.cmpi sgt, %jit3A_833, %sign3A_845 : i32
    %sign3A_847 = arith.extui %sign3A_846 : i1 to i32
    %sign3A_848 = arith.constant 0 : i32
    %sign3A_849 = arith.cmpi slt, %jit3A_833, %sign3A_848 : i32
    %sign3A_850 = arith.extui %sign3A_849 : i1 to i32
    %sign3A_851 = arith.subi %sign3A_847, %sign3A_850 : i32
    %ne3A_852 = vector.broadcast %sign3A_851 : i32 to vector<64x256xi32>
    %ne3A_853 = arith.cmpi ne, %sign3A_844, %ne3A_852 : vector<64x256xi32>
    %rem3A_854 = vector.broadcast %jit3A_833 : i32 to vector<64x256xi32>
    %rem3A_855 = arith.remsi %iota3A_140, %rem3A_854 : vector<64x256xi32>
    %ne3A_856 = arith.constant 0 : i32
    %ne3A_857 = vector.broadcast %ne3A_856 : i32 to vector<64x256xi32>
    %ne3A_858 = arith.cmpi ne, %rem3A_855, %ne3A_857 : vector<64x256xi32>
    %and3A_859 = arith.andi %ne3A_853, %ne3A_858 : vector<64x256xi1>
    %sub3A_860 = arith.constant 1 : i32
    %sub3A_861 = vector.broadcast %sub3A_860 : i32 to vector<64x256xi32>
    %sub3A_862 = arith.subi %div3A_835, %sub3A_861 : vector<64x256xi32>
    %select_n3A_863 = arith.select %and3A_859, %sub3A_862, %div3A_835 : vector<64x256xi1>, vector<64x256xi32>
    %eq3A_864 = arith.cmpi eq, %broadcast_in_dim3A_832, %select_n3A_863 : vector<64x256xi32>
    %convert_element_type3A_865 = arith.extui %eq3A_864 : vector<64x256xi1> to vector<64x256xi32>
    %convert_element_type3A_866 = arith.sitofp %convert_element_type3A_865 : vector<64x256xi32> to vector<64x256xf32>
    %dot_general3A_867 = arith.constant dense<0.000000e+00> : vector<1x256xf32>
    %dot_general3A_868 = tpu.matmul %convert_element_type3A_139, %convert_element_type3A_866, %dot_general3A_867 {dimension_numbers = #tpu.dot_dimension_numbers<[1], [0], [0], [1], [0, 0, 1, 1], [], []>, transpose_lhs_hint = false} : vector<1x64xf32>, vector<64x256xf32>, vector<1x256xf32> -> vector<1x256xf32>
    %convert_element_type3A_869 = arith.fptosi %dot_general3A_868 : vector<1x256xf32> to vector<1x256xi32>
    %jit3A_870 = arith.constant 4 : i32
    %div3A_871 = vector.broadcast %jit3A_870 : i32 to vector<1x256xi32>
    %div3A_872 = arith.divsi %iota3A_141, %div3A_871 : vector<1x256xi32>
    %sign3A_873 = arith.constant 0 : i32
    %sign3A_874 = vector.broadcast %sign3A_873 : i32 to vector<1x256xi32>
    %sign3A_875 = arith.cmpi sgt, %iota3A_141, %sign3A_874 : vector<1x256xi32>
    %sign3A_876 = arith.extui %sign3A_875 : vector<1x256xi1> to vector<1x256xi32>
    %sign3A_877 = arith.constant 0 : i32
    %sign3A_878 = vector.broadcast %sign3A_877 : i32 to vector<1x256xi32>
    %sign3A_879 = arith.cmpi slt, %iota3A_141, %sign3A_878 : vector<1x256xi32>
    %sign3A_880 = arith.extui %sign3A_879 : vector<1x256xi1> to vector<1x256xi32>
    %sign3A_881 = arith.subi %sign3A_876, %sign3A_880 : vector<1x256xi32>
    %sign3A_882 = arith.constant 0 : i32
    %sign3A_883 = arith.cmpi sgt, %jit3A_870, %sign3A_882 : i32
    %sign3A_884 = arith.extui %sign3A_883 : i1 to i32
    %sign3A_885 = arith.constant 0 : i32
    %sign3A_886 = arith.cmpi slt, %jit3A_870, %sign3A_885 : i32
    %sign3A_887 = arith.extui %sign3A_886 : i1 to i32
    %sign3A_888 = arith.subi %sign3A_884, %sign3A_887 : i32
    %ne3A_889 = vector.broadcast %sign3A_888 : i32 to vector<1x256xi32>
    %ne3A_890 = arith.cmpi ne, %sign3A_881, %ne3A_889 : vector<1x256xi32>
    %rem3A_891 = vector.broadcast %jit3A_870 : i32 to vector<1x256xi32>
    %rem3A_892 = arith.remsi %iota3A_141, %rem3A_891 : vector<1x256xi32>
    %ne3A_893 = arith.constant 0 : i32
    %ne3A_894 = vector.broadcast %ne3A_893 : i32 to vector<1x256xi32>
    %ne3A_895 = arith.cmpi ne, %rem3A_892, %ne3A_894 : vector<1x256xi32>
    %and3A_896 = arith.andi %ne3A_890, %ne3A_895 : vector<1x256xi1>
    %sub3A_897 = arith.constant 1 : i32
    %sub3A_898 = vector.broadcast %sub3A_897 : i32 to vector<1x256xi32>
    %sub3A_899 = arith.subi %div3A_872, %sub3A_898 : vector<1x256xi32>
    %select_n3A_900 = arith.select %and3A_896, %sub3A_899, %div3A_872 : vector<1x256xi1>, vector<1x256xi32>
    %jit3A_901 = arith.constant 4 : i32
    %eq3A_902 = arith.constant 0 : i32
    %eq3A_903 = arith.cmpi eq, %jit3A_901, %eq3A_902 : i32
    %jit3A_904 = arith.constant 1 : i32
    %select_n3A_905 = arith.select %eq3A_903, %jit3A_904, %jit3A_901 : i32
    %rem3A_906 = vector.broadcast %select_n3A_905 : i32 to vector<1x256xi32>
    %rem3A_907 = arith.remsi %select_n3A_900, %rem3A_906 : vector<1x256xi32>
    %ne3A_908 = arith.constant 0 : i32
    %ne3A_909 = vector.broadcast %ne3A_908 : i32 to vector<1x256xi32>
    %ne3A_910 = arith.cmpi ne, %rem3A_907, %ne3A_909 : vector<1x256xi32>
    %lt3A_911 = arith.constant 0 : i32
    %lt3A_912 = vector.broadcast %lt3A_911 : i32 to vector<1x256xi32>
    %lt3A_913 = arith.cmpi slt, %rem3A_907, %lt3A_912 : vector<1x256xi32>
    %lt3A_914 = arith.constant 0 : i32
    %lt3A_915 = arith.cmpi slt, %select_n3A_905, %lt3A_914 : i32
    %ne3A_916 = vector.broadcast %lt3A_915 : i1 to vector<1x256xi1>
    %ne3A_917 = vector.broadcast %ne3A_916 : vector<1x256xi1> to vector<1x256xi1>
    %ne3A_918 = arith.xori %lt3A_913, %ne3A_917 : vector<1x256xi1>
    %and3A_919 = arith.andi %ne3A_918, %ne3A_910 : vector<1x256xi1>
    %add3A_920 = vector.broadcast %select_n3A_905 : i32 to vector<1x256xi32>
    %add3A_921 = arith.addi %rem3A_907, %add3A_920 : vector<1x256xi32>
    %select_n3A_922 = arith.select %and3A_919, %add3A_921, %rem3A_907 : vector<1x256xi1>, vector<1x256xi32>
    %jit3A_923 = arith.constant 4 : i32
    %eq3A_924 = arith.constant 0 : i32
    %eq3A_925 = arith.cmpi eq, %jit3A_923, %eq3A_924 : i32
    %jit3A_926 = arith.constant 1 : i32
    %select_n3A_927 = arith.select %eq3A_925, %jit3A_926, %jit3A_923 : i32
    %rem3A_928 = vector.broadcast %select_n3A_927 : i32 to vector<1x256xi32>
    %rem3A_929 = arith.remsi %iota3A_141, %rem3A_928 : vector<1x256xi32>
    %ne3A_930 = arith.constant 0 : i32
    %ne3A_931 = vector.broadcast %ne3A_930 : i32 to vector<1x256xi32>
    %ne3A_932 = arith.cmpi ne, %rem3A_929, %ne3A_931 : vector<1x256xi32>
    %lt3A_933 = arith.constant 0 : i32
    %lt3A_934 = vector.broadcast %lt3A_933 : i32 to vector<1x256xi32>
    %lt3A_935 = arith.cmpi slt, %rem3A_929, %lt3A_934 : vector<1x256xi32>
    %lt3A_936 = arith.constant 0 : i32
    %lt3A_937 = arith.cmpi slt, %select_n3A_927, %lt3A_936 : i32
    %ne3A_938 = vector.broadcast %lt3A_937 : i1 to vector<1x256xi1>
    %ne3A_939 = vector.broadcast %ne3A_938 : vector<1x256xi1> to vector<1x256xi1>
    %ne3A_940 = arith.xori %lt3A_935, %ne3A_939 : vector<1x256xi1>
    %and3A_941 = arith.andi %ne3A_940, %ne3A_932 : vector<1x256xi1>
    %add3A_942 = vector.broadcast %select_n3A_927 : i32 to vector<1x256xi32>
    %add3A_943 = arith.addi %rem3A_929, %add3A_942 : vector<1x256xi32>
    %select_n3A_944 = arith.select %and3A_941, %add3A_943, %rem3A_929 : vector<1x256xi1>, vector<1x256xi32>
    %mul3A_945 = arith.constant 8 : i32
    %mul3A_946 = arith.muli %arg0, %mul3A_945 : i32
    %add3A_947 = arith.constant 3 : i32
    %add3A_948 = arith.addi %mul3A_946, %add3A_947 : i32
    %mul3A_949 = arith.constant 1024 : i32
    %mul3A_950 = arith.muli %add3A_948, %mul3A_949 : i32
    %jit3A_951 = arith.constant 8 : i32
    %div3A_952 = vector.broadcast %jit3A_951 : i32 to vector<1x256xi32>
    %div3A_953 = arith.divsi %convert_element_type3A_869, %div3A_952 : vector<1x256xi32>
    %sign3A_954 = arith.constant 0 : i32
    %sign3A_955 = vector.broadcast %sign3A_954 : i32 to vector<1x256xi32>
    %sign3A_956 = arith.cmpi sgt, %convert_element_type3A_869, %sign3A_955 : vector<1x256xi32>
    %sign3A_957 = arith.extui %sign3A_956 : vector<1x256xi1> to vector<1x256xi32>
    %sign3A_958 = arith.constant 0 : i32
    %sign3A_959 = vector.broadcast %sign3A_958 : i32 to vector<1x256xi32>
    %sign3A_960 = arith.cmpi slt, %convert_element_type3A_869, %sign3A_959 : vector<1x256xi32>
    %sign3A_961 = arith.extui %sign3A_960 : vector<1x256xi1> to vector<1x256xi32>
    %sign3A_962 = arith.subi %sign3A_957, %sign3A_961 : vector<1x256xi32>
    %sign3A_963 = arith.constant 0 : i32
    %sign3A_964 = arith.cmpi sgt, %jit3A_951, %sign3A_963 : i32
    %sign3A_965 = arith.extui %sign3A_964 : i1 to i32
    %sign3A_966 = arith.constant 0 : i32
    %sign3A_967 = arith.cmpi slt, %jit3A_951, %sign3A_966 : i32
    %sign3A_968 = arith.extui %sign3A_967 : i1 to i32
    %sign3A_969 = arith.subi %sign3A_965, %sign3A_968 : i32
    %ne3A_970 = vector.broadcast %sign3A_969 : i32 to vector<1x256xi32>
    %ne3A_971 = arith.cmpi ne, %sign3A_962, %ne3A_970 : vector<1x256xi32>
    %rem3A_972 = vector.broadcast %jit3A_951 : i32 to vector<1x256xi32>
    %rem3A_973 = arith.remsi %convert_element_type3A_869, %rem3A_972 : vector<1x256xi32>
    %ne3A_974 = arith.constant 0 : i32
    %ne3A_975 = vector.broadcast %ne3A_974 : i32 to vector<1x256xi32>
    %ne3A_976 = arith.cmpi ne, %rem3A_973, %ne3A_975 : vector<1x256xi32>
    %and3A_977 = arith.andi %ne3A_971, %ne3A_976 : vector<1x256xi1>
    %sub3A_978 = arith.constant 1 : i32
    %sub3A_979 = vector.broadcast %sub3A_978 : i32 to vector<1x256xi32>
    %sub3A_980 = arith.subi %div3A_953, %sub3A_979 : vector<1x256xi32>
    %select_n3A_981 = arith.select %and3A_977, %sub3A_980, %div3A_953 : vector<1x256xi1>, vector<1x256xi32>
    %mul3A_982 = arith.constant 128 : i32
    %mul3A_983 = vector.broadcast %mul3A_982 : i32 to vector<1x256xi32>
    %mul3A_984 = arith.muli %select_n3A_981, %mul3A_983 : vector<1x256xi32>
    %add3A_985 = vector.broadcast %mul3A_950 : i32 to vector<1x256xi32>
    %add3A_986 = arith.addi %add3A_985, %mul3A_984 : vector<1x256xi32>
    %jit3A_987 = arith.constant 8 : i32
    %eq3A_988 = arith.constant 0 : i32
    %eq3A_989 = arith.cmpi eq, %jit3A_987, %eq3A_988 : i32
    %jit3A_990 = arith.constant 1 : i32
    %select_n3A_991 = arith.select %eq3A_989, %jit3A_990, %jit3A_987 : i32
    %rem3A_992 = vector.broadcast %select_n3A_991 : i32 to vector<1x256xi32>
    %rem3A_993 = arith.remsi %convert_element_type3A_869, %rem3A_992 : vector<1x256xi32>
    %ne3A_994 = arith.constant 0 : i32
    %ne3A_995 = vector.broadcast %ne3A_994 : i32 to vector<1x256xi32>
    %ne3A_996 = arith.cmpi ne, %rem3A_993, %ne3A_995 : vector<1x256xi32>
    %lt3A_997 = arith.constant 0 : i32
    %lt3A_998 = vector.broadcast %lt3A_997 : i32 to vector<1x256xi32>
    %lt3A_999 = arith.cmpi slt, %rem3A_993, %lt3A_998 : vector<1x256xi32>
    %lt3A_1000 = arith.constant 0 : i32
    %lt3A_1001 = arith.cmpi slt, %select_n3A_991, %lt3A_1000 : i32
    %ne3A_1002 = vector.broadcast %lt3A_1001 : i1 to vector<1x256xi1>
    %ne3A_1003 = vector.broadcast %ne3A_1002 : vector<1x256xi1> to vector<1x256xi1>
    %ne3A_1004 = arith.xori %lt3A_999, %ne3A_1003 : vector<1x256xi1>
    %and3A_1005 = arith.andi %ne3A_1004, %ne3A_996 : vector<1x256xi1>
    %add3A_1006 = vector.broadcast %select_n3A_991 : i32 to vector<1x256xi32>
    %add3A_1007 = arith.addi %rem3A_993, %add3A_1006 : vector<1x256xi32>
    %select_n3A_1008 = arith.select %and3A_1005, %add3A_1007, %rem3A_993 : vector<1x256xi1>, vector<1x256xi32>
    %mul3A_1009 = arith.constant 4 : i32
    %mul3A_1010 = vector.broadcast %mul3A_1009 : i32 to vector<1x256xi32>
    %mul3A_1011 = arith.muli %select_n3A_1008, %mul3A_1010 : vector<1x256xi32>
    %add3A_1012 = arith.addi %add3A_986, %mul3A_1011 : vector<1x256xi32>
    %mul3A_1013 = arith.constant 32 : i32
    %mul3A_1014 = vector.broadcast %mul3A_1013 : i32 to vector<1x256xi32>
    %mul3A_1015 = arith.muli %select_n3A_922, %mul3A_1014 : vector<1x256xi32>
    %add3A_1016 = arith.addi %add3A_1012, %mul3A_1015 : vector<1x256xi32>
    %add3A_1017 = arith.addi %add3A_1016, %select_n3A_944 : vector<1x256xi32>
    %swap3A_1018 = arith.constant 3 : index
    %swap3A_1019 = arith.constant 0 : index
    %swap3A_1020 = vector.load %arg3[%swap3A_1018, %swap3A_1019] : memref<8x256xi32, #tpu.memory_space<vmem>>, vector<1x256xi32>
    tpu.vector_store %arg3[%swap3A_1018, %swap3A_1019], %add3A_1017 {strides = array<i32>} : memref<8x256xi32, #tpu.memory_space<vmem>>, vector<1x256xi32>,
    %get3A_1021 = arith.constant 4 : index
    %get3A_1022 = arith.constant 0 : index
    %get3A_1023 = arith.constant 0 : index
    %get3A_1024 = vector.load %arg1[%get3A_1021, %get3A_1022, %get3A_1023] : memref<8x64x384xf32, #tpu.memory_space<vmem>>, vector<1x64x384xf32>
    %get3A_1025 = vector.shape_cast %get3A_1024 : vector<1x64x384xf32> to vector<64x384xf32>
    %reduce_max3A_1026 = arith.constant dense<0xFF800000> : vector<384xf32>
    %reduce_max3A_1027 = vector.multi_reduction <maximumf>, %get3A_1025, %reduce_max3A_1026 [0] : vector<64x384xf32> to vector<384xf32>
    %broadcast_in_dim3A_1028 = vector.shape_cast %reduce_max3A_1027 : vector<384xf32> to vector<1x384xf32>
    %get3A_1029 = arith.constant 4 : index
    %get3A_1030 = arith.constant 0 : index
    %get3A_1031 = arith.constant 0 : index
    %get3A_1032 = vector.load %arg2[%get3A_1029, %get3A_1030, %get3A_1031] : memref<8x1024x384xf32, #tpu.memory_space<vmem>>, vector<1x1024x384xf32>
    %get3A_1033 = vector.shape_cast %get3A_1032 : vector<1x1024x384xf32> to vector<1024x384xf32>
    %dot_general3A_1034 = arith.constant dense<0.000000e+00> : vector<1x1024xf32>
    %dot_general3A_1035 = tpu.matmul %broadcast_in_dim3A_1028, %get3A_1033, %dot_general3A_1034 {dimension_numbers = #tpu.dot_dimension_numbers<[1], [1], [0], [0], [0, 0, 1, 0], [], []>, transpose_lhs_hint = false} : vector<1x384xf32>, vector<1024x384xf32>, vector<1x1024xf32> -> vector<1x1024xf32>
    %dot_general3A_1036 = arith.constant dense<0.000000e+00> : vector<1x64xf32>
    %dot_general3A_1037 = tpu.matmul %dot_general3A_1035, %convert_element_type3A_130, %dot_general3A_1036 {dimension_numbers = #tpu.dot_dimension_numbers<[1], [1], [0], [0], [0, 0, 1, 0], [], []>, precision = #tpu.contract_precision<fp32>, transpose_lhs_hint = false} : vector<1x1024xf32>, vector<64x1024xf32>, vector<1x64xf32> -> vector<1x64xf32>
    %dot_general3A_1038 = arith.constant dense<0.000000e+00> : vector<64x1xf32>
    %dot_general3A_1039 = tpu.matmul %convert_element_type3A_135, %dot_general3A_1037, %dot_general3A_1038 {dimension_numbers = #tpu.dot_dimension_numbers<[1], [1], [0], [0], [0, 0, 1, 0], [], []>, precision = #tpu.contract_precision<fp32>, transpose_lhs_hint = false} : vector<64x64xf32>, vector<1x64xf32>, vector<64x1xf32> -> vector<64x1xf32>
    %broadcast_in_dim3A_1040 = vector.shape_cast %dot_general3A_1037 : vector<1x64xf32> to vector<1x64xf32>
    %broadcast_in_dim3A_1041 = vector.broadcast %broadcast_in_dim3A_1040 : vector<1x64xf32> to vector<64x64xf32>
    %broadcast_in_dim3A_1042 = vector.shape_cast %dot_general3A_1039 : vector<64x1xf32> to vector<64x1xf32>
    %broadcast_in_dim3A_1043 = vector.broadcast %broadcast_in_dim3A_1042 : vector<64x1xf32> to vector<64x64xf32>
    %gt3A_1044 = arith.cmpf ogt, %broadcast_in_dim3A_1041, %broadcast_in_dim3A_1043 : vector<64x64xf32>
    %eq3A_1045 = arith.cmpf oeq, %broadcast_in_dim3A_1041, %broadcast_in_dim3A_1043 : vector<64x64xf32>
    %lt3A_1046 = arith.cmpi slt, %iota3A_137, %iota3A_136 : vector<64x64xi32>
    %and3A_1047 = arith.andi %eq3A_1045, %lt3A_1046 : vector<64x64xi1>
    %or3A_1048 = arith.ori %gt3A_1044, %and3A_1047 : vector<64x64xi1>
    %convert_element_type3A_1049 = arith.extui %or3A_1048 : vector<64x64xi1> to vector<64x64xi32>
    %reduce_sum3A_1050 = arith.constant dense<0> : vector<64xi32>
    %reduce_sum3A_1051 = vector.multi_reduction <add>, %convert_element_type3A_1049, %reduce_sum3A_1050 [1] : vector<64x64xi32> to vector<64xi32>
    %broadcast_in_dim3A_1052 = vector.shape_cast %reduce_sum3A_1051 : vector<64xi32> to vector<64x1xi32>
    %broadcast_in_dim3A_1053 = vector.shape_cast %broadcast_in_dim3A_1052 : vector<64x1xi32> to vector<64x1xi32>
    %broadcast_in_dim3A_1054 = vector.broadcast %broadcast_in_dim3A_1053 : vector<64x1xi32> to vector<64x256xi32>
    %jit3A_1055 = arith.constant 16 : i32
    %div3A_1056 = vector.broadcast %jit3A_1055 : i32 to vector<64x256xi32>
    %div3A_1057 = arith.divsi %iota3A_140, %div3A_1056 : vector<64x256xi32>
    %sign3A_1058 = arith.constant 0 : i32
    %sign3A_1059 = vector.broadcast %sign3A_1058 : i32 to vector<64x256xi32>
    %sign3A_1060 = arith.cmpi sgt, %iota3A_140, %sign3A_1059 : vector<64x256xi32>
    %sign3A_1061 = arith.extui %sign3A_1060 : vector<64x256xi1> to vector<64x256xi32>
    %sign3A_1062 = arith.constant 0 : i32
    %sign3A_1063 = vector.broadcast %sign3A_1062 : i32 to vector<64x256xi32>
    %sign3A_1064 = arith.cmpi slt, %iota3A_140, %sign3A_1063 : vector<64x256xi32>
    %sign3A_1065 = arith.extui %sign3A_1064 : vector<64x256xi1> to vector<64x256xi32>
    %sign3A_1066 = arith.subi %sign3A_1061, %sign3A_1065 : vector<64x256xi32>
    %sign3A_1067 = arith.constant 0 : i32
    %sign3A_1068 = arith.cmpi sgt, %jit3A_1055, %sign3A_1067 : i32
    %sign3A_1069 = arith.extui %sign3A_1068 : i1 to i32
    %sign3A_1070 = arith.constant 0 : i32
    %sign3A_1071 = arith.cmpi slt, %jit3A_1055, %sign3A_1070 : i32
    %sign3A_1072 = arith.extui %sign3A_1071 : i1 to i32
    %sign3A_1073 = arith.subi %sign3A_1069, %sign3A_1072 : i32
    %ne3A_1074 = vector.broadcast %sign3A_1073 : i32 to vector<64x256xi32>
    %ne3A_1075 = arith.cmpi ne, %sign3A_1066, %ne3A_1074 : vector<64x256xi32>
    %rem3A_1076 = vector.broadcast %jit3A_1055 : i32 to vector<64x256xi32>
    %rem3A_1077 = arith.remsi %iota3A_140, %rem3A_1076 : vector<64x256xi32>
    %ne3A_1078 = arith.constant 0 : i32
    %ne3A_1079 = vector.broadcast %ne3A_1078 : i32 to vector<64x256xi32>
    %ne3A_1080 = arith.cmpi ne, %rem3A_1077, %ne3A_1079 : vector<64x256xi32>
    %and3A_1081 = arith.andi %ne3A_1075, %ne3A_1080 : vector<64x256xi1>
    %sub3A_1082 = arith.constant 1 : i32
    %sub3A_1083 = vector.broadcast %sub3A_1082 : i32 to vector<64x256xi32>
    %sub3A_1084 = arith.subi %div3A_1057, %sub3A_1083 : vector<64x256xi32>
    %select_n3A_1085 = arith.select %and3A_1081, %sub3A_1084, %div3A_1057 : vector<64x256xi1>, vector<64x256xi32>
    %eq3A_1086 = arith.cmpi eq, %broadcast_in_dim3A_1054, %select_n3A_1085 : vector<64x256xi32>
    %convert_element_type3A_1087 = arith.extui %eq3A_1086 : vector<64x256xi1> to vector<64x256xi32>
    %convert_element_type3A_1088 = arith.sitofp %convert_element_type3A_1087 : vector<64x256xi32> to vector<64x256xf32>
    %dot_general3A_1089 = arith.constant dense<0.000000e+00> : vector<1x256xf32>
    %dot_general3A_1090 = tpu.matmul %convert_element_type3A_139, %convert_element_type3A_1088, %dot_general3A_1089 {dimension_numbers = #tpu.dot_dimension_numbers<[1], [0], [0], [1], [0, 0, 1, 1], [], []>, transpose_lhs_hint = false} : vector<1x64xf32>, vector<64x256xf32>, vector<1x256xf32> -> vector<1x256xf32>
    %convert_element_type3A_1091 = arith.fptosi %dot_general3A_1090 : vector<1x256xf32> to vector<1x256xi32>
    %jit3A_1092 = arith.constant 4 : i32
    %div3A_1093 = vector.broadcast %jit3A_1092 : i32 to vector<1x256xi32>
    %div3A_1094 = arith.divsi %iota3A_141, %div3A_1093 : vector<1x256xi32>
    %sign3A_1095 = arith.constant 0 : i32
    %sign3A_1096 = vector.broadcast %sign3A_1095 : i32 to vector<1x256xi32>
    %sign3A_1097 = arith.cmpi sgt, %iota3A_141, %sign3A_1096 : vector<1x256xi32>
    %sign3A_1098 = arith.extui %sign3A_1097 : vector<1x256xi1> to vector<1x256xi32>
    %sign3A_1099 = arith.constant 0 : i32
    %sign3A_1100 = vector.broadcast %sign3A_1099 : i32 to vector<1x256xi32>
    %sign3A_1101 = arith.cmpi slt, %iota3A_141, %sign3A_1100 : vector<1x256xi32>
    %sign3A_1102 = arith.extui %sign3A_1101 : vector<1x256xi1> to vector<1x256xi32>
    %sign3A_1103 = arith.subi %sign3A_1098, %sign3A_1102 : vector<1x256xi32>
    %sign3A_1104 = arith.constant 0 : i32
    %sign3A_1105 = arith.cmpi sgt, %jit3A_1092, %sign3A_1104 : i32
    %sign3A_1106 = arith.extui %sign3A_1105 : i1 to i32
    %sign3A_1107 = arith.constant 0 : i32
    %sign3A_1108 = arith.cmpi slt, %jit3A_1092, %sign3A_1107 : i32
    %sign3A_1109 = arith.extui %sign3A_1108 : i1 to i32
    %sign3A_1110 = arith.subi %sign3A_1106, %sign3A_1109 : i32
    %ne3A_1111 = vector.broadcast %sign3A_1110 : i32 to vector<1x256xi32>
    %ne3A_1112 = arith.cmpi ne, %sign3A_1103, %ne3A_1111 : vector<1x256xi32>
    %rem3A_1113 = vector.broadcast %jit3A_1092 : i32 to vector<1x256xi32>
    %rem3A_1114 = arith.remsi %iota3A_141, %rem3A_1113 : vector<1x256xi32>
    %ne3A_1115 = arith.constant 0 : i32
    %ne3A_1116 = vector.broadcast %ne3A_1115 : i32 to vector<1x256xi32>
    %ne3A_1117 = arith.cmpi ne, %rem3A_1114, %ne3A_1116 : vector<1x256xi32>
    %and3A_1118 = arith.andi %ne3A_1112, %ne3A_1117 : vector<1x256xi1>
    %sub3A_1119 = arith.constant 1 : i32
    %sub3A_1120 = vector.broadcast %sub3A_1119 : i32 to vector<1x256xi32>
    %sub3A_1121 = arith.subi %div3A_1094, %sub3A_1120 : vector<1x256xi32>
    %select_n3A_1122 = arith.select %and3A_1118, %sub3A_1121, %div3A_1094 : vector<1x256xi1>, vector<1x256xi32>
    %jit3A_1123 = arith.constant 4 : i32
    %eq3A_1124 = arith.constant 0 : i32
    %eq3A_1125 = arith.cmpi eq, %jit3A_1123, %eq3A_1124 : i32
    %jit3A_1126 = arith.constant 1 : i32
    %select_n3A_1127 = arith.select %eq3A_1125, %jit3A_1126, %jit3A_1123 : i32
    %rem3A_1128 = vector.broadcast %select_n3A_1127 : i32 to vector<1x256xi32>
    %rem3A_1129 = arith.remsi %select_n3A_1122, %rem3A_1128 : vector<1x256xi32>
    %ne3A_1130 = arith.constant 0 : i32
    %ne3A_1131 = vector.broadcast %ne3A_1130 : i32 to vector<1x256xi32>
    %ne3A_1132 = arith.cmpi ne, %rem3A_1129, %ne3A_1131 : vector<1x256xi32>
    %lt3A_1133 = arith.constant 0 : i32
    %lt3A_1134 = vector.broadcast %lt3A_1133 : i32 to vector<1x256xi32>
    %lt3A_1135 = arith.cmpi slt, %rem3A_1129, %lt3A_1134 : vector<1x256xi32>
    %lt3A_1136 = arith.constant 0 : i32
    %lt3A_1137 = arith.cmpi slt, %select_n3A_1127, %lt3A_1136 : i32
    %ne3A_1138 = vector.broadcast %lt3A_1137 : i1 to vector<1x256xi1>
    %ne3A_1139 = vector.broadcast %ne3A_1138 : vector<1x256xi1> to vector<1x256xi1>
    %ne3A_1140 = arith.xori %lt3A_1135, %ne3A_1139 : vector<1x256xi1>
    %and3A_1141 = arith.andi %ne3A_1140, %ne3A_1132 : vector<1x256xi1>
    %add3A_1142 = vector.broadcast %select_n3A_1127 : i32 to vector<1x256xi32>
    %add3A_1143 = arith.addi %rem3A_1129, %add3A_1142 : vector<1x256xi32>
    %select_n3A_1144 = arith.select %and3A_1141, %add3A_1143, %rem3A_1129 : vector<1x256xi1>, vector<1x256xi32>
    %jit3A_1145 = arith.constant 4 : i32
    %eq3A_1146 = arith.constant 0 : i32
    %eq3A_1147 = arith.cmpi eq, %jit3A_1145, %eq3A_1146 : i32
    %jit3A_1148 = arith.constant 1 : i32
    %select_n3A_1149 = arith.select %eq3A_1147, %jit3A_1148, %jit3A_1145 : i32
    %rem3A_1150 = vector.broadcast %select_n3A_1149 : i32 to vector<1x256xi32>
    %rem3A_1151 = arith.remsi %iota3A_141, %rem3A_1150 : vector<1x256xi32>
    %ne3A_1152 = arith.constant 0 : i32
    %ne3A_1153 = vector.broadcast %ne3A_1152 : i32 to vector<1x256xi32>
    %ne3A_1154 = arith.cmpi ne, %rem3A_1151, %ne3A_1153 : vector<1x256xi32>
    %lt3A_1155 = arith.constant 0 : i32
    %lt3A_1156 = vector.broadcast %lt3A_1155 : i32 to vector<1x256xi32>
    %lt3A_1157 = arith.cmpi slt, %rem3A_1151, %lt3A_1156 : vector<1x256xi32>
    %lt3A_1158 = arith.constant 0 : i32
    %lt3A_1159 = arith.cmpi slt, %select_n3A_1149, %lt3A_1158 : i32
    %ne3A_1160 = vector.broadcast %lt3A_1159 : i1 to vector<1x256xi1>
    %ne3A_1161 = vector.broadcast %ne3A_1160 : vector<1x256xi1> to vector<1x256xi1>
    %ne3A_1162 = arith.xori %lt3A_1157, %ne3A_1161 : vector<1x256xi1>
    %and3A_1163 = arith.andi %ne3A_1162, %ne3A_1154 : vector<1x256xi1>
    %add3A_1164 = vector.broadcast %select_n3A_1149 : i32 to vector<1x256xi32>
    %add3A_1165 = arith.addi %rem3A_1151, %add3A_1164 : vector<1x256xi32>
    %select_n3A_1166 = arith.select %and3A_1163, %add3A_1165, %rem3A_1151 : vector<1x256xi1>, vector<1x256xi32>
    %mul3A_1167 = arith.constant 8 : i32
    %mul3A_1168 = arith.muli %arg0, %mul3A_1167 : i32
    %add3A_1169 = arith.constant 4 : i32
    %add3A_1170 = arith.addi %mul3A_1168, %add3A_1169 : i32
    %mul3A_1171 = arith.constant 1024 : i32
    %mul3A_1172 = arith.muli %add3A_1170, %mul3A_1171 : i32
    %jit3A_1173 = arith.constant 8 : i32
    %div3A_1174 = vector.broadcast %jit3A_1173 : i32 to vector<1x256xi32>
    %div3A_1175 = arith.divsi %convert_element_type3A_1091, %div3A_1174 : vector<1x256xi32>
    %sign3A_1176 = arith.constant 0 : i32
    %sign3A_1177 = vector.broadcast %sign3A_1176 : i32 to vector<1x256xi32>
    %sign3A_1178 = arith.cmpi sgt, %convert_element_type3A_1091, %sign3A_1177 : vector<1x256xi32>
    %sign3A_1179 = arith.extui %sign3A_1178 : vector<1x256xi1> to vector<1x256xi32>
    %sign3A_1180 = arith.constant 0 : i32
    %sign3A_1181 = vector.broadcast %sign3A_1180 : i32 to vector<1x256xi32>
    %sign3A_1182 = arith.cmpi slt, %convert_element_type3A_1091, %sign3A_1181 : vector<1x256xi32>
    %sign3A_1183 = arith.extui %sign3A_1182 : vector<1x256xi1> to vector<1x256xi32>
    %sign3A_1184 = arith.subi %sign3A_1179, %sign3A_1183 : vector<1x256xi32>
    %sign3A_1185 = arith.constant 0 : i32
    %sign3A_1186 = arith.cmpi sgt, %jit3A_1173, %sign3A_1185 : i32
    %sign3A_1187 = arith.extui %sign3A_1186 : i1 to i32
    %sign3A_1188 = arith.constant 0 : i32
    %sign3A_1189 = arith.cmpi slt, %jit3A_1173, %sign3A_1188 : i32
    %sign3A_1190 = arith.extui %sign3A_1189 : i1 to i32
    %sign3A_1191 = arith.subi %sign3A_1187, %sign3A_1190 : i32
    %ne3A_1192 = vector.broadcast %sign3A_1191 : i32 to vector<1x256xi32>
    %ne3A_1193 = arith.cmpi ne, %sign3A_1184, %ne3A_1192 : vector<1x256xi32>
    %rem3A_1194 = vector.broadcast %jit3A_1173 : i32 to vector<1x256xi32>
    %rem3A_1195 = arith.remsi %convert_element_type3A_1091, %rem3A_1194 : vector<1x256xi32>
    %ne3A_1196 = arith.constant 0 : i32
    %ne3A_1197 = vector.broadcast %ne3A_1196 : i32 to vector<1x256xi32>
    %ne3A_1198 = arith.cmpi ne, %rem3A_1195, %ne3A_1197 : vector<1x256xi32>
    %and3A_1199 = arith.andi %ne3A_1193, %ne3A_1198 : vector<1x256xi1>
    %sub3A_1200 = arith.constant 1 : i32
    %sub3A_1201 = vector.broadcast %sub3A_1200 : i32 to vector<1x256xi32>
    %sub3A_1202 = arith.subi %div3A_1175, %sub3A_1201 : vector<1x256xi32>
    %select_n3A_1203 = arith.select %and3A_1199, %sub3A_1202, %div3A_1175 : vector<1x256xi1>, vector<1x256xi32>
    %mul3A_1204 = arith.constant 128 : i32
    %mul3A_1205 = vector.broadcast %mul3A_1204 : i32 to vector<1x256xi32>
    %mul3A_1206 = arith.muli %select_n3A_1203, %mul3A_1205 : vector<1x256xi32>
    %add3A_1207 = vector.broadcast %mul3A_1172 : i32 to vector<1x256xi32>
    %add3A_1208 = arith.addi %add3A_1207, %mul3A_1206 : vector<1x256xi32>
    %jit3A_1209 = arith.constant 8 : i32
    %eq3A_1210 = arith.constant 0 : i32
    %eq3A_1211 = arith.cmpi eq, %jit3A_1209, %eq3A_1210 : i32
    %jit3A_1212 = arith.constant 1 : i32
    %select_n3A_1213 = arith.select %eq3A_1211, %jit3A_1212, %jit3A_1209 : i32
    %rem3A_1214 = vector.broadcast %select_n3A_1213 : i32 to vector<1x256xi32>
    %rem3A_1215 = arith.remsi %convert_element_type3A_1091, %rem3A_1214 : vector<1x256xi32>
    %ne3A_1216 = arith.constant 0 : i32
    %ne3A_1217 = vector.broadcast %ne3A_1216 : i32 to vector<1x256xi32>
    %ne3A_1218 = arith.cmpi ne, %rem3A_1215, %ne3A_1217 : vector<1x256xi32>
    %lt3A_1219 = arith.constant 0 : i32
    %lt3A_1220 = vector.broadcast %lt3A_1219 : i32 to vector<1x256xi32>
    %lt3A_1221 = arith.cmpi slt, %rem3A_1215, %lt3A_1220 : vector<1x256xi32>
    %lt3A_1222 = arith.constant 0 : i32
    %lt3A_1223 = arith.cmpi slt, %select_n3A_1213, %lt3A_1222 : i32
    %ne3A_1224 = vector.broadcast %lt3A_1223 : i1 to vector<1x256xi1>
    %ne3A_1225 = vector.broadcast %ne3A_1224 : vector<1x256xi1> to vector<1x256xi1>
    %ne3A_1226 = arith.xori %lt3A_1221, %ne3A_1225 : vector<1x256xi1>
    %and3A_1227 = arith.andi %ne3A_1226, %ne3A_1218 : vector<1x256xi1>
    %add3A_1228 = vector.broadcast %select_n3A_1213 : i32 to vector<1x256xi32>
    %add3A_1229 = arith.addi %rem3A_1215, %add3A_1228 : vector<1x256xi32>
    %select_n3A_1230 = arith.select %and3A_1227, %add3A_1229, %rem3A_1215 : vector<1x256xi1>, vector<1x256xi32>
    %mul3A_1231 = arith.constant 4 : i32
    %mul3A_1232 = vector.broadcast %mul3A_1231 : i32 to vector<1x256xi32>
    %mul3A_1233 = arith.muli %select_n3A_1230, %mul3A_1232 : vector<1x256xi32>
    %add3A_1234 = arith.addi %add3A_1208, %mul3A_1233 : vector<1x256xi32>
    %mul3A_1235 = arith.constant 32 : i32
    %mul3A_1236 = vector.broadcast %mul3A_1235 : i32 to vector<1x256xi32>
    %mul3A_1237 = arith.muli %select_n3A_1144, %mul3A_1236 : vector<1x256xi32>
    %add3A_1238 = arith.addi %add3A_1234, %mul3A_1237 : vector<1x256xi32>
    %add3A_1239 = arith.addi %add3A_1238, %select_n3A_1166 : vector<1x256xi32>
    %swap3A_1240 = arith.constant 4 : index
    %swap3A_1241 = arith.constant 0 : index
    %swap3A_1242 = vector.load %arg3[%swap3A_1240, %swap3A_1241] : memref<8x256xi32, #tpu.memory_space<vmem>>, vector<1x256xi32>
    tpu.vector_store %arg3[%swap3A_1240, %swap3A_1241], %add3A_1239 {strides = array<i32>} : memref<8x256xi32, #tpu.memory_space<vmem>>, vector<1x256xi32>,
    %get3A_1243 = arith.constant 5 : index
    %get3A_1244 = arith.constant 0 : index
    %get3A_1245 = arith.constant 0 : index
    %get3A_1246 = vector.load %arg1[%get3A_1243, %get3A_1244, %get3A_1245] : memref<8x64x384xf32, #tpu.memory_space<vmem>>, vector<1x64x384xf32>
    %get3A_1247 = vector.shape_cast %get3A_1246 : vector<1x64x384xf32> to vector<64x384xf32>
    %reduce_max3A_1248 = arith.constant dense<0xFF800000> : vector<384xf32>
    %reduce_max3A_1249 = vector.multi_reduction <maximumf>, %get3A_1247, %reduce_max3A_1248 [0] : vector<64x384xf32> to vector<384xf32>
    %broadcast_in_dim3A_1250 = vector.shape_cast %reduce_max3A_1249 : vector<384xf32> to vector<1x384xf32>
    %get3A_1251 = arith.constant 5 : index
    %get3A_1252 = arith.constant 0 : index
    %get3A_1253 = arith.constant 0 : index
    %get3A_1254 = vector.load %arg2[%get3A_1251, %get3A_1252, %get3A_1253] : memref<8x1024x384xf32, #tpu.memory_space<vmem>>, vector<1x1024x384xf32>
    %get3A_1255 = vector.shape_cast %get3A_1254 : vector<1x1024x384xf32> to vector<1024x384xf32>
    %dot_general3A_1256 = arith.constant dense<0.000000e+00> : vector<1x1024xf32>
    %dot_general3A_1257 = tpu.matmul %broadcast_in_dim3A_1250, %get3A_1255, %dot_general3A_1256 {dimension_numbers = #tpu.dot_dimension_numbers<[1], [1], [0], [0], [0, 0, 1, 0], [], []>, transpose_lhs_hint = false} : vector<1x384xf32>, vector<1024x384xf32>, vector<1x1024xf32> -> vector<1x1024xf32>
    %dot_general3A_1258 = arith.constant dense<0.000000e+00> : vector<1x64xf32>
    %dot_general3A_1259 = tpu.matmul %dot_general3A_1257, %convert_element_type3A_130, %dot_general3A_1258 {dimension_numbers = #tpu.dot_dimension_numbers<[1], [1], [0], [0], [0, 0, 1, 0], [], []>, precision = #tpu.contract_precision<fp32>, transpose_lhs_hint = false} : vector<1x1024xf32>, vector<64x1024xf32>, vector<1x64xf32> -> vector<1x64xf32>
    %dot_general3A_1260 = arith.constant dense<0.000000e+00> : vector<64x1xf32>
    %dot_general3A_1261 = tpu.matmul %convert_element_type3A_135, %dot_general3A_1259, %dot_general3A_1260 {dimension_numbers = #tpu.dot_dimension_numbers<[1], [1], [0], [0], [0, 0, 1, 0], [], []>, precision = #tpu.contract_precision<fp32>, transpose_lhs_hint = false} : vector<64x64xf32>, vector<1x64xf32>, vector<64x1xf32> -> vector<64x1xf32>
    %broadcast_in_dim3A_1262 = vector.shape_cast %dot_general3A_1259 : vector<1x64xf32> to vector<1x64xf32>
    %broadcast_in_dim3A_1263 = vector.broadcast %broadcast_in_dim3A_1262 : vector<1x64xf32> to vector<64x64xf32>
    %broadcast_in_dim3A_1264 = vector.shape_cast %dot_general3A_1261 : vector<64x1xf32> to vector<64x1xf32>
    %broadcast_in_dim3A_1265 = vector.broadcast %broadcast_in_dim3A_1264 : vector<64x1xf32> to vector<64x64xf32>
    %gt3A_1266 = arith.cmpf ogt, %broadcast_in_dim3A_1263, %broadcast_in_dim3A_1265 : vector<64x64xf32>
    %eq3A_1267 = arith.cmpf oeq, %broadcast_in_dim3A_1263, %broadcast_in_dim3A_1265 : vector<64x64xf32>
    %lt3A_1268 = arith.cmpi slt, %iota3A_137, %iota3A_136 : vector<64x64xi32>
    %and3A_1269 = arith.andi %eq3A_1267, %lt3A_1268 : vector<64x64xi1>
    %or3A_1270 = arith.ori %gt3A_1266, %and3A_1269 : vector<64x64xi1>
    %convert_element_type3A_1271 = arith.extui %or3A_1270 : vector<64x64xi1> to vector<64x64xi32>
    %reduce_sum3A_1272 = arith.constant dense<0> : vector<64xi32>
    %reduce_sum3A_1273 = vector.multi_reduction <add>, %convert_element_type3A_1271, %reduce_sum3A_1272 [1] : vector<64x64xi32> to vector<64xi32>
    %broadcast_in_dim3A_1274 = vector.shape_cast %reduce_sum3A_1273 : vector<64xi32> to vector<64x1xi32>
    %broadcast_in_dim3A_1275 = vector.shape_cast %broadcast_in_dim3A_1274 : vector<64x1xi32> to vector<64x1xi32>
    %broadcast_in_dim3A_1276 = vector.broadcast %broadcast_in_dim3A_1275 : vector<64x1xi32> to vector<64x256xi32>
    %jit3A_1277 = arith.constant 16 : i32
    %div3A_1278 = vector.broadcast %jit3A_1277 : i32 to vector<64x256xi32>
    %div3A_1279 = arith.divsi %iota3A_140, %div3A_1278 : vector<64x256xi32>
    %sign3A_1280 = arith.constant 0 : i32
    %sign3A_1281 = vector.broadcast %sign3A_1280 : i32 to vector<64x256xi32>
    %sign3A_1282 = arith.cmpi sgt, %iota3A_140, %sign3A_1281 : vector<64x256xi32>
    %sign3A_1283 = arith.extui %sign3A_1282 : vector<64x256xi1> to vector<64x256xi32>
    %sign3A_1284 = arith.constant 0 : i32
    %sign3A_1285 = vector.broadcast %sign3A_1284 : i32 to vector<64x256xi32>
    %sign3A_1286 = arith.cmpi slt, %iota3A_140, %sign3A_1285 : vector<64x256xi32>
    %sign3A_1287 = arith.extui %sign3A_1286 : vector<64x256xi1> to vector<64x256xi32>
    %sign3A_1288 = arith.subi %sign3A_1283, %sign3A_1287 : vector<64x256xi32>
    %sign3A_1289 = arith.constant 0 : i32
    %sign3A_1290 = arith.cmpi sgt, %jit3A_1277, %sign3A_1289 : i32
    %sign3A_1291 = arith.extui %sign3A_1290 : i1 to i32
    %sign3A_1292 = arith.constant 0 : i32
    %sign3A_1293 = arith.cmpi slt, %jit3A_1277, %sign3A_1292 : i32
    %sign3A_1294 = arith.extui %sign3A_1293 : i1 to i32
    %sign3A_1295 = arith.subi %sign3A_1291, %sign3A_1294 : i32
    %ne3A_1296 = vector.broadcast %sign3A_1295 : i32 to vector<64x256xi32>
    %ne3A_1297 = arith.cmpi ne, %sign3A_1288, %ne3A_1296 : vector<64x256xi32>
    %rem3A_1298 = vector.broadcast %jit3A_1277 : i32 to vector<64x256xi32>
    %rem3A_1299 = arith.remsi %iota3A_140, %rem3A_1298 : vector<64x256xi32>
    %ne3A_1300 = arith.constant 0 : i32
    %ne3A_1301 = vector.broadcast %ne3A_1300 : i32 to vector<64x256xi32>
    %ne3A_1302 = arith.cmpi ne, %rem3A_1299, %ne3A_1301 : vector<64x256xi32>
    %and3A_1303 = arith.andi %ne3A_1297, %ne3A_1302 : vector<64x256xi1>
    %sub3A_1304 = arith.constant 1 : i32
    %sub3A_1305 = vector.broadcast %sub3A_1304 : i32 to vector<64x256xi32>
    %sub3A_1306 = arith.subi %div3A_1279, %sub3A_1305 : vector<64x256xi32>
    %select_n3A_1307 = arith.select %and3A_1303, %sub3A_1306, %div3A_1279 : vector<64x256xi1>, vector<64x256xi32>
    %eq3A_1308 = arith.cmpi eq, %broadcast_in_dim3A_1276, %select_n3A_1307 : vector<64x256xi32>
    %convert_element_type3A_1309 = arith.extui %eq3A_1308 : vector<64x256xi1> to vector<64x256xi32>
    %convert_element_type3A_1310 = arith.sitofp %convert_element_type3A_1309 : vector<64x256xi32> to vector<64x256xf32>
    %dot_general3A_1311 = arith.constant dense<0.000000e+00> : vector<1x256xf32>
    %dot_general3A_1312 = tpu.matmul %convert_element_type3A_139, %convert_element_type3A_1310, %dot_general3A_1311 {dimension_numbers = #tpu.dot_dimension_numbers<[1], [0], [0], [1], [0, 0, 1, 1], [], []>, transpose_lhs_hint = false} : vector<1x64xf32>, vector<64x256xf32>, vector<1x256xf32> -> vector<1x256xf32>
    %convert_element_type3A_1313 = arith.fptosi %dot_general3A_1312 : vector<1x256xf32> to vector<1x256xi32>
    %jit3A_1314 = arith.constant 4 : i32
    %div3A_1315 = vector.broadcast %jit3A_1314 : i32 to vector<1x256xi32>
    %div3A_1316 = arith.divsi %iota3A_141, %div3A_1315 : vector<1x256xi32>
    %sign3A_1317 = arith.constant 0 : i32
    %sign3A_1318 = vector.broadcast %sign3A_1317 : i32 to vector<1x256xi32>
    %sign3A_1319 = arith.cmpi sgt, %iota3A_141, %sign3A_1318 : vector<1x256xi32>
    %sign3A_1320 = arith.extui %sign3A_1319 : vector<1x256xi1> to vector<1x256xi32>
    %sign3A_1321 = arith.constant 0 : i32
    %sign3A_1322 = vector.broadcast %sign3A_1321 : i32 to vector<1x256xi32>
    %sign3A_1323 = arith.cmpi slt, %iota3A_141, %sign3A_1322 : vector<1x256xi32>
    %sign3A_1324 = arith.extui %sign3A_1323 : vector<1x256xi1> to vector<1x256xi32>
    %sign3A_1325 = arith.subi %sign3A_1320, %sign3A_1324 : vector<1x256xi32>
    %sign3A_1326 = arith.constant 0 : i32
    %sign3A_1327 = arith.cmpi sgt, %jit3A_1314, %sign3A_1326 : i32
    %sign3A_1328 = arith.extui %sign3A_1327 : i1 to i32
    %sign3A_1329 = arith.constant 0 : i32
    %sign3A_1330 = arith.cmpi slt, %jit3A_1314, %sign3A_1329 : i32
    %sign3A_1331 = arith.extui %sign3A_1330 : i1 to i32
    %sign3A_1332 = arith.subi %sign3A_1328, %sign3A_1331 : i32
    %ne3A_1333 = vector.broadcast %sign3A_1332 : i32 to vector<1x256xi32>
    %ne3A_1334 = arith.cmpi ne, %sign3A_1325, %ne3A_1333 : vector<1x256xi32>
    %rem3A_1335 = vector.broadcast %jit3A_1314 : i32 to vector<1x256xi32>
    %rem3A_1336 = arith.remsi %iota3A_141, %rem3A_1335 : vector<1x256xi32>
    %ne3A_1337 = arith.constant 0 : i32
    %ne3A_1338 = vector.broadcast %ne3A_1337 : i32 to vector<1x256xi32>
    %ne3A_1339 = arith.cmpi ne, %rem3A_1336, %ne3A_1338 : vector<1x256xi32>
    %and3A_1340 = arith.andi %ne3A_1334, %ne3A_1339 : vector<1x256xi1>
    %sub3A_1341 = arith.constant 1 : i32
    %sub3A_1342 = vector.broadcast %sub3A_1341 : i32 to vector<1x256xi32>
    %sub3A_1343 = arith.subi %div3A_1316, %sub3A_1342 : vector<1x256xi32>
    %select_n3A_1344 = arith.select %and3A_1340, %sub3A_1343, %div3A_1316 : vector<1x256xi1>, vector<1x256xi32>
    %jit3A_1345 = arith.constant 4 : i32
    %eq3A_1346 = arith.constant 0 : i32
    %eq3A_1347 = arith.cmpi eq, %jit3A_1345, %eq3A_1346 : i32
    %jit3A_1348 = arith.constant 1 : i32
    %select_n3A_1349 = arith.select %eq3A_1347, %jit3A_1348, %jit3A_1345 : i32
    %rem3A_1350 = vector.broadcast %select_n3A_1349 : i32 to vector<1x256xi32>
    %rem3A_1351 = arith.remsi %select_n3A_1344, %rem3A_1350 : vector<1x256xi32>
    %ne3A_1352 = arith.constant 0 : i32
    %ne3A_1353 = vector.broadcast %ne3A_1352 : i32 to vector<1x256xi32>
    %ne3A_1354 = arith.cmpi ne, %rem3A_1351, %ne3A_1353 : vector<1x256xi32>
    %lt3A_1355 = arith.constant 0 : i32
    %lt3A_1356 = vector.broadcast %lt3A_1355 : i32 to vector<1x256xi32>
    %lt3A_1357 = arith.cmpi slt, %rem3A_1351, %lt3A_1356 : vector<1x256xi32>
    %lt3A_1358 = arith.constant 0 : i32
    %lt3A_1359 = arith.cmpi slt, %select_n3A_1349, %lt3A_1358 : i32
    %ne3A_1360 = vector.broadcast %lt3A_1359 : i1 to vector<1x256xi1>
    %ne3A_1361 = vector.broadcast %ne3A_1360 : vector<1x256xi1> to vector<1x256xi1>
    %ne3A_1362 = arith.xori %lt3A_1357, %ne3A_1361 : vector<1x256xi1>
    %and3A_1363 = arith.andi %ne3A_1362, %ne3A_1354 : vector<1x256xi1>
    %add3A_1364 = vector.broadcast %select_n3A_1349 : i32 to vector<1x256xi32>
    %add3A_1365 = arith.addi %rem3A_1351, %add3A_1364 : vector<1x256xi32>
    %select_n3A_1366 = arith.select %and3A_1363, %add3A_1365, %rem3A_1351 : vector<1x256xi1>, vector<1x256xi32>
    %jit3A_1367 = arith.constant 4 : i32
    %eq3A_1368 = arith.constant 0 : i32
    %eq3A_1369 = arith.cmpi eq, %jit3A_1367, %eq3A_1368 : i32
    %jit3A_1370 = arith.constant 1 : i32
    %select_n3A_1371 = arith.select %eq3A_1369, %jit3A_1370, %jit3A_1367 : i32
    %rem3A_1372 = vector.broadcast %select_n3A_1371 : i32 to vector<1x256xi32>
    %rem3A_1373 = arith.remsi %iota3A_141, %rem3A_1372 : vector<1x256xi32>
    %ne3A_1374 = arith.constant 0 : i32
    %ne3A_1375 = vector.broadcast %ne3A_1374 : i32 to vector<1x256xi32>
    %ne3A_1376 = arith.cmpi ne, %rem3A_1373, %ne3A_1375 : vector<1x256xi32>
    %lt3A_1377 = arith.constant 0 : i32
    %lt3A_1378 = vector.broadcast %lt3A_1377 : i32 to vector<1x256xi32>
    %lt3A_1379 = arith.cmpi slt, %rem3A_1373, %lt3A_1378 : vector<1x256xi32>
    %lt3A_1380 = arith.constant 0 : i32
    %lt3A_1381 = arith.cmpi slt, %select_n3A_1371, %lt3A_1380 : i32
    %ne3A_1382 = vector.broadcast %lt3A_1381 : i1 to vector<1x256xi1>
    %ne3A_1383 = vector.broadcast %ne3A_1382 : vector<1x256xi1> to vector<1x256xi1>
    %ne3A_1384 = arith.xori %lt3A_1379, %ne3A_1383 : vector<1x256xi1>
    %and3A_1385 = arith.andi %ne3A_1384, %ne3A_1376 : vector<1x256xi1>
    %add3A_1386 = vector.broadcast %select_n3A_1371 : i32 to vector<1x256xi32>
    %add3A_1387 = arith.addi %rem3A_1373, %add3A_1386 : vector<1x256xi32>
    %select_n3A_1388 = arith.select %and3A_1385, %add3A_1387, %rem3A_1373 : vector<1x256xi1>, vector<1x256xi32>
    %mul3A_1389 = arith.constant 8 : i32
    %mul3A_1390 = arith.muli %arg0, %mul3A_1389 : i32
    %add3A_1391 = arith.constant 5 : i32
    %add3A_1392 = arith.addi %mul3A_1390, %add3A_1391 : i32
    %mul3A_1393 = arith.constant 1024 : i32
    %mul3A_1394 = arith.muli %add3A_1392, %mul3A_1393 : i32
    %jit3A_1395 = arith.constant 8 : i32
    %div3A_1396 = vector.broadcast %jit3A_1395 : i32 to vector<1x256xi32>
    %div3A_1397 = arith.divsi %convert_element_type3A_1313, %div3A_1396 : vector<1x256xi32>
    %sign3A_1398 = arith.constant 0 : i32
    %sign3A_1399 = vector.broadcast %sign3A_1398 : i32 to vector<1x256xi32>
    %sign3A_1400 = arith.cmpi sgt, %convert_element_type3A_1313, %sign3A_1399 : vector<1x256xi32>
    %sign3A_1401 = arith.extui %sign3A_1400 : vector<1x256xi1> to vector<1x256xi32>
    %sign3A_1402 = arith.constant 0 : i32
    %sign3A_1403 = vector.broadcast %sign3A_1402 : i32 to vector<1x256xi32>
    %sign3A_1404 = arith.cmpi slt, %convert_element_type3A_1313, %sign3A_1403 : vector<1x256xi32>
    %sign3A_1405 = arith.extui %sign3A_1404 : vector<1x256xi1> to vector<1x256xi32>
    %sign3A_1406 = arith.subi %sign3A_1401, %sign3A_1405 : vector<1x256xi32>
    %sign3A_1407 = arith.constant 0 : i32
    %sign3A_1408 = arith.cmpi sgt, %jit3A_1395, %sign3A_1407 : i32
    %sign3A_1409 = arith.extui %sign3A_1408 : i1 to i32
    %sign3A_1410 = arith.constant 0 : i32
    %sign3A_1411 = arith.cmpi slt, %jit3A_1395, %sign3A_1410 : i32
    %sign3A_1412 = arith.extui %sign3A_1411 : i1 to i32
    %sign3A_1413 = arith.subi %sign3A_1409, %sign3A_1412 : i32
    %ne3A_1414 = vector.broadcast %sign3A_1413 : i32 to vector<1x256xi32>
    %ne3A_1415 = arith.cmpi ne, %sign3A_1406, %ne3A_1414 : vector<1x256xi32>
    %rem3A_1416 = vector.broadcast %jit3A_1395 : i32 to vector<1x256xi32>
    %rem3A_1417 = arith.remsi %convert_element_type3A_1313, %rem3A_1416 : vector<1x256xi32>
    %ne3A_1418 = arith.constant 0 : i32
    %ne3A_1419 = vector.broadcast %ne3A_1418 : i32 to vector<1x256xi32>
    %ne3A_1420 = arith.cmpi ne, %rem3A_1417, %ne3A_1419 : vector<1x256xi32>
    %and3A_1421 = arith.andi %ne3A_1415, %ne3A_1420 : vector<1x256xi1>
    %sub3A_1422 = arith.constant 1 : i32
    %sub3A_1423 = vector.broadcast %sub3A_1422 : i32 to vector<1x256xi32>
    %sub3A_1424 = arith.subi %div3A_1397, %sub3A_1423 : vector<1x256xi32>
    %select_n3A_1425 = arith.select %and3A_1421, %sub3A_1424, %div3A_1397 : vector<1x256xi1>, vector<1x256xi32>
    %mul3A_1426 = arith.constant 128 : i32
    %mul3A_1427 = vector.broadcast %mul3A_1426 : i32 to vector<1x256xi32>
    %mul3A_1428 = arith.muli %select_n3A_1425, %mul3A_1427 : vector<1x256xi32>
    %add3A_1429 = vector.broadcast %mul3A_1394 : i32 to vector<1x256xi32>
    %add3A_1430 = arith.addi %add3A_1429, %mul3A_1428 : vector<1x256xi32>
    %jit3A_1431 = arith.constant 8 : i32
    %eq3A_1432 = arith.constant 0 : i32
    %eq3A_1433 = arith.cmpi eq, %jit3A_1431, %eq3A_1432 : i32
    %jit3A_1434 = arith.constant 1 : i32
    %select_n3A_1435 = arith.select %eq3A_1433, %jit3A_1434, %jit3A_1431 : i32
    %rem3A_1436 = vector.broadcast %select_n3A_1435 : i32 to vector<1x256xi32>
    %rem3A_1437 = arith.remsi %convert_element_type3A_1313, %rem3A_1436 : vector<1x256xi32>
    %ne3A_1438 = arith.constant 0 : i32
    %ne3A_1439 = vector.broadcast %ne3A_1438 : i32 to vector<1x256xi32>
    %ne3A_1440 = arith.cmpi ne, %rem3A_1437, %ne3A_1439 : vector<1x256xi32>
    %lt3A_1441 = arith.constant 0 : i32
    %lt3A_1442 = vector.broadcast %lt3A_1441 : i32 to vector<1x256xi32>
    %lt3A_1443 = arith.cmpi slt, %rem3A_1437, %lt3A_1442 : vector<1x256xi32>
    %lt3A_1444 = arith.constant 0 : i32
    %lt3A_1445 = arith.cmpi slt, %select_n3A_1435, %lt3A_1444 : i32
    %ne3A_1446 = vector.broadcast %lt3A_1445 : i1 to vector<1x256xi1>
    %ne3A_1447 = vector.broadcast %ne3A_1446 : vector<1x256xi1> to vector<1x256xi1>
    %ne3A_1448 = arith.xori %lt3A_1443, %ne3A_1447 : vector<1x256xi1>
    %and3A_1449 = arith.andi %ne3A_1448, %ne3A_1440 : vector<1x256xi1>
    %add3A_1450 = vector.broadcast %select_n3A_1435 : i32 to vector<1x256xi32>
    %add3A_1451 = arith.addi %rem3A_1437, %add3A_1450 : vector<1x256xi32>
    %select_n3A_1452 = arith.select %and3A_1449, %add3A_1451, %rem3A_1437 : vector<1x256xi1>, vector<1x256xi32>
    %mul3A_1453 = arith.constant 4 : i32
    %mul3A_1454 = vector.broadcast %mul3A_1453 : i32 to vector<1x256xi32>
    %mul3A_1455 = arith.muli %select_n3A_1452, %mul3A_1454 : vector<1x256xi32>
    %add3A_1456 = arith.addi %add3A_1430, %mul3A_1455 : vector<1x256xi32>
    %mul3A_1457 = arith.constant 32 : i32
    %mul3A_1458 = vector.broadcast %mul3A_1457 : i32 to vector<1x256xi32>
    %mul3A_1459 = arith.muli %select_n3A_1366, %mul3A_1458 : vector<1x256xi32>
    %add3A_1460 = arith.addi %add3A_1456, %mul3A_1459 : vector<1x256xi32>
    %add3A_1461 = arith.addi %add3A_1460, %select_n3A_1388 : vector<1x256xi32>
    %swap3A_1462 = arith.constant 5 : index
    %swap3A_1463 = arith.constant 0 : index
    %swap3A_1464 = vector.load %arg3[%swap3A_1462, %swap3A_1463] : memref<8x256xi32, #tpu.memory_space<vmem>>, vector<1x256xi32>
    tpu.vector_store %arg3[%swap3A_1462, %swap3A_1463], %add3A_1461 {strides = array<i32>} : memref<8x256xi32, #tpu.memory_space<vmem>>, vector<1x256xi32>,
    %get3A_1465 = arith.constant 6 : index
    %get3A_1466 = arith.constant 0 : index
    %get3A_1467 = arith.constant 0 : index
    %get3A_1468 = vector.load %arg1[%get3A_1465, %get3A_1466, %get3A_1467] : memref<8x64x384xf32, #tpu.memory_space<vmem>>, vector<1x64x384xf32>
    %get3A_1469 = vector.shape_cast %get3A_1468 : vector<1x64x384xf32> to vector<64x384xf32>
    %reduce_max3A_1470 = arith.constant dense<0xFF800000> : vector<384xf32>
    %reduce_max3A_1471 = vector.multi_reduction <maximumf>, %get3A_1469, %reduce_max3A_1470 [0] : vector<64x384xf32> to vector<384xf32>
    %broadcast_in_dim3A_1472 = vector.shape_cast %reduce_max3A_1471 : vector<384xf32> to vector<1x384xf32>
    %get3A_1473 = arith.constant 6 : index
    %get3A_1474 = arith.constant 0 : index
    %get3A_1475 = arith.constant 0 : index
    %get3A_1476 = vector.load %arg2[%get3A_1473, %get3A_1474, %get3A_1475] : memref<8x1024x384xf32, #tpu.memory_space<vmem>>, vector<1x1024x384xf32>
    %get3A_1477 = vector.shape_cast %get3A_1476 : vector<1x1024x384xf32> to vector<1024x384xf32>
    %dot_general3A_1478 = arith.constant dense<0.000000e+00> : vector<1x1024xf32>
    %dot_general3A_1479 = tpu.matmul %broadcast_in_dim3A_1472, %get3A_1477, %dot_general3A_1478 {dimension_numbers = #tpu.dot_dimension_numbers<[1], [1], [0], [0], [0, 0, 1, 0], [], []>, transpose_lhs_hint = false} : vector<1x384xf32>, vector<1024x384xf32>, vector<1x1024xf32> -> vector<1x1024xf32>
    %dot_general3A_1480 = arith.constant dense<0.000000e+00> : vector<1x64xf32>
    %dot_general3A_1481 = tpu.matmul %dot_general3A_1479, %convert_element_type3A_130, %dot_general3A_1480 {dimension_numbers = #tpu.dot_dimension_numbers<[1], [1], [0], [0], [0, 0, 1, 0], [], []>, precision = #tpu.contract_precision<fp32>, transpose_lhs_hint = false} : vector<1x1024xf32>, vector<64x1024xf32>, vector<1x64xf32> -> vector<1x64xf32>
    %dot_general3A_1482 = arith.constant dense<0.000000e+00> : vector<64x1xf32>
    %dot_general3A_1483 = tpu.matmul %convert_element_type3A_135, %dot_general3A_1481, %dot_general3A_1482 {dimension_numbers = #tpu.dot_dimension_numbers<[1], [1], [0], [0], [0, 0, 1, 0], [], []>, precision = #tpu.contract_precision<fp32>, transpose_lhs_hint = false} : vector<64x64xf32>, vector<1x64xf32>, vector<64x1xf32> -> vector<64x1xf32>
    %broadcast_in_dim3A_1484 = vector.shape_cast %dot_general3A_1481 : vector<1x64xf32> to vector<1x64xf32>
    %broadcast_in_dim3A_1485 = vector.broadcast %broadcast_in_dim3A_1484 : vector<1x64xf32> to vector<64x64xf32>
    %broadcast_in_dim3A_1486 = vector.shape_cast %dot_general3A_1483 : vector<64x1xf32> to vector<64x1xf32>
    %broadcast_in_dim3A_1487 = vector.broadcast %broadcast_in_dim3A_1486 : vector<64x1xf32> to vector<64x64xf32>
    %gt3A_1488 = arith.cmpf ogt, %broadcast_in_dim3A_1485, %broadcast_in_dim3A_1487 : vector<64x64xf32>
    %eq3A_1489 = arith.cmpf oeq, %broadcast_in_dim3A_1485, %broadcast_in_dim3A_1487 : vector<64x64xf32>
    %lt3A_1490 = arith.cmpi slt, %iota3A_137, %iota3A_136 : vector<64x64xi32>
    %and3A_1491 = arith.andi %eq3A_1489, %lt3A_1490 : vector<64x64xi1>
    %or3A_1492 = arith.ori %gt3A_1488, %and3A_1491 : vector<64x64xi1>
    %convert_element_type3A_1493 = arith.extui %or3A_1492 : vector<64x64xi1> to vector<64x64xi32>
    %reduce_sum3A_1494 = arith.constant dense<0> : vector<64xi32>
    %reduce_sum3A_1495 = vector.multi_reduction <add>, %convert_element_type3A_1493, %reduce_sum3A_1494 [1] : vector<64x64xi32> to vector<64xi32>
    %broadcast_in_dim3A_1496 = vector.shape_cast %reduce_sum3A_1495 : vector<64xi32> to vector<64x1xi32>
    %broadcast_in_dim3A_1497 = vector.shape_cast %broadcast_in_dim3A_1496 : vector<64x1xi32> to vector<64x1xi32>
    %broadcast_in_dim3A_1498 = vector.broadcast %broadcast_in_dim3A_1497 : vector<64x1xi32> to vector<64x256xi32>
    %jit3A_1499 = arith.constant 16 : i32
    %div3A_1500 = vector.broadcast %jit3A_1499 : i32 to vector<64x256xi32>
    %div3A_1501 = arith.divsi %iota3A_140, %div3A_1500 : vector<64x256xi32>
    %sign3A_1502 = arith.constant 0 : i32
    %sign3A_1503 = vector.broadcast %sign3A_1502 : i32 to vector<64x256xi32>
    %sign3A_1504 = arith.cmpi sgt, %iota3A_140, %sign3A_1503 : vector<64x256xi32>
    %sign3A_1505 = arith.extui %sign3A_1504 : vector<64x256xi1> to vector<64x256xi32>
    %sign3A_1506 = arith.constant 0 : i32
    %sign3A_1507 = vector.broadcast %sign3A_1506 : i32 to vector<64x256xi32>
    %sign3A_1508 = arith.cmpi slt, %iota3A_140, %sign3A_1507 : vector<64x256xi32>
    %sign3A_1509 = arith.extui %sign3A_1508 : vector<64x256xi1> to vector<64x256xi32>
    %sign3A_1510 = arith.subi %sign3A_1505, %sign3A_1509 : vector<64x256xi32>
    %sign3A_1511 = arith.constant 0 : i32
    %sign3A_1512 = arith.cmpi sgt, %jit3A_1499, %sign3A_1511 : i32
    %sign3A_1513 = arith.extui %sign3A_1512 : i1 to i32
    %sign3A_1514 = arith.constant 0 : i32
    %sign3A_1515 = arith.cmpi slt, %jit3A_1499, %sign3A_1514 : i32
    %sign3A_1516 = arith.extui %sign3A_1515 : i1 to i32
    %sign3A_1517 = arith.subi %sign3A_1513, %sign3A_1516 : i32
    %ne3A_1518 = vector.broadcast %sign3A_1517 : i32 to vector<64x256xi32>
    %ne3A_1519 = arith.cmpi ne, %sign3A_1510, %ne3A_1518 : vector<64x256xi32>
    %rem3A_1520 = vector.broadcast %jit3A_1499 : i32 to vector<64x256xi32>
    %rem3A_1521 = arith.remsi %iota3A_140, %rem3A_1520 : vector<64x256xi32>
    %ne3A_1522 = arith.constant 0 : i32
    %ne3A_1523 = vector.broadcast %ne3A_1522 : i32 to vector<64x256xi32>
    %ne3A_1524 = arith.cmpi ne, %rem3A_1521, %ne3A_1523 : vector<64x256xi32>
    %and3A_1525 = arith.andi %ne3A_1519, %ne3A_1524 : vector<64x256xi1>
    %sub3A_1526 = arith.constant 1 : i32
    %sub3A_1527 = vector.broadcast %sub3A_1526 : i32 to vector<64x256xi32>
    %sub3A_1528 = arith.subi %div3A_1501, %sub3A_1527 : vector<64x256xi32>
    %select_n3A_1529 = arith.select %and3A_1525, %sub3A_1528, %div3A_1501 : vector<64x256xi1>, vector<64x256xi32>
    %eq3A_1530 = arith.cmpi eq, %broadcast_in_dim3A_1498, %select_n3A_1529 : vector<64x256xi32>
    %convert_element_type3A_1531 = arith.extui %eq3A_1530 : vector<64x256xi1> to vector<64x256xi32>
    %convert_element_type3A_1532 = arith.sitofp %convert_element_type3A_1531 : vector<64x256xi32> to vector<64x256xf32>
    %dot_general3A_1533 = arith.constant dense<0.000000e+00> : vector<1x256xf32>
    %dot_general3A_1534 = tpu.matmul %convert_element_type3A_139, %convert_element_type3A_1532, %dot_general3A_1533 {dimension_numbers = #tpu.dot_dimension_numbers<[1], [0], [0], [1], [0, 0, 1, 1], [], []>, transpose_lhs_hint = false} : vector<1x64xf32>, vector<64x256xf32>, vector<1x256xf32> -> vector<1x256xf32>
    %convert_element_type3A_1535 = arith.fptosi %dot_general3A_1534 : vector<1x256xf32> to vector<1x256xi32>
    %jit3A_1536 = arith.constant 4 : i32
    %div3A_1537 = vector.broadcast %jit3A_1536 : i32 to vector<1x256xi32>
    %div3A_1538 = arith.divsi %iota3A_141, %div3A_1537 : vector<1x256xi32>
    %sign3A_1539 = arith.constant 0 : i32
    %sign3A_1540 = vector.broadcast %sign3A_1539 : i32 to vector<1x256xi32>
    %sign3A_1541 = arith.cmpi sgt, %iota3A_141, %sign3A_1540 : vector<1x256xi32>
    %sign3A_1542 = arith.extui %sign3A_1541 : vector<1x256xi1> to vector<1x256xi32>
    %sign3A_1543 = arith.constant 0 : i32
    %sign3A_1544 = vector.broadcast %sign3A_1543 : i32 to vector<1x256xi32>
    %sign3A_1545 = arith.cmpi slt, %iota3A_141, %sign3A_1544 : vector<1x256xi32>
    %sign3A_1546 = arith.extui %sign3A_1545 : vector<1x256xi1> to vector<1x256xi32>
    %sign3A_1547 = arith.subi %sign3A_1542, %sign3A_1546 : vector<1x256xi32>
    %sign3A_1548 = arith.constant 0 : i32
    %sign3A_1549 = arith.cmpi sgt, %jit3A_1536, %sign3A_1548 : i32
    %sign3A_1550 = arith.extui %sign3A_1549 : i1 to i32
    %sign3A_1551 = arith.constant 0 : i32
    %sign3A_1552 = arith.cmpi slt, %jit3A_1536, %sign3A_1551 : i32
    %sign3A_1553 = arith.extui %sign3A_1552 : i1 to i32
    %sign3A_1554 = arith.subi %sign3A_1550, %sign3A_1553 : i32
    %ne3A_1555 = vector.broadcast %sign3A_1554 : i32 to vector<1x256xi32>
    %ne3A_1556 = arith.cmpi ne, %sign3A_1547, %ne3A_1555 : vector<1x256xi32>
    %rem3A_1557 = vector.broadcast %jit3A_1536 : i32 to vector<1x256xi32>
    %rem3A_1558 = arith.remsi %iota3A_141, %rem3A_1557 : vector<1x256xi32>
    %ne3A_1559 = arith.constant 0 : i32
    %ne3A_1560 = vector.broadcast %ne3A_1559 : i32 to vector<1x256xi32>
    %ne3A_1561 = arith.cmpi ne, %rem3A_1558, %ne3A_1560 : vector<1x256xi32>
    %and3A_1562 = arith.andi %ne3A_1556, %ne3A_1561 : vector<1x256xi1>
    %sub3A_1563 = arith.constant 1 : i32
    %sub3A_1564 = vector.broadcast %sub3A_1563 : i32 to vector<1x256xi32>
    %sub3A_1565 = arith.subi %div3A_1538, %sub3A_1564 : vector<1x256xi32>
    %select_n3A_1566 = arith.select %and3A_1562, %sub3A_1565, %div3A_1538 : vector<1x256xi1>, vector<1x256xi32>
    %jit3A_1567 = arith.constant 4 : i32
    %eq3A_1568 = arith.constant 0 : i32
    %eq3A_1569 = arith.cmpi eq, %jit3A_1567, %eq3A_1568 : i32
    %jit3A_1570 = arith.constant 1 : i32
    %select_n3A_1571 = arith.select %eq3A_1569, %jit3A_1570, %jit3A_1567 : i32
    %rem3A_1572 = vector.broadcast %select_n3A_1571 : i32 to vector<1x256xi32>
    %rem3A_1573 = arith.remsi %select_n3A_1566, %rem3A_1572 : vector<1x256xi32>
    %ne3A_1574 = arith.constant 0 : i32
    %ne3A_1575 = vector.broadcast %ne3A_1574 : i32 to vector<1x256xi32>
    %ne3A_1576 = arith.cmpi ne, %rem3A_1573, %ne3A_1575 : vector<1x256xi32>
    %lt3A_1577 = arith.constant 0 : i32
    %lt3A_1578 = vector.broadcast %lt3A_1577 : i32 to vector<1x256xi32>
    %lt3A_1579 = arith.cmpi slt, %rem3A_1573, %lt3A_1578 : vector<1x256xi32>
    %lt3A_1580 = arith.constant 0 : i32
    %lt3A_1581 = arith.cmpi slt, %select_n3A_1571, %lt3A_1580 : i32
    %ne3A_1582 = vector.broadcast %lt3A_1581 : i1 to vector<1x256xi1>
    %ne3A_1583 = vector.broadcast %ne3A_1582 : vector<1x256xi1> to vector<1x256xi1>
    %ne3A_1584 = arith.xori %lt3A_1579, %ne3A_1583 : vector<1x256xi1>
    %and3A_1585 = arith.andi %ne3A_1584, %ne3A_1576 : vector<1x256xi1>
    %add3A_1586 = vector.broadcast %select_n3A_1571 : i32 to vector<1x256xi32>
    %add3A_1587 = arith.addi %rem3A_1573, %add3A_1586 : vector<1x256xi32>
    %select_n3A_1588 = arith.select %and3A_1585, %add3A_1587, %rem3A_1573 : vector<1x256xi1>, vector<1x256xi32>
    %jit3A_1589 = arith.constant 4 : i32
    %eq3A_1590 = arith.constant 0 : i32
    %eq3A_1591 = arith.cmpi eq, %jit3A_1589, %eq3A_1590 : i32
    %jit3A_1592 = arith.constant 1 : i32
    %select_n3A_1593 = arith.select %eq3A_1591, %jit3A_1592, %jit3A_1589 : i32
    %rem3A_1594 = vector.broadcast %select_n3A_1593 : i32 to vector<1x256xi32>
    %rem3A_1595 = arith.remsi %iota3A_141, %rem3A_1594 : vector<1x256xi32>
    %ne3A_1596 = arith.constant 0 : i32
    %ne3A_1597 = vector.broadcast %ne3A_1596 : i32 to vector<1x256xi32>
    %ne3A_1598 = arith.cmpi ne, %rem3A_1595, %ne3A_1597 : vector<1x256xi32>
    %lt3A_1599 = arith.constant 0 : i32
    %lt3A_1600 = vector.broadcast %lt3A_1599 : i32 to vector<1x256xi32>
    %lt3A_1601 = arith.cmpi slt, %rem3A_1595, %lt3A_1600 : vector<1x256xi32>
    %lt3A_1602 = arith.constant 0 : i32
    %lt3A_1603 = arith.cmpi slt, %select_n3A_1593, %lt3A_1602 : i32
    %ne3A_1604 = vector.broadcast %lt3A_1603 : i1 to vector<1x256xi1>
    %ne3A_1605 = vector.broadcast %ne3A_1604 : vector<1x256xi1> to vector<1x256xi1>
    %ne3A_1606 = arith.xori %lt3A_1601, %ne3A_1605 : vector<1x256xi1>
    %and3A_1607 = arith.andi %ne3A_1606, %ne3A_1598 : vector<1x256xi1>
    %add3A_1608 = vector.broadcast %select_n3A_1593 : i32 to vector<1x256xi32>
    %add3A_1609 = arith.addi %rem3A_1595, %add3A_1608 : vector<1x256xi32>
    %select_n3A_1610 = arith.select %and3A_1607, %add3A_1609, %rem3A_1595 : vector<1x256xi1>, vector<1x256xi32>
    %mul3A_1611 = arith.constant 8 : i32
    %mul3A_1612 = arith.muli %arg0, %mul3A_1611 : i32
    %add3A_1613 = arith.constant 6 : i32
    %add3A_1614 = arith.addi %mul3A_1612, %add3A_1613 : i32
    %mul3A_1615 = arith.constant 1024 : i32
    %mul3A_1616 = arith.muli %add3A_1614, %mul3A_1615 : i32
    %jit3A_1617 = arith.constant 8 : i32
    %div3A_1618 = vector.broadcast %jit3A_1617 : i32 to vector<1x256xi32>
    %div3A_1619 = arith.divsi %convert_element_type3A_1535, %div3A_1618 : vector<1x256xi32>
    %sign3A_1620 = arith.constant 0 : i32
    %sign3A_1621 = vector.broadcast %sign3A_1620 : i32 to vector<1x256xi32>
    %sign3A_1622 = arith.cmpi sgt, %convert_element_type3A_1535, %sign3A_1621 : vector<1x256xi32>
    %sign3A_1623 = arith.extui %sign3A_1622 : vector<1x256xi1> to vector<1x256xi32>
    %sign3A_1624 = arith.constant 0 : i32
    %sign3A_1625 = vector.broadcast %sign3A_1624 : i32 to vector<1x256xi32>
    %sign3A_1626 = arith.cmpi slt, %convert_element_type3A_1535, %sign3A_1625 : vector<1x256xi32>
    %sign3A_1627 = arith.extui %sign3A_1626 : vector<1x256xi1> to vector<1x256xi32>
    %sign3A_1628 = arith.subi %sign3A_1623, %sign3A_1627 : vector<1x256xi32>
    %sign3A_1629 = arith.constant 0 : i32
    %sign3A_1630 = arith.cmpi sgt, %jit3A_1617, %sign3A_1629 : i32
    %sign3A_1631 = arith.extui %sign3A_1630 : i1 to i32
    %sign3A_1632 = arith.constant 0 : i32
    %sign3A_1633 = arith.cmpi slt, %jit3A_1617, %sign3A_1632 : i32
    %sign3A_1634 = arith.extui %sign3A_1633 : i1 to i32
    %sign3A_1635 = arith.subi %sign3A_1631, %sign3A_1634 : i32
    %ne3A_1636 = vector.broadcast %sign3A_1635 : i32 to vector<1x256xi32>
    %ne3A_1637 = arith.cmpi ne, %sign3A_1628, %ne3A_1636 : vector<1x256xi32>
    %rem3A_1638 = vector.broadcast %jit3A_1617 : i32 to vector<1x256xi32>
    %rem3A_1639 = arith.remsi %convert_element_type3A_1535, %rem3A_1638 : vector<1x256xi32>
    %ne3A_1640 = arith.constant 0 : i32
    %ne3A_1641 = vector.broadcast %ne3A_1640 : i32 to vector<1x256xi32>
    %ne3A_1642 = arith.cmpi ne, %rem3A_1639, %ne3A_1641 : vector<1x256xi32>
    %and3A_1643 = arith.andi %ne3A_1637, %ne3A_1642 : vector<1x256xi1>
    %sub3A_1644 = arith.constant 1 : i32
    %sub3A_1645 = vector.broadcast %sub3A_1644 : i32 to vector<1x256xi32>
    %sub3A_1646 = arith.subi %div3A_1619, %sub3A_1645 : vector<1x256xi32>
    %select_n3A_1647 = arith.select %and3A_1643, %sub3A_1646, %div3A_1619 : vector<1x256xi1>, vector<1x256xi32>
    %mul3A_1648 = arith.constant 128 : i32
    %mul3A_1649 = vector.broadcast %mul3A_1648 : i32 to vector<1x256xi32>
    %mul3A_1650 = arith.muli %select_n3A_1647, %mul3A_1649 : vector<1x256xi32>
    %add3A_1651 = vector.broadcast %mul3A_1616 : i32 to vector<1x256xi32>
    %add3A_1652 = arith.addi %add3A_1651, %mul3A_1650 : vector<1x256xi32>
    %jit3A_1653 = arith.constant 8 : i32
    %eq3A_1654 = arith.constant 0 : i32
    %eq3A_1655 = arith.cmpi eq, %jit3A_1653, %eq3A_1654 : i32
    %jit3A_1656 = arith.constant 1 : i32
    %select_n3A_1657 = arith.select %eq3A_1655, %jit3A_1656, %jit3A_1653 : i32
    %rem3A_1658 = vector.broadcast %select_n3A_1657 : i32 to vector<1x256xi32>
    %rem3A_1659 = arith.remsi %convert_element_type3A_1535, %rem3A_1658 : vector<1x256xi32>
    %ne3A_1660 = arith.constant 0 : i32
    %ne3A_1661 = vector.broadcast %ne3A_1660 : i32 to vector<1x256xi32>
    %ne3A_1662 = arith.cmpi ne, %rem3A_1659, %ne3A_1661 : vector<1x256xi32>
    %lt3A_1663 = arith.constant 0 : i32
    %lt3A_1664 = vector.broadcast %lt3A_1663 : i32 to vector<1x256xi32>
    %lt3A_1665 = arith.cmpi slt, %rem3A_1659, %lt3A_1664 : vector<1x256xi32>
    %lt3A_1666 = arith.constant 0 : i32
    %lt3A_1667 = arith.cmpi slt, %select_n3A_1657, %lt3A_1666 : i32
    %ne3A_1668 = vector.broadcast %lt3A_1667 : i1 to vector<1x256xi1>
    %ne3A_1669 = vector.broadcast %ne3A_1668 : vector<1x256xi1> to vector<1x256xi1>
    %ne3A_1670 = arith.xori %lt3A_1665, %ne3A_1669 : vector<1x256xi1>
    %and3A_1671 = arith.andi %ne3A_1670, %ne3A_1662 : vector<1x256xi1>
    %add3A_1672 = vector.broadcast %select_n3A_1657 : i32 to vector<1x256xi32>
    %add3A_1673 = arith.addi %rem3A_1659, %add3A_1672 : vector<1x256xi32>
    %select_n3A_1674 = arith.select %and3A_1671, %add3A_1673, %rem3A_1659 : vector<1x256xi1>, vector<1x256xi32>
    %mul3A_1675 = arith.constant 4 : i32
    %mul3A_1676 = vector.broadcast %mul3A_1675 : i32 to vector<1x256xi32>
    %mul3A_1677 = arith.muli %select_n3A_1674, %mul3A_1676 : vector<1x256xi32>
    %add3A_1678 = arith.addi %add3A_1652, %mul3A_1677 : vector<1x256xi32>
    %mul3A_1679 = arith.constant 32 : i32
    %mul3A_1680 = vector.broadcast %mul3A_1679 : i32 to vector<1x256xi32>
    %mul3A_1681 = arith.muli %select_n3A_1588, %mul3A_1680 : vector<1x256xi32>
    %add3A_1682 = arith.addi %add3A_1678, %mul3A_1681 : vector<1x256xi32>
    %add3A_1683 = arith.addi %add3A_1682, %select_n3A_1610 : vector<1x256xi32>
    %swap3A_1684 = arith.constant 6 : index
    %swap3A_1685 = arith.constant 0 : index
    %swap3A_1686 = vector.load %arg3[%swap3A_1684, %swap3A_1685] : memref<8x256xi32, #tpu.memory_space<vmem>>, vector<1x256xi32>
    tpu.vector_store %arg3[%swap3A_1684, %swap3A_1685], %add3A_1683 {strides = array<i32>} : memref<8x256xi32, #tpu.memory_space<vmem>>, vector<1x256xi32>,
    %get3A_1687 = arith.constant 7 : index
    %get3A_1688 = arith.constant 0 : index
    %get3A_1689 = arith.constant 0 : index
    %get3A_1690 = vector.load %arg1[%get3A_1687, %get3A_1688, %get3A_1689] : memref<8x64x384xf32, #tpu.memory_space<vmem>>, vector<1x64x384xf32>
    %get3A_1691 = vector.shape_cast %get3A_1690 : vector<1x64x384xf32> to vector<64x384xf32>
    %reduce_max3A_1692 = arith.constant dense<0xFF800000> : vector<384xf32>
    %reduce_max3A_1693 = vector.multi_reduction <maximumf>, %get3A_1691, %reduce_max3A_1692 [0] : vector<64x384xf32> to vector<384xf32>
    %broadcast_in_dim3A_1694 = vector.shape_cast %reduce_max3A_1693 : vector<384xf32> to vector<1x384xf32>
    %get3A_1695 = arith.constant 7 : index
    %get3A_1696 = arith.constant 0 : index
    %get3A_1697 = arith.constant 0 : index
    %get3A_1698 = vector.load %arg2[%get3A_1695, %get3A_1696, %get3A_1697] : memref<8x1024x384xf32, #tpu.memory_space<vmem>>, vector<1x1024x384xf32>
    %get3A_1699 = vector.shape_cast %get3A_1698 : vector<1x1024x384xf32> to vector<1024x384xf32>
    %dot_general3A_1700 = arith.constant dense<0.000000e+00> : vector<1x1024xf32>
    %dot_general3A_1701 = tpu.matmul %broadcast_in_dim3A_1694, %get3A_1699, %dot_general3A_1700 {dimension_numbers = #tpu.dot_dimension_numbers<[1], [1], [0], [0], [0, 0, 1, 0], [], []>, transpose_lhs_hint = false} : vector<1x384xf32>, vector<1024x384xf32>, vector<1x1024xf32> -> vector<1x1024xf32>
    %dot_general3A_1702 = arith.constant dense<0.000000e+00> : vector<1x64xf32>
    %dot_general3A_1703 = tpu.matmul %dot_general3A_1701, %convert_element_type3A_130, %dot_general3A_1702 {dimension_numbers = #tpu.dot_dimension_numbers<[1], [1], [0], [0], [0, 0, 1, 0], [], []>, precision = #tpu.contract_precision<fp32>, transpose_lhs_hint = false} : vector<1x1024xf32>, vector<64x1024xf32>, vector<1x64xf32> -> vector<1x64xf32>
    %dot_general3A_1704 = arith.constant dense<0.000000e+00> : vector<64x1xf32>
    %dot_general3A_1705 = tpu.matmul %convert_element_type3A_135, %dot_general3A_1703, %dot_general3A_1704 {dimension_numbers = #tpu.dot_dimension_numbers<[1], [1], [0], [0], [0, 0, 1, 0], [], []>, precision = #tpu.contract_precision<fp32>, transpose_lhs_hint = false} : vector<64x64xf32>, vector<1x64xf32>, vector<64x1xf32> -> vector<64x1xf32>
    %broadcast_in_dim3A_1706 = vector.shape_cast %dot_general3A_1703 : vector<1x64xf32> to vector<1x64xf32>
    %broadcast_in_dim3A_1707 = vector.broadcast %broadcast_in_dim3A_1706 : vector<1x64xf32> to vector<64x64xf32>
    %broadcast_in_dim3A_1708 = vector.shape_cast %dot_general3A_1705 : vector<64x1xf32> to vector<64x1xf32>
    %broadcast_in_dim3A_1709 = vector.broadcast %broadcast_in_dim3A_1708 : vector<64x1xf32> to vector<64x64xf32>
    %gt3A_1710 = arith.cmpf ogt, %broadcast_in_dim3A_1707, %broadcast_in_dim3A_1709 : vector<64x64xf32>
    %eq3A_1711 = arith.cmpf oeq, %broadcast_in_dim3A_1707, %broadcast_in_dim3A_1709 : vector<64x64xf32>
    %lt3A_1712 = arith.cmpi slt, %iota3A_137, %iota3A_136 : vector<64x64xi32>
    %and3A_1713 = arith.andi %eq3A_1711, %lt3A_1712 : vector<64x64xi1>
    %or3A_1714 = arith.ori %gt3A_1710, %and3A_1713 : vector<64x64xi1>
    %convert_element_type3A_1715 = arith.extui %or3A_1714 : vector<64x64xi1> to vector<64x64xi32>
    %reduce_sum3A_1716 = arith.constant dense<0> : vector<64xi32>
    %reduce_sum3A_1717 = vector.multi_reduction <add>, %convert_element_type3A_1715, %reduce_sum3A_1716 [1] : vector<64x64xi32> to vector<64xi32>
    %broadcast_in_dim3A_1718 = vector.shape_cast %reduce_sum3A_1717 : vector<64xi32> to vector<64x1xi32>
    %broadcast_in_dim3A_1719 = vector.shape_cast %broadcast_in_dim3A_1718 : vector<64x1xi32> to vector<64x1xi32>
    %broadcast_in_dim3A_1720 = vector.broadcast %broadcast_in_dim3A_1719 : vector<64x1xi32> to vector<64x256xi32>
    %jit3A_1721 = arith.constant 16 : i32
    %div3A_1722 = vector.broadcast %jit3A_1721 : i32 to vector<64x256xi32>
    %div3A_1723 = arith.divsi %iota3A_140, %div3A_1722 : vector<64x256xi32>
    %sign3A_1724 = arith.constant 0 : i32
    %sign3A_1725 = vector.broadcast %sign3A_1724 : i32 to vector<64x256xi32>
    %sign3A_1726 = arith.cmpi sgt, %iota3A_140, %sign3A_1725 : vector<64x256xi32>
    %sign3A_1727 = arith.extui %sign3A_1726 : vector<64x256xi1> to vector<64x256xi32>
    %sign3A_1728 = arith.constant 0 : i32
    %sign3A_1729 = vector.broadcast %sign3A_1728 : i32 to vector<64x256xi32>
    %sign3A_1730 = arith.cmpi slt, %iota3A_140, %sign3A_1729 : vector<64x256xi32>
    %sign3A_1731 = arith.extui %sign3A_1730 : vector<64x256xi1> to vector<64x256xi32>
    %sign3A_1732 = arith.subi %sign3A_1727, %sign3A_1731 : vector<64x256xi32>
    %sign3A_1733 = arith.constant 0 : i32
    %sign3A_1734 = arith.cmpi sgt, %jit3A_1721, %sign3A_1733 : i32
    %sign3A_1735 = arith.extui %sign3A_1734 : i1 to i32
    %sign3A_1736 = arith.constant 0 : i32
    %sign3A_1737 = arith.cmpi slt, %jit3A_1721, %sign3A_1736 : i32
    %sign3A_1738 = arith.extui %sign3A_1737 : i1 to i32
    %sign3A_1739 = arith.subi %sign3A_1735, %sign3A_1738 : i32
    %ne3A_1740 = vector.broadcast %sign3A_1739 : i32 to vector<64x256xi32>
    %ne3A_1741 = arith.cmpi ne, %sign3A_1732, %ne3A_1740 : vector<64x256xi32>
    %rem3A_1742 = vector.broadcast %jit3A_1721 : i32 to vector<64x256xi32>
    %rem3A_1743 = arith.remsi %iota3A_140, %rem3A_1742 : vector<64x256xi32>
    %ne3A_1744 = arith.constant 0 : i32
    %ne3A_1745 = vector.broadcast %ne3A_1744 : i32 to vector<64x256xi32>
    %ne3A_1746 = arith.cmpi ne, %rem3A_1743, %ne3A_1745 : vector<64x256xi32>
    %and3A_1747 = arith.andi %ne3A_1741, %ne3A_1746 : vector<64x256xi1>
    %sub3A_1748 = arith.constant 1 : i32
    %sub3A_1749 = vector.broadcast %sub3A_1748 : i32 to vector<64x256xi32>
    %sub3A_1750 = arith.subi %div3A_1723, %sub3A_1749 : vector<64x256xi32>
    %select_n3A_1751 = arith.select %and3A_1747, %sub3A_1750, %div3A_1723 : vector<64x256xi1>, vector<64x256xi32>
    %eq3A_1752 = arith.cmpi eq, %broadcast_in_dim3A_1720, %select_n3A_1751 : vector<64x256xi32>
    %convert_element_type3A_1753 = arith.extui %eq3A_1752 : vector<64x256xi1> to vector<64x256xi32>
    %convert_element_type3A_1754 = arith.sitofp %convert_element_type3A_1753 : vector<64x256xi32> to vector<64x256xf32>
    %dot_general3A_1755 = arith.constant dense<0.000000e+00> : vector<1x256xf32>
    %dot_general3A_1756 = tpu.matmul %convert_element_type3A_139, %convert_element_type3A_1754, %dot_general3A_1755 {dimension_numbers = #tpu.dot_dimension_numbers<[1], [0], [0], [1], [0, 0, 1, 1], [], []>, transpose_lhs_hint = false} : vector<1x64xf32>, vector<64x256xf32>, vector<1x256xf32> -> vector<1x256xf32>
    %convert_element_type3A_1757 = arith.fptosi %dot_general3A_1756 : vector<1x256xf32> to vector<1x256xi32>
    %jit3A_1758 = arith.constant 4 : i32
    %div3A_1759 = vector.broadcast %jit3A_1758 : i32 to vector<1x256xi32>
    %div3A_1760 = arith.divsi %iota3A_141, %div3A_1759 : vector<1x256xi32>
    %sign3A_1761 = arith.constant 0 : i32
    %sign3A_1762 = vector.broadcast %sign3A_1761 : i32 to vector<1x256xi32>
    %sign3A_1763 = arith.cmpi sgt, %iota3A_141, %sign3A_1762 : vector<1x256xi32>
    %sign3A_1764 = arith.extui %sign3A_1763 : vector<1x256xi1> to vector<1x256xi32>
    %sign3A_1765 = arith.constant 0 : i32
    %sign3A_1766 = vector.broadcast %sign3A_1765 : i32 to vector<1x256xi32>
    %sign3A_1767 = arith.cmpi slt, %iota3A_141, %sign3A_1766 : vector<1x256xi32>
    %sign3A_1768 = arith.extui %sign3A_1767 : vector<1x256xi1> to vector<1x256xi32>
    %sign3A_1769 = arith.subi %sign3A_1764, %sign3A_1768 : vector<1x256xi32>
    %sign3A_1770 = arith.constant 0 : i32
    %sign3A_1771 = arith.cmpi sgt, %jit3A_1758, %sign3A_1770 : i32
    %sign3A_1772 = arith.extui %sign3A_1771 : i1 to i32
    %sign3A_1773 = arith.constant 0 : i32
    %sign3A_1774 = arith.cmpi slt, %jit3A_1758, %sign3A_1773 : i32
    %sign3A_1775 = arith.extui %sign3A_1774 : i1 to i32
    %sign3A_1776 = arith.subi %sign3A_1772, %sign3A_1775 : i32
    %ne3A_1777 = vector.broadcast %sign3A_1776 : i32 to vector<1x256xi32>
    %ne3A_1778 = arith.cmpi ne, %sign3A_1769, %ne3A_1777 : vector<1x256xi32>
    %rem3A_1779 = vector.broadcast %jit3A_1758 : i32 to vector<1x256xi32>
    %rem3A_1780 = arith.remsi %iota3A_141, %rem3A_1779 : vector<1x256xi32>
    %ne3A_1781 = arith.constant 0 : i32
    %ne3A_1782 = vector.broadcast %ne3A_1781 : i32 to vector<1x256xi32>
    %ne3A_1783 = arith.cmpi ne, %rem3A_1780, %ne3A_1782 : vector<1x256xi32>
    %and3A_1784 = arith.andi %ne3A_1778, %ne3A_1783 : vector<1x256xi1>
    %sub3A_1785 = arith.constant 1 : i32
    %sub3A_1786 = vector.broadcast %sub3A_1785 : i32 to vector<1x256xi32>
    %sub3A_1787 = arith.subi %div3A_1760, %sub3A_1786 : vector<1x256xi32>
    %select_n3A_1788 = arith.select %and3A_1784, %sub3A_1787, %div3A_1760 : vector<1x256xi1>, vector<1x256xi32>
    %jit3A_1789 = arith.constant 4 : i32
    %eq3A_1790 = arith.constant 0 : i32
    %eq3A_1791 = arith.cmpi eq, %jit3A_1789, %eq3A_1790 : i32
    %jit3A_1792 = arith.constant 1 : i32
    %select_n3A_1793 = arith.select %eq3A_1791, %jit3A_1792, %jit3A_1789 : i32
    %rem3A_1794 = vector.broadcast %select_n3A_1793 : i32 to vector<1x256xi32>
    %rem3A_1795 = arith.remsi %select_n3A_1788, %rem3A_1794 : vector<1x256xi32>
    %ne3A_1796 = arith.constant 0 : i32
    %ne3A_1797 = vector.broadcast %ne3A_1796 : i32 to vector<1x256xi32>
    %ne3A_1798 = arith.cmpi ne, %rem3A_1795, %ne3A_1797 : vector<1x256xi32>
    %lt3A_1799 = arith.constant 0 : i32
    %lt3A_1800 = vector.broadcast %lt3A_1799 : i32 to vector<1x256xi32>
    %lt3A_1801 = arith.cmpi slt, %rem3A_1795, %lt3A_1800 : vector<1x256xi32>
    %lt3A_1802 = arith.constant 0 : i32
    %lt3A_1803 = arith.cmpi slt, %select_n3A_1793, %lt3A_1802 : i32
    %ne3A_1804 = vector.broadcast %lt3A_1803 : i1 to vector<1x256xi1>
    %ne3A_1805 = vector.broadcast %ne3A_1804 : vector<1x256xi1> to vector<1x256xi1>
    %ne3A_1806 = arith.xori %lt3A_1801, %ne3A_1805 : vector<1x256xi1>
    %and3A_1807 = arith.andi %ne3A_1806, %ne3A_1798 : vector<1x256xi1>
    %add3A_1808 = vector.broadcast %select_n3A_1793 : i32 to vector<1x256xi32>
    %add3A_1809 = arith.addi %rem3A_1795, %add3A_1808 : vector<1x256xi32>
    %select_n3A_1810 = arith.select %and3A_1807, %add3A_1809, %rem3A_1795 : vector<1x256xi1>, vector<1x256xi32>
    %jit3A_1811 = arith.constant 4 : i32
    %eq3A_1812 = arith.constant 0 : i32
    %eq3A_1813 = arith.cmpi eq, %jit3A_1811, %eq3A_1812 : i32
    %jit3A_1814 = arith.constant 1 : i32
    %select_n3A_1815 = arith.select %eq3A_1813, %jit3A_1814, %jit3A_1811 : i32
    %rem3A_1816 = vector.broadcast %select_n3A_1815 : i32 to vector<1x256xi32>
    %rem3A_1817 = arith.remsi %iota3A_141, %rem3A_1816 : vector<1x256xi32>
    %ne3A_1818 = arith.constant 0 : i32
    %ne3A_1819 = vector.broadcast %ne3A_1818 : i32 to vector<1x256xi32>
    %ne3A_1820 = arith.cmpi ne, %rem3A_1817, %ne3A_1819 : vector<1x256xi32>
    %lt3A_1821 = arith.constant 0 : i32
    %lt3A_1822 = vector.broadcast %lt3A_1821 : i32 to vector<1x256xi32>
    %lt3A_1823 = arith.cmpi slt, %rem3A_1817, %lt3A_1822 : vector<1x256xi32>
    %lt3A_1824 = arith.constant 0 : i32
    %lt3A_1825 = arith.cmpi slt, %select_n3A_1815, %lt3A_1824 : i32
    %ne3A_1826 = vector.broadcast %lt3A_1825 : i1 to vector<1x256xi1>
    %ne3A_1827 = vector.broadcast %ne3A_1826 : vector<1x256xi1> to vector<1x256xi1>
    %ne3A_1828 = arith.xori %lt3A_1823, %ne3A_1827 : vector<1x256xi1>
    %and3A_1829 = arith.andi %ne3A_1828, %ne3A_1820 : vector<1x256xi1>
    %add3A_1830 = vector.broadcast %select_n3A_1815 : i32 to vector<1x256xi32>
    %add3A_1831 = arith.addi %rem3A_1817, %add3A_1830 : vector<1x256xi32>
    %select_n3A_1832 = arith.select %and3A_1829, %add3A_1831, %rem3A_1817 : vector<1x256xi1>, vector<1x256xi32>
    %mul3A_1833 = arith.constant 8 : i32
    %mul3A_1834 = arith.muli %arg0, %mul3A_1833 : i32
    %add3A_1835 = arith.constant 7 : i32
    %add3A_1836 = arith.addi %mul3A_1834, %add3A_1835 : i32
    %mul3A_1837 = arith.constant 1024 : i32
    %mul3A_1838 = arith.muli %add3A_1836, %mul3A_1837 : i32
    %jit3A_1839 = arith.constant 8 : i32
    %div3A_1840 = vector.broadcast %jit3A_1839 : i32 to vector<1x256xi32>
    %div3A_1841 = arith.divsi %convert_element_type3A_1757, %div3A_1840 : vector<1x256xi32>
    %sign3A_1842 = arith.constant 0 : i32
    %sign3A_1843 = vector.broadcast %sign3A_1842 : i32 to vector<1x256xi32>
    %sign3A_1844 = arith.cmpi sgt, %convert_element_type3A_1757, %sign3A_1843 : vector<1x256xi32>
    %sign3A_1845 = arith.extui %sign3A_1844 : vector<1x256xi1> to vector<1x256xi32>
    %sign3A_1846 = arith.constant 0 : i32
    %sign3A_1847 = vector.broadcast %sign3A_1846 : i32 to vector<1x256xi32>
    %sign3A_1848 = arith.cmpi slt, %convert_element_type3A_1757, %sign3A_1847 : vector<1x256xi32>
    %sign3A_1849 = arith.extui %sign3A_1848 : vector<1x256xi1> to vector<1x256xi32>
    %sign3A_1850 = arith.subi %sign3A_1845, %sign3A_1849 : vector<1x256xi32>
    %sign3A_1851 = arith.constant 0 : i32
    %sign3A_1852 = arith.cmpi sgt, %jit3A_1839, %sign3A_1851 : i32
    %sign3A_1853 = arith.extui %sign3A_1852 : i1 to i32
    %sign3A_1854 = arith.constant 0 : i32
    %sign3A_1855 = arith.cmpi slt, %jit3A_1839, %sign3A_1854 : i32
    %sign3A_1856 = arith.extui %sign3A_1855 : i1 to i32
    %sign3A_1857 = arith.subi %sign3A_1853, %sign3A_1856 : i32
    %ne3A_1858 = vector.broadcast %sign3A_1857 : i32 to vector<1x256xi32>
    %ne3A_1859 = arith.cmpi ne, %sign3A_1850, %ne3A_1858 : vector<1x256xi32>
    %rem3A_1860 = vector.broadcast %jit3A_1839 : i32 to vector<1x256xi32>
    %rem3A_1861 = arith.remsi %convert_element_type3A_1757, %rem3A_1860 : vector<1x256xi32>
    %ne3A_1862 = arith.constant 0 : i32
    %ne3A_1863 = vector.broadcast %ne3A_1862 : i32 to vector<1x256xi32>
    %ne3A_1864 = arith.cmpi ne, %rem3A_1861, %ne3A_1863 : vector<1x256xi32>
    %and3A_1865 = arith.andi %ne3A_1859, %ne3A_1864 : vector<1x256xi1>
    %sub3A_1866 = arith.constant 1 : i32
    %sub3A_1867 = vector.broadcast %sub3A_1866 : i32 to vector<1x256xi32>
    %sub3A_1868 = arith.subi %div3A_1841, %sub3A_1867 : vector<1x256xi32>
    %select_n3A_1869 = arith.select %and3A_1865, %sub3A_1868, %div3A_1841 : vector<1x256xi1>, vector<1x256xi32>
    %mul3A_1870 = arith.constant 128 : i32
    %mul3A_1871 = vector.broadcast %mul3A_1870 : i32 to vector<1x256xi32>
    %mul3A_1872 = arith.muli %select_n3A_1869, %mul3A_1871 : vector<1x256xi32>
    %add3A_1873 = vector.broadcast %mul3A_1838 : i32 to vector<1x256xi32>
    %add3A_1874 = arith.addi %add3A_1873, %mul3A_1872 : vector<1x256xi32>
    %jit3A_1875 = arith.constant 8 : i32
    %eq3A_1876 = arith.constant 0 : i32
    %eq3A_1877 = arith.cmpi eq, %jit3A_1875, %eq3A_1876 : i32
    %jit3A_1878 = arith.constant 1 : i32
    %select_n3A_1879 = arith.select %eq3A_1877, %jit3A_1878, %jit3A_1875 : i32
    %rem3A_1880 = vector.broadcast %select_n3A_1879 : i32 to vector<1x256xi32>
    %rem3A_1881 = arith.remsi %convert_element_type3A_1757, %rem3A_1880 : vector<1x256xi32>
    %ne3A_1882 = arith.constant 0 : i32
    %ne3A_1883 = vector.broadcast %ne3A_1882 : i32 to vector<1x256xi32>
    %ne3A_1884 = arith.cmpi ne, %rem3A_1881, %ne3A_1883 : vector<1x256xi32>
    %lt3A_1885 = arith.constant 0 : i32
    %lt3A_1886 = vector.broadcast %lt3A_1885 : i32 to vector<1x256xi32>
    %lt3A_1887 = arith.cmpi slt, %rem3A_1881, %lt3A_1886 : vector<1x256xi32>
    %lt3A_1888 = arith.constant 0 : i32
    %lt3A_1889 = arith.cmpi slt, %select_n3A_1879, %lt3A_1888 : i32
    %ne3A_1890 = vector.broadcast %lt3A_1889 : i1 to vector<1x256xi1>
    %ne3A_1891 = vector.broadcast %ne3A_1890 : vector<1x256xi1> to vector<1x256xi1>
    %ne3A_1892 = arith.xori %lt3A_1887, %ne3A_1891 : vector<1x256xi1>
    %and3A_1893 = arith.andi %ne3A_1892, %ne3A_1884 : vector<1x256xi1>
    %add3A_1894 = vector.broadcast %select_n3A_1879 : i32 to vector<1x256xi32>
    %add3A_1895 = arith.addi %rem3A_1881, %add3A_1894 : vector<1x256xi32>
    %select_n3A_1896 = arith.select %and3A_1893, %add3A_1895, %rem3A_1881 : vector<1x256xi1>, vector<1x256xi32>
    %mul3A_1897 = arith.constant 4 : i32
    %mul3A_1898 = vector.broadcast %mul3A_1897 : i32 to vector<1x256xi32>
    %mul3A_1899 = arith.muli %select_n3A_1896, %mul3A_1898 : vector<1x256xi32>
    %add3A_1900 = arith.addi %add3A_1874, %mul3A_1899 : vector<1x256xi32>
    %mul3A_1901 = arith.constant 32 : i32
    %mul3A_1902 = vector.broadcast %mul3A_1901 : i32 to vector<1x256xi32>
    %mul3A_1903 = arith.muli %select_n3A_1810, %mul3A_1902 : vector<1x256xi32>
    %add3A_1904 = arith.addi %add3A_1900, %mul3A_1903 : vector<1x256xi32>
    %add3A_1905 = arith.addi %add3A_1904, %select_n3A_1832 : vector<1x256xi32>
    %swap3A_1906 = arith.constant 7 : index
    %swap3A_1907 = arith.constant 0 : index
    %swap3A_1908 = vector.load %arg3[%swap3A_1906, %swap3A_1907] : memref<8x256xi32, #tpu.memory_space<vmem>>, vector<1x256xi32>
    tpu.vector_store %arg3[%swap3A_1906, %swap3A_1907], %add3A_1905 {strides = array<i32>} : memref<8x256xi32, #tpu.memory_space<vmem>>, vector<1x256xi32>,
    return
  }
  func.func @transform_0(%arg0: i32) -> (i32, i32, i32) {
    %c0_i32 = arith.constant 0 : i32
    %c0_i32_0 = arith.constant 0 : i32
    %c0_i32_1 = arith.constant 0 : i32
    return %arg0, %c0_i32, %c0_i32_0 : i32, i32, i32
  }
  func.func @transform_1(%arg0: i32) -> (i32, i32, i32) {
    %c0_i32 = arith.constant 0 : i32
    %c0_i32_0 = arith.constant 0 : i32
    %c0_i32_1 = arith.constant 0 : i32
    return %arg0, %c0_i32, %c0_i32_0 : i32, i32, i32
  }
  func.func @transform_2(%arg0: i32) -> (i32, i32) {
    %c0_i32 = arith.constant 0 : i32
    %c0_i32_0 = arith.constant 0 : i32
    return %arg0, %c0_i32 : i32, i32
  }
}

</mosaic_0001>

<sc_bundles>
// kernel: kernel.5.cloned.1.call-start
scs
__scs_entry_jumppad:
0x0: {  	(pc) =	sbr.rel $0x88, $3  }
0x1: {  	(tag) =	ssettag $0x0;
	lr =	simm.s32 $0x1  }
0x2: {  	[smem:$0x3F9B] =	sst lr;
	_ =	strace $0xD0000000  }
0x3: {  	_ = 	snop  }
0x4: {  	_ = 	snop  }
0x5: {  	_ = 	snop  }
0x6: {  	_ = 	snop  }
0x7: {  	_ = 	snop  }
__scs_overlays_trampoline_lowered:
0x8: {  	[smem:$0x3FAA] =	sst s0  }
0x9: {  	[smem:$0x3FAB] =	sst s1  }
0xa: {  	[smem:$0x3FAC] =	sst s2  }
0xb: {  	[smem:$0x3FAD] =	sst s3  }
0xc: {  	[smem:$0x3FAE] =	sst s4  }
0xd: {  	[smem:$0x3FAF] =	sst s5  }
0xe: {  	[smem:$0x3FB0] =	sst s6  }
0xf: {  	[smem:$0x3FB1] =	sst s7  }
0x10: {  	[smem:$0x3FB2] =	sst s8  }
0x11: {  	[smem:$0x3FB3] =	sst s9;
	s0 =	simm.s32 @!p0 $0x0  }
0x12: {  	s1 =	sld [smem:$0x3F99];
	s0 =	simm.s32 @p0 $0x1  }
0x13: {  	[smem:$0x3FB4] =	sst s0;
	s0 =	simm.s32 @!p1 $0x0  }
0x14: {  	s2 =	sld [smem:$0x3F98];
	s0 =	simm.s32 @p1 $0x1  }
0x15: {  	[smem:$0x3FB5] =	sst s0;
	s0 =	simm.s32 @!p2 $0x0  }
0x16: {  	s3 =	sld [smem:$0x3FDB];
	s0 =	simm.s32 @p2 $0x1  }
0x17: {  	s4 =	simm.s32 $0x1BF5;
	[smem:$0x3FB7] =	sst s0  }
0x18: {  	s0 =	sld [smem:$0x3F9A];
	_ =	swait.ge [sflag:s4], $0x0  }
0x19: {  	s7 =	sld [smem:$0x3F9B]  }
0x1a: {  	s8 =	sadd.s32 $0xFFFFE003, lr  }
0x1b: {  	s9 =	sadd.s32 $0xFFFFFEF7, lr;
	s5 =	simm.s32 $0xFFFFFFFF;
	p2 =	slt.u32 s8, $0xFFFFF086  }
0x1c: {  	p1 =	slt.u32 s9, $0xF7A;
	s5 =	simm.s32 @!p2 $0x0  }
0x1d: {  	s5 =	simm.s32 @p1 $0x1;
	p0 =	seq.s32 s7, s2  }
0x1e: {  	s7 =	smul.u32 @!p0 $0xF7A, s2;
	p2 =	seq.s32 @!p0 s5, $0x0  }
0x1f: {  	s9 =	smul.u32 $0xF7A, s1;
	s8 =	simm.s32 @!p0 $0x1BF5;
	p2 =	por !p2, p0  }
0x20: {  	[sflag:s8] =	ssyncset.s32 @!p0 $0xFFFFF086;
	s6 =	sadd.s32 @!p0 s3, s7;
	s7 =	simm.s32 @!p0 $0x108  }
0x21: {  	s3 =	sadd.s32 s3, s9;
	s6 =	sadd.s32 @!p0 $0x88, s6;
	s7 =	simm.s32 @p2 $0x1082  }
0x22: {  	[simem:s7], [sflag:s8] =	dma.local @!p0 [hbm:s6], $0xF7A  }
0x23: {  	s9 =	sor.u32 $0xD0000000, s2;
	s6 =	simm.s32 $0x108;
	_ =	swait.ge @!p0 [sflag:s8], $0x0  }
0x24: {  	s3 =	sadd.s32 $0x88, s3;
	s6 =	simm.s32 @!p1 $0x1082;
	[sflag:s4] =	ssyncset.s32 $0xFFFFF086  }
0x25: {  	[simem:s6], [sflag:s4] =	dma.local [hbm:s3], $0xF7A  }
0x26: {  	[smem:$0x3F9B] =	sst s1;
	(tag) =	ssettag s2;
	_ =	strace s9  }
0x27: {  	s1 =	sld [smem:$0x3FAB]  }
0x28: {  	s2 =	sld [smem:$0x3FAC]  }
0x29: {  	s4 =	sld [smem:$0x3FAE]  }
0x2a: {  	p0 =	seq.s32 s5, $0x0;
	s5 =	sld [smem:$0x3FAF]  }
0x2b: {  	s6 =	sld [smem:$0x3FB0]  }
0x2c: {  	s7 =	sld [smem:$0x3FB1]  }
0x2d: {  	s3 =	simm.s32 $0x108;
	s8 =	sld [smem:$0x3FB2]  }
0x2e: {  	s3 =	simm.s32 @!p0 $0x1082;
	s9 =	sld [smem:$0x3FB3]  }
0x2f: {  	lr =	sadd.s32 s0, s3;
	s0 =	sld [smem:$0x3FAA]  }
0x30: {  	s3 =	sld [smem:$0x3FAD]  }
0x31: {  	[smem:$0x3FB6] =	sst s10  }
0x32: {  	s10 =	sld [smem:$0x3FB4];
	_ =	sdelay $0x3  }
0x33: {  	p0 =	seq.s32 s10, $0x1;
	s10 =	sld [smem:$0x3FB6];
	_ =	sdelay $0x3  }
0x34: {  	[smem:$0x3FB6] =	sst s10  }
0x35: {  	s10 =	sld [smem:$0x3FB5];
	_ =	sdelay $0x3  }
0x36: {  	p1 =	seq.s32 s10, $0x1;
	s10 =	sld [smem:$0x3FB6];
	_ =	sdelay $0x3  }
0x37: {  	[smem:$0x3FB6] =	sst s10  }
0x38: {  	s10 =	sld [smem:$0x3FB7]  }
0x39: {  	_ = 	snop;
	(pc) =	sbr.ind lr, $3  }
0x3a: {  	_ = 	snop  }
0x3b: {  	_ = 	snop  }
0x3c: {  	p2 =	seq.s32 s10, $0x1;
	s10 =	sld [smem:$0x3FB6]  }
0x3d: {  	_ =	shalt  }
0x3e: {  	_ =	shalt  }
0x3f: {  	_ =	shalt  }
0x40: {  	_ =	shalt  }
0x41: {  	_ =	shalt  }
0x42: {  	_ =	shalt  }
0x43: {  	_ =	shalt  }
0x44: {  	_ =	shalt  }
0x45: {  	_ =	shalt  }
0x46: {  	_ =	shalt  }
0x47: {  	_ =	shalt  }
0x48: {  	_ =	shalt  }
0x49: {  	_ =	shalt  }
0x4a: {  	_ =	shalt  }
0x4b: {  	_ =	shalt  }
0x4c: {  	_ =	shalt  }
0x4d: {  	_ =	shalt  }
0x4e: {  	_ =	shalt  }
0x4f: {  	_ =	shalt  }
0x50: {  	_ =	shalt  }
0x51: {  	_ =	shalt  }
0x52: {  	_ =	shalt  }
0x53: {  	_ =	shalt  }
0x54: {  	_ =	shalt  }
0x55: {  	_ =	shalt  }
0x56: {  	_ =	shalt  }
0x57: {  	_ =	shalt  }
0x58: {  	_ =	shalt  }
0x59: {  	_ =	shalt  }
0x5a: {  	_ =	shalt  }
0x5b: {  	_ =	shalt  }
0x5c: {  	_ =	shalt  }
0x5d: {  	_ =	shalt  }
0x5e: {  	_ =	shalt  }
0x5f: {  	_ =	shalt  }
0x60: {  	_ =	shalt  }
0x61: {  	_ =	shalt  }
0x62: {  	_ =	shalt  }
0x63: {  	_ =	shalt  }
0x64: {  	_ =	shalt  }
0x65: {  	_ =	shalt  }
0x66: {  	_ =	shalt  }
0x67: {  	_ =	shalt  }
0x68: {  	_ =	shalt  }
0x69: {  	_ =	shalt  }
0x6a: {  	_ =	shalt  }
0x6b: {  	_ =	shalt  }
0x6c: {  	_ =	shalt  }
0x6d: {  	_ =	shalt  }
0x6e: {  	_ =	shalt  }
0x6f: {  	_ =	shalt  }
0x70: {  	_ =	shalt  }
0x71: {  	_ =	shalt  }
0x72: {  	_ =	shalt  }
0x73: {  	_ =	shalt  }
0x74: {  	_ =	shalt  }
0x75: {  	_ =	shalt  }
0x76: {  	_ =	shalt  }
0x77: {  	_ =	shalt  }
0x78: {  	_ =	shalt  }
0x79: {  	_ =	shalt  }
0x7a: {  	_ =	shalt  }
0x7b: {  	_ =	shalt  }
0x7c: {  	_ =	shalt  }
0x7d: {  	_ =	shalt  }
0x7e: {  	_ =	shalt  }
0x7f: {  	_ =	shalt  }
0x80: {  	_ =	shalt  }
0x81: {  	_ =	shalt  }
0x82: {  	_ =	shalt  }
0x83: {  	_ =	shalt  }
0x84: {  	_ =	shalt  }
0x85: {  	_ =	shalt  }
0x86: {  	_ =	shalt  }
0x87: {  	_ =	shalt  }
.Lfunc_end0:
.L_simem_size_0:
called_computation_lowered:
.L_overlay_start_0:
0x88: {  	s2 =	sld [smem:$0x3FD9]  }
0x89: {  	s3 =	sld [smem:$0x3FFE];
	_ =	sdelay $0x1  }
0x8a: {  	s1 =	srdreg.scid  }
0x8b: {  	s0 =	sand.u32 $0x1, s1  }
0x8c: {  	s17 =	sshll.u32 s0, $0xA;
	s2 =	sadd.s32 s3, s2  }
0x8d: {  	s2 =	sadd.s32 s2, s17  }
0x8e: {  	[smem:$0x3FC2] =	sst s2  }
0x8f: {  	_ = 	snop  }
0x90: {  	s2 =	sld [smem:$0x3FC8]  }
0x91: {  	s18 =	sld [smem:$0x3FD0];
	(tm) =	ssettm $0x1  }
0x92: {  	s4 =	sld [smem:$0x3FFB];
	_ =	sdelay $0x3  }
0x93: {  	_ =	strace s4  }
0x94: {  	s4 =	sld [smem:$0x3FFC];
	_ =	sdelay $0x3  }
0x95: {  	_ =	strace s4  }
0x96: {  	s4 =	sld [smem:$0x3FFD];
	_ =	sdelay $0x3  }
0x97: {  	_ =	strace s4  }
0x98: {  	_ =	strace $0x8FFFFFFF  }
0x99: {  	s19 =	sld [smem:$0x3FDB];
	_ =	sdelay $0x1  }
0x9a: {  	s5 =	simm.s32 $_scs_section_size  }
0x9b: {  	s6 =	simm.s32 $_size__tile_overlayer_lowered;
	s7 =	simm.s32 $_tile_overlayer_lowered  }
0x9c: {  	s22 =	simm.s32 $0x1BFF;
	s21 =	sshll.u32 s7, $0x1;
	s4 =	sadd.s32 s5, s19  }
0x9d: {  	s8 =	simm.s32 $0x0;
	s20 =	sshll.u32 s6, $0x1;
	s6 =	sadd.s32 s21, s4  }
0x9e: {  	[timem:s8], [sflag:s22] =	dma.local [hbm:s6], s20  }
0x9f: {  	_ =	swait.ge [sflag:s22], s20  }
0xa0: {  	s5 =	ssub.s32 $0x0, s20;
	[sflag:s22] =	ssyncset.done $0x0  }
0xa1: {  	[sflag:s22] =	ssyncadd.s32 s5;
	_ =	sdelay $0x1  }
0xa2: {  	s23 =	simm.s32 $0x1B8B  }
0xa3: {  	_ =	swait.ge [sflag:s23], $0x1  }
0xa4: {  	[sflag:s23] =	ssyncset.done $0x0  }
0xa5: {  	s25 =	simm.s32 $0x1B8E;
	s24 =	sld [smem:$0x3FFE];
	[sflag:s23] =	ssyncadd.s32 $0xFFFFFFFF  }
0xa6: {  	s26 =	simm.s32 $execute0_lowered;
	[smem:$0x3FD2] =	sst s25  }
0xa7: {  	s6 =	sshll.u32 s26, $0x1;
	_ =	strace $0x80000046;
	[dreg:$0x1] =	wrdreg $0xFFFFFFFF  }
0xa8: {  	s28 =	simm.s32 $_size_execute0_lowered;
	s4 =	sadd.s32 s4, s6;
	[dreg:$0x0] =	wrdreg $0x0  }
0xa9: {  	s6 =	sshll.u32 s28, $0x1;
	[dreg:$0x2] =	wrdreg s4  }
0xaa: {  	[dreg:$0x3] =	wrdreg s6  }
0xab: {  	[dreg:$0x4] =	wrdreg $0xC0  }
0xac: {  	_ =	task [dreg:s8], $0x5FFFF  }
0xad: {  	[dreg:$0x1] =	wrdreg $0xFFFFFFFF  }
0xae: {  	[dreg:$0x0] =	wrdreg $0x60  }
0xaf: {  	[dreg:$0x2] =	wrdreg s2  }
0xb0: {  	[dreg:$0x3] =	wrdreg s18  }
0xb1: {  	[dreg:$0x4] =	wrdreg s24  }
0xb2: {  	[dreg:$0x5] =	wrdreg $0x9  }
0xb3: {  	_ =	task.clear_ibuf [dreg:s8], $0x6FFFF;
	_ =	strace $0x90000046  }
0xb4: {  	s29 =	simm.s32 $0x9;
	_ =	strace $0x80000048  }
0xb5: {  	_ =	swait.ge [sflag:s29], $0x1  }
0xb6: {  	[sflag:s29] =	ssyncadd.s32 $0xFFFFFFFF  }
0xb7: {  	_ =	strace $0x90000048  }
0xb8: {  	_ =	sfence  }
0xb9: {  	s30 =	sld [smem:$0x0];
	_ =	sdelay $0x2  }
0xba: {  	s31 =	sshll.u32 s1, $0xD;
	s1 =	sshrl.u32 s1, $0x2  }
0xbb: {  	s3 =	sand.u32 $0x4000, s31;
	s1 =	sadd.s32 s1, s30  }
0xbc: {  	s0 =	sor.u32 s3, s0;
	s1 =	sshll.u32 s1, $0x11  }
0xbd: {  	s0 =	sor.u32 s1, s0  }
0xbe: {  	s0 =	sadd.s32 $0x8F2B, s0  }
0xbf: {  	[sflag:s0] =	ssyncadd.remote.s32 $0x1  }
0xc0: {  	_ =	sfence.sel $0xFFFF  }
0xc1: {  	[dreg:$0x0] =	wrdreg $0xFFFFFFFF;
	(pc) =	sbr.abs _section_cstart, $3  }
0xc2: {  	[dreg:$0x1] =	wrdreg $0xFFFFFFFF  }
0xc3: {  	_ =	task.clear_ibuf [dreg:s8], $0x2FFFF;
	_ =	strace $0x9FFFFFFF  }
0xc4: {  	(tm) =	ssettm $0x7FFFFFFF  }
0xc5: {  	_ =	shalt  }
tec
execute0_lowered:
.L_overlay_start_1:
0x0: {  	(tag) =	ssettag $0x1  }
0x1: {  	s1 =	rddreg [dreg:$0x0]  }
0x2: {  	s0 =	rddreg [dreg:$0x1]  }
0x3: {  	s2 =	rddreg [dreg:$0x2];
	s4 =	srdreg.scid;
	s3 =	simm.s32 $0x0  }
0x4: {  	s5 =	stileid.u32;
	s14 =	simm.s32 $0x1;
	s4 =	sand.u32 $0x1, s4  }
0x5: {  	[smem:$0x7FF] =	sst s3;
	s5 =	sshll.u32 s5, $0x7;
	s6 =	sshll.u32 s4, $0x6  }
0x6: {  	s2 =	sadd.s32 $0xE00, s2;
	s4 =	ssub.s32 $0x2, s4;
	s5 =	sor.u32 s6, s5  }
0x7: {  	_ =	strace $0x80000047;
	s7 =	sshrl.u32 s4, $0x1;
	s6 =	smul.u32 $0x180, s5  }
0x8: {  	s8 =	sadd.s32 s0, s5;
	s9 =	sor.u32 $0x10, s5;
	s24 =	sor.u32 $0x20, s5  }
0x9: {  	s5 =	sor.u32 $0x30, s5;
	[dreg:$0x4] =	wrdreg s8;
	s23 =	sadd.s32 s0, s9  }
0xa: {  	s7 =	ssub.s32 s4, s7;
	s28 =	sadd.s32 s0, s24;
	[dreg:$0x6] =	wrdreg s23  }
0xb: {  	s22 =	smul.u32 $0x180, s9;
	s0 =	sadd.s32 s0, s5;
	[dreg:$0x8] =	wrdreg s28  }
0xc: {  	s26 =	smul.u32 $0x180, s24;
	s6 =	sadd.s32 s2, s6;
	[dreg:$0xa] =	wrdreg s0  }
0xd: {  	s30 =	smul.u32 $0x180, s5;
	[dreg:$0x5] =	wrdreg s6;
	s25 =	sadd.s32 s2, s22  }
0xe: {  	v2 =	vlaneseq.u32;
	s4 =	sadd.s32 $0x100, s1;
	s29 =	sadd.s32 s2, s26;
	[dreg:$0x7] =	wrdreg s25  }
0xf: {  	vm0 =	vmmov $0xffff;
	vm1 =	vmmov $0xff;
	v1 =	vshrl.u32 v2, $0x3;
	s5 =	smax.u32 s7, $0x1;
	s31 =	sadd.s32 s2, s30;
	[dreg:$0x9] =	wrdreg s29  }
0x10: {  	v0 =	vand.u32 $0x7, v2;
	v2 =	vor.u32 $0x8, v2;
	v1 =	vmul.u32 $0x8, v1;
	s6 =	simm.s32 $0x2;
	[dreg:$0xb] =	wrdreg s31;
	s25 =	simm.s32 $0x80  }
.LBB2_1:
0x11: {  	s15 =	rddreg [dreg:$0x4]  }
0x12: {  	[tilespmem:s3], [sflag:$0x2] =	stream.linear.gather [hbm4b:s15+s3], $0x80, $0x38;
	[tilespmem:$0xC080] =	vst v63  }
0x13: {  	_ =	swait.ge [sflag:s6], $0x80  }
0x14: {  	[sflag:s6] =	ssyncset.done $0x0  }
0x15: {  	[sflag:s6] =	ssyncadd.s32 $0xFFFFFF80  }
0x16: {  	v3 =	vld [tilespmem:$0x0];
	_ =	sdelay $0x4  }
0x17: {  	v4 =	vshrl.u32 v3, $0x3  }
0x18: {  	v4 =	vmul.u32 $0x18, v4  }
0x19: {  	v3 =	vand.u32 $0x7, v3  }
0x1a: {  	v3 =	vor.u32 v3, v4  }
0x1b: {  	v4 =	vperm.xlane v3, v0;
	_ =	sdelay $0x1  }
0x1c: {  	v4 =	vadd.s32 v1, v4;
	_ =	sdelay $0x1  }
0x1d: {  	v3 =	vperm.xlane v3, v2;
	_ =	sdelay $0x1  }
0x1e: {  	v3 =	vadd.s32 v1, v3  }
0x1f: {  	[tilespmem:s25], [sflag:$0x1] =	stream.indirect_vreg.gather [hbm4b:s1+s3], $0x80, v4, vm0, $0xb8;
	[tilespmem:$0xC080] =	vst v63  }
0x20: {  	s0 =	simm.s32 $0x880  }
0x21: {  	[tilespmem:s0], [sflag:$0x1] =	stream.indirect_vreg.gather [hbm4b:s4+s3], $0x80, v4, vm1, $0xb8;
	[tilespmem:$0xC080] =	vst v63  }
0x22: {  	s7 =	simm.s32 $0xC80  }
0x23: {  	[tilespmem:s7], [sflag:$0x1] =	stream.indirect_vreg.gather [hbm4b:s1+s3], $0x80, v3, vm0, $0xb8;
	[tilespmem:$0xC080] =	vst v63  }
0x24: {  	s8 =	simm.s32 $0x1480  }
0x25: {  	[tilespmem:s8], [sflag:$0x1] =	stream.indirect_vreg.gather [hbm4b:s4+s3], $0x80, v3, vm1, $0xb8;
	[tilespmem:$0xC080] =	vst v63  }
0x26: {  	v3 =	vld [tilespmem:$0x10];
	_ =	sdelay $0x4  }
0x27: {  	v33 =	vshrl.u32 v3, $0x3  }
0x28: {  	v4 =	vmul.u32 $0x18, v33  }
0x29: {  	v3 =	vand.u32 $0x7, v3  }
0x2a: {  	v3 =	vor.u32 v3, v4  }
0x2b: {  	v4 =	vperm.xlane v3, v0;
	_ =	sdelay $0x1  }
0x2c: {  	v4 =	vadd.s32 v1, v4;
	_ =	sdelay $0x1  }
0x2d: {  	v3 =	vperm.xlane v3, v2;
	_ =	sdelay $0x1  }
0x2e: {  	s9 =	simm.s32 $0x1880;
	v3 =	vadd.s32 v1, v3  }
0x2f: {  	[tilespmem:s9], [sflag:$0x1] =	stream.indirect_vreg.gather [hbm4b:s1+s3], $0x80, v4, vm0, $0xb8;
	[tilespmem:$0xC080] =	vst v63  }
0x30: {  	s10 =	simm.s32 $0x2080  }
0x31: {  	[tilespmem:s10], [sflag:$0x1] =	stream.indirect_vreg.gather [hbm4b:s4+s3], $0x80, v4, vm1, $0xb8;
	[tilespmem:$0xC080] =	vst v63  }
0x32: {  	s11 =	simm.s32 $0x2480  }
0x33: {  	[tilespmem:s11], [sflag:$0x1] =	stream.indirect_vreg.gather [hbm4b:s1+s3], $0x80, v3, vm0, $0xb8;
	[tilespmem:$0xC080] =	vst v63  }
0x34: {  	s12 =	simm.s32 $0x2C80  }
0x35: {  	[tilespmem:s12], [sflag:$0x1] =	stream.indirect_vreg.gather [hbm4b:s4+s3], $0x80, v3, vm1, $0xb8;
	[tilespmem:$0xC080] =	vst v63  }
0x36: {  	v3 =	vld [tilespmem:$0x20];
	_ =	sdelay $0x4  }
0x37: {  	v34 =	vshrl.u32 v3, $0x3  }
0x38: {  	v4 =	vmul.u32 $0x18, v34  }
0x39: {  	v3 =	vand.u32 $0x7, v3  }
0x3a: {  	v3 =	vor.u32 v3, v4  }
0x3b: {  	v4 =	vperm.xlane v3, v0;
	_ =	sdelay $0x1  }
0x3c: {  	v4 =	vadd.s32 v1, v4;
	_ =	sdelay $0x1  }
0x3d: {  	v3 =	vperm.xlane v3, v2;
	_ =	sdelay $0x1  }
0x3e: {  	s13 =	simm.s32 $0x3080;
	v3 =	vadd.s32 v1, v3  }
0x3f: {  	[tilespmem:s13], [sflag:$0x1] =	stream.indirect_vreg.gather [hbm4b:s1+s3], $0x80, v4, vm0, $0xb8;
	[tilespmem:$0xC080] =	vst v63  }
0x40: {  	s15 =	simm.s32 $0x3880  }
0x41: {  	[tilespmem:s15], [sflag:$0x1] =	stream.indirect_vreg.gather [hbm4b:s4+s3], $0x80, v4, vm1, $0xb8;
	[tilespmem:$0xC080] =	vst v63  }
0x42: {  	s16 =	simm.s32 $0x3C80  }
0x43: {  	[tilespmem:s16], [sflag:$0x1] =	stream.indirect_vreg.gather [hbm4b:s1+s3], $0x80, v3, vm0, $0xb8;
	[tilespmem:$0xC080] =	vst v63  }
0x44: {  	s17 =	simm.s32 $0x4480  }
0x45: {  	[tilespmem:s17], [sflag:$0x1] =	stream.indirect_vreg.gather [hbm4b:s4+s3], $0x80, v3, vm1, $0xb8;
	[tilespmem:$0xC080] =	vst v63  }
0x46: {  	v3 =	vld [tilespmem:$0x30];
	_ =	sdelay $0x4  }
0x47: {  	v35 =	vshrl.u32 v3, $0x3  }
0x48: {  	v4 =	vmul.u32 $0x18, v35  }
0x49: {  	v3 =	vand.u32 $0x7, v3  }
0x4a: {  	v3 =	vor.u32 v3, v4  }
0x4b: {  	v4 =	vperm.xlane v3, v0;
	_ =	sdelay $0x1  }
0x4c: {  	v4 =	vadd.s32 v1, v4;
	_ =	sdelay $0x1  }
0x4d: {  	v3 =	vperm.xlane v3, v2;
	_ =	sdelay $0x1  }
0x4e: {  	s18 =	simm.s32 $0x4880;
	v3 =	vadd.s32 v1, v3  }
0x4f: {  	[tilespmem:s18], [sflag:$0x1] =	stream.indirect_vreg.gather [hbm4b:s1+s3], $0x80, v4, vm0, $0xb8;
	[tilespmem:$0xC080] =	vst v63  }
0x50: {  	s19 =	simm.s32 $0x5080  }
0x51: {  	[tilespmem:s19], [sflag:$0x1] =	stream.indirect_vreg.gather [hbm4b:s4+s3], $0x80, v4, vm1, $0xb8;
	[tilespmem:$0xC080] =	vst v63  }
0x52: {  	s20 =	simm.s32 $0x5480  }
0x53: {  	[tilespmem:s20], [sflag:$0x1] =	stream.indirect_vreg.gather [hbm4b:s1+s3], $0x80, v3, vm0, $0xb8;
	[tilespmem:$0xC080] =	vst v63  }
0x54: {  	s21 =	simm.s32 $0x5C80  }
0x55: {  	[tilespmem:s21], [sflag:$0x1] =	stream.indirect_vreg.gather [hbm4b:s4+s3], $0x80, v3, vm1, $0xb8;
	[tilespmem:$0xC080] =	vst v63  }
0x56: {  	v3 =	vld [tilespmem:$0x40];
	_ =	sdelay $0x4  }
0x57: {  	v36 =	vshrl.u32 v3, $0x3  }
0x58: {  	v4 =	vmul.u32 $0x18, v36  }
0x59: {  	v3 =	vand.u32 $0x7, v3  }
0x5a: {  	v3 =	vor.u32 v3, v4  }
0x5b: {  	v4 =	vperm.xlane v3, v0;
	_ =	sdelay $0x1  }
0x5c: {  	v4 =	vadd.s32 v1, v4;
	_ =	sdelay $0x1  }
0x5d: {  	v3 =	vperm.xlane v3, v2;
	_ =	sdelay $0x1  }
0x5e: {  	s22 =	simm.s32 $0x6080;
	v3 =	vadd.s32 v1, v3  }
0x5f: {  	[tilespmem:s22], [sflag:$0x1] =	stream.indirect_vreg.gather [hbm4b:s1+s3], $0x80, v4, vm0, $0xb8;
	[tilespmem:$0xC080] =	vst v63  }
0x60: {  	s23 =	simm.s32 $0x6880  }
0x61: {  	[tilespmem:s23], [sflag:$0x1] =	stream.indirect_vreg.gather [hbm4b:s4+s3], $0x80, v4, vm1, $0xb8;
	[tilespmem:$0xC080] =	vst v63  }
0x62: {  	s24 =	simm.s32 $0x6C80  }
0x63: {  	[tilespmem:s24], [sflag:$0x1] =	stream.indirect_vreg.gather [hbm4b:s1+s3], $0x80, v3, vm0, $0xb8;
	[tilespmem:$0xC080] =	vst v63  }
0x64: {  	s26 =	simm.s32 $0x7480  }
0x65: {  	[tilespmem:s26], [sflag:$0x1] =	stream.indirect_vreg.gather [hbm4b:s4+s3], $0x80, v3, vm1, $0xb8;
	[tilespmem:$0xC080] =	vst v63  }
0x66: {  	v3 =	vld [tilespmem:$0x50];
	_ =	sdelay $0x4  }
0x67: {  	v37 =	vshrl.u32 v3, $0x3  }
0x68: {  	v4 =	vmul.u32 $0x18, v37  }
0x69: {  	v3 =	vand.u32 $0x7, v3  }
0x6a: {  	v3 =	vor.u32 v3, v4  }
0x6b: {  	v4 =	vperm.xlane v3, v0;
	_ =	sdelay $0x1  }
0x6c: {  	v4 =	vadd.s32 v1, v4;
	_ =	sdelay $0x1  }
0x6d: {  	v3 =	vperm.xlane v3, v2;
	_ =	sdelay $0x1  }
0x6e: {  	s28 =	simm.s32 $0x7880;
	v3 =	vadd.s32 v1, v3  }
0x6f: {  	[tilespmem:s28], [sflag:$0x1] =	stream.indirect_vreg.gather [hbm4b:s1+s3], $0x80, v4, vm0, $0xb8;
	[tilespmem:$0xC080] =	vst v63  }
0x70: {  	s29 =	simm.s32 $0x8080  }
0x71: {  	[tilespmem:s29], [sflag:$0x1] =	stream.indirect_vreg.gather [hbm4b:s4+s3], $0x80, v4, vm1, $0xb8;
	[tilespmem:$0xC080] =	vst v63  }
0x72: {  	s30 =	simm.s32 $0x8480  }
0x73: {  	[tilespmem:s30], [sflag:$0x1] =	stream.indirect_vreg.gather [hbm4b:s1+s3], $0x80, v3, vm0, $0xb8;
	[tilespmem:$0xC080] =	vst v63  }
0x74: {  	s31 =	simm.s32 $0x8C80  }
0x75: {  	[tilespmem:s31], [sflag:$0x1] =	stream.indirect_vreg.gather [hbm4b:s4+s3], $0x80, v3, vm1, $0xb8;
	[tilespmem:$0xC080] =	vst v63  }
0x76: {  	v3 =	vld [tilespmem:$0x60];
	_ =	sdelay $0x4  }
0x77: {  	v38 =	vshrl.u32 v3, $0x3  }
0x78: {  	v4 =	vmul.u32 $0x18, v38  }
0x79: {  	v3 =	vand.u32 $0x7, v3  }
0x7a: {  	v3 =	vor.u32 v3, v4  }
0x7b: {  	v4 =	vperm.xlane v3, v0;
	_ =	sdelay $0x1  }
0x7c: {  	v4 =	vadd.s32 v1, v4;
	_ =	sdelay $0x1  }
0x7d: {  	v3 =	vperm.xlane v3, v2;
	_ =	sdelay $0x1  }
0x7e: {  	s0 =	simm.s32 $0x9080;
	v3 =	vadd.s32 v1, v3  }
0x7f: {  	[tilespmem:s0], [sflag:$0x1] =	stream.indirect_vreg.gather [hbm4b:s1+s3], $0x80, v4, vm0, $0xb8;
	[tilespmem:$0xC080] =	vst v63  }
0x80: {  	s13 =	simm.s32 $0x9880  }
0x81: {  	[tilespmem:s13], [sflag:$0x1] =	stream.indirect_vreg.gather [hbm4b:s4+s3], $0x80, v4, vm1, $0xb8;
	[tilespmem:$0xC080] =	vst v63  }
0x82: {  	s16 =	simm.s32 $0x9C80  }
0x83: {  	[tilespmem:s16], [sflag:$0x1] =	stream.indirect_vreg.gather [hbm4b:s1+s3], $0x80, v3, vm0, $0xb8;
	[tilespmem:$0xC080] =	vst v63  }
0x84: {  	s17 =	simm.s32 $0xA480  }
0x85: {  	[tilespmem:s17], [sflag:$0x1] =	stream.indirect_vreg.gather [hbm4b:s4+s3], $0x80, v3, vm1, $0xb8;
	[tilespmem:$0xC080] =	vst v63  }
0x86: {  	v3 =	vld [tilespmem:$0x70];
	_ =	sdelay $0x4  }
0x87: {  	v39 =	vshrl.u32 v3, $0x3  }
0x88: {  	v4 =	vmul.u32 $0x18, v39  }
0x89: {  	v3 =	vand.u32 $0x7, v3  }
0x8a: {  	v3 =	vor.u32 v3, v4  }
0x8b: {  	v4 =	vperm.xlane v3, v0;
	_ =	sdelay $0x1  }
0x8c: {  	v4 =	vadd.s32 v1, v4;
	_ =	sdelay $0x1  }
0x8d: {  	v3 =	vperm.xlane v3, v2;
	_ =	sdelay $0x1  }
0x8e: {  	s18 =	simm.s32 $0xA880;
	v3 =	vadd.s32 v1, v3  }
0x8f: {  	[tilespmem:s18], [sflag:$0x1] =	stream.indirect_vreg.gather [hbm4b:s1+s3], $0x80, v4, vm0, $0xb8;
	[tilespmem:$0xC080] =	vst v63  }
0x90: {  	s19 =	simm.s32 $0xB080  }
0x91: {  	[tilespmem:s19], [sflag:$0x1] =	stream.indirect_vreg.gather [hbm4b:s4+s3], $0x80, v4, vm1, $0xb8;
	[tilespmem:$0xC080] =	vst v63  }
0x92: {  	s20 =	simm.s32 $0xB480  }
0x93: {  	[tilespmem:s20], [sflag:$0x1] =	stream.indirect_vreg.gather [hbm4b:s1+s3], $0x80, v3, vm0, $0xb8;
	[tilespmem:$0xC080] =	vst v63  }
0x94: {  	s21 =	simm.s32 $0xBC80  }
0x95: {  	[tilespmem:s21], [sflag:$0x1] =	stream.indirect_vreg.gather [hbm4b:s4+s3], $0x80, v3, vm1, $0xb8;
	[tilespmem:$0xC080] =	vst v63  }
0x96: {  	_ =	swait.ge [sflag:s14], $0xC000  }
0x97: {  	[sflag:s14] =	ssyncset.done $0x0  }
0x98: {  	s24 =	rddreg [dreg:$0x5];
	[sflag:s14] =	ssyncadd.s32 $0xFFFF4000  }
0x99: {  	[hbm4b:s24+s3] =	stream.linear.scatter [tilespmem:s25], [sflag:$0x2], $0xC000, $0x38;
	[tilespmem:$0xC080] =	vst v63  }
0x9a: {  	_ =	swait.ge [sflag:s6], $0xC000  }
0x9b: {  	[sflag:s6] =	ssyncset.done $0x0  }
0x9c: {  	s26 =	rddreg [dreg:$0x6];
	[sflag:s6] =	ssyncadd.s32 $0xFFFF4000  }
0x9d: {  	[tilespmem:s3], [sflag:$0x2] =	stream.linear.gather [hbm4b:s26+s3], $0x80, $0x38;
	[tilespmem:$0xC080] =	vst v63  }
0x9e: {  	_ =	swait.ge [sflag:s6], $0x80  }
0x9f: {  	[sflag:s6] =	ssyncset.done $0x0  }
0xa0: {  	[sflag:s6] =	ssyncadd.s32 $0xFFFFFF80  }
0xa1: {  	v3 =	vld [tilespmem:$0x0];
	_ =	sdelay $0x4  }
0xa2: {  	v40 =	vshrl.u32 v3, $0x3  }
0xa3: {  	v4 =	vmul.u32 $0x18, v40  }
0xa4: {  	v3 =	vand.u32 $0x7, v3  }
0xa5: {  	v3 =	vor.u32 v3, v4  }
0xa6: {  	v4 =	vperm.xlane v3, v0;
	_ =	sdelay $0x1  }
0xa7: {  	v4 =	vadd.s32 v1, v4;
	_ =	sdelay $0x1  }
0xa8: {  	v3 =	vperm.xlane v3, v2;
	_ =	sdelay $0x1  }
0xa9: {  	v3 =	vadd.s32 v1, v3  }
0xaa: {  	[tilespmem:s25], [sflag:$0x1] =	stream.indirect_vreg.gather [hbm4b:s1+s3], $0x80, v4, vm0, $0xb8;
	[tilespmem:$0xC080] =	vst v63  }
0xab: {  	s2 =	simm.s32 $0x880  }
0xac: {  	[tilespmem:s2], [sflag:$0x1] =	stream.indirect_vreg.gather [hbm4b:s4+s3], $0x80, v4, vm1, $0xb8;
	[tilespmem:$0xC080] =	vst v63  }
0xad: {  	s7 =	simm.s32 $0xC80  }
0xae: {  	[tilespmem:s7], [sflag:$0x1] =	stream.indirect_vreg.gather [hbm4b:s1+s3], $0x80, v3, vm0, $0xb8;
	[tilespmem:$0xC080] =	vst v63  }
0xaf: {  	s16 =	simm.s32 $0x1480  }
0xb0: {  	[tilespmem:s16], [sflag:$0x1] =	stream.indirect_vreg.gather [hbm4b:s4+s3], $0x80, v3, vm1, $0xb8;
	[tilespmem:$0xC080] =	vst v63  }
0xb1: {  	v3 =	vld [tilespmem:$0x10];
	_ =	sdelay $0x4  }
0xb2: {  	v41 =	vshrl.u32 v3, $0x3  }
0xb3: {  	v4 =	vmul.u32 $0x18, v41  }
0xb4: {  	v3 =	vand.u32 $0x7, v3  }
0xb5: {  	v3 =	vor.u32 v3, v4  }
0xb6: {  	v4 =	vperm.xlane v3, v0;
	_ =	sdelay $0x1  }
0xb7: {  	v4 =	vadd.s32 v1, v4;
	_ =	sdelay $0x1  }
0xb8: {  	v3 =	vperm.xlane v3, v2;
	_ =	sdelay $0x1  }
0xb9: {  	s8 =	simm.s32 $0x1880;
	v3 =	vadd.s32 v1, v3  }
0xba: {  	[tilespmem:s8], [sflag:$0x1] =	stream.indirect_vreg.gather [hbm4b:s1+s3], $0x80, v4, vm0, $0xb8;
	[tilespmem:$0xC080] =	vst v63  }
0xbb: {  	s9 =	simm.s32 $0x2080  }
0xbc: {  	[tilespmem:s9], [sflag:$0x1] =	stream.indirect_vreg.gather [hbm4b:s4+s3], $0x80, v4, vm1, $0xb8;
	[tilespmem:$0xC080] =	vst v63  }
0xbd: {  	s10 =	simm.s32 $0x2480  }
0xbe: {  	[tilespmem:s10], [sflag:$0x1] =	stream.indirect_vreg.gather [hbm4b:s1+s3], $0x80, v3, vm0, $0xb8;
	[tilespmem:$0xC080] =	vst v63  }
0xbf: {  	s12 =	simm.s32 $0x2C80  }
0xc0: {  	[tilespmem:s12], [sflag:$0x1] =	stream.indirect_vreg.gather [hbm4b:s4+s3], $0x80, v3, vm1, $0xb8;
	[tilespmem:$0xC080] =	vst v63  }
0xc1: {  	v3 =	vld [tilespmem:$0x20];
	_ =	sdelay $0x4  }
0xc2: {  	v42 =	vshrl.u32 v3, $0x3  }
0xc3: {  	v4 =	vmul.u32 $0x18, v42  }
0xc4: {  	v3 =	vand.u32 $0x7, v3  }
0xc5: {  	v3 =	vor.u32 v3, v4  }
0xc6: {  	v4 =	vperm.xlane v3, v0;
	_ =	sdelay $0x1  }
0xc7: {  	v4 =	vadd.s32 v1, v4;
	_ =	sdelay $0x1  }
0xc8: {  	v3 =	vperm.xlane v3, v2;
	_ =	sdelay $0x1  }
0xc9: {  	s11 =	simm.s32 $0x3080;
	v3 =	vadd.s32 v1, v3  }
0xca: {  	[tilespmem:s11], [sflag:$0x1] =	stream.indirect_vreg.gather [hbm4b:s1+s3], $0x80, v4, vm0, $0xb8;
	[tilespmem:$0xC080] =	vst v63  }
0xcb: {  	s24 =	simm.s32 $0x3880  }
0xcc: {  	[tilespmem:s24], [sflag:$0x1] =	stream.indirect_vreg.gather [hbm4b:s4+s3], $0x80, v4, vm1, $0xb8;
	[tilespmem:$0xC080] =	vst v63  }
0xcd: {  	s12 =	simm.s32 $0x3C80  }
0xce: {  	[tilespmem:s12], [sflag:$0x1] =	stream.indirect_vreg.gather [hbm4b:s1+s3], $0x80, v3, vm0, $0xb8;
	[tilespmem:$0xC080] =	vst v63  }
0xcf: {  	s13 =	simm.s32 $0x4480  }
0xd0: {  	[tilespmem:s13], [sflag:$0x1] =	stream.indirect_vreg.gather [hbm4b:s4+s3], $0x80, v3, vm1, $0xb8;
	[tilespmem:$0xC080] =	vst v63  }
0xd1: {  	v3 =	vld [tilespmem:$0x30];
	_ =	sdelay $0x4  }
0xd2: {  	v43 =	vshrl.u32 v3, $0x3  }
0xd3: {  	v4 =	vmul.u32 $0x18, v43  }
0xd4: {  	v3 =	vand.u32 $0x7, v3  }
0xd5: {  	v3 =	vor.u32 v3, v4  }
0xd6: {  	v4 =	vperm.xlane v3, v0;
	_ =	sdelay $0x1  }
0xd7: {  	v4 =	vadd.s32 v1, v4;
	_ =	sdelay $0x1  }
0xd8: {  	v3 =	vperm.xlane v3, v2;
	_ =	sdelay $0x1  }
0xd9: {  	s17 =	simm.s32 $0x4880;
	v3 =	vadd.s32 v1, v3  }
0xda: {  	[tilespmem:s17], [sflag:$0x1] =	stream.indirect_vreg.gather [hbm4b:s1+s3], $0x80, v4, vm0, $0xb8;
	[tilespmem:$0xC080] =	vst v63  }
0xdb: {  	s18 =	simm.s32 $0x5080  }
0xdc: {  	[tilespmem:s18], [sflag:$0x1] =	stream.indirect_vreg.gather [hbm4b:s4+s3], $0x80, v4, vm1, $0xb8;
	[tilespmem:$0xC080] =	vst v63  }
0xdd: {  	s19 =	simm.s32 $0x5480  }
0xde: {  	[tilespmem:s19], [sflag:$0x1] =	stream.indirect_vreg.gather [hbm4b:s1+s3], $0x80, v3, vm0, $0xb8;
	[tilespmem:$0xC080] =	vst v63  }
0xdf: {  	s20 =	simm.s32 $0x5C80  }
0xe0: {  	[tilespmem:s20], [sflag:$0x1] =	stream.indirect_vreg.gather [hbm4b:s4+s3], $0x80, v3, vm1, $0xb8;
	[tilespmem:$0xC080] =	vst v63  }
0xe1: {  	v3 =	vld [tilespmem:$0x40];
	_ =	sdelay $0x4  }
0xe2: {  	v44 =	vshrl.u32 v3, $0x3  }
0xe3: {  	v4 =	vmul.u32 $0x18, v44  }
0xe4: {  	v3 =	vand.u32 $0x7, v3  }
0xe5: {  	v3 =	vor.u32 v3, v4  }
0xe6: {  	v4 =	vperm.xlane v3, v0;
	_ =	sdelay $0x1  }
0xe7: {  	v4 =	vadd.s32 v1, v4;
	_ =	sdelay $0x1  }
0xe8: {  	v3 =	vperm.xlane v3, v2;
	_ =	sdelay $0x1  }
0xe9: {  	s0 =	simm.s32 $0x6080;
	v3 =	vadd.s32 v1, v3  }
0xea: {  	[tilespmem:s0], [sflag:$0x1] =	stream.indirect_vreg.gather [hbm4b:s1+s3], $0x80, v4, vm0, $0xb8;
	[tilespmem:$0xC080] =	vst v63  }
0xeb: {  	s2 =	simm.s32 $0x6880  }
0xec: {  	[tilespmem:s2], [sflag:$0x1] =	stream.indirect_vreg.gather [hbm4b:s4+s3], $0x80, v4, vm1, $0xb8;
	[tilespmem:$0xC080] =	vst v63  }
0xed: {  	s7 =	simm.s32 $0x6C80  }
0xee: {  	[tilespmem:s7], [sflag:$0x1] =	stream.indirect_vreg.gather [hbm4b:s1+s3], $0x80, v3, vm0, $0xb8;
	[tilespmem:$0xC080] =	vst v63  }
0xef: {  	s11 =	simm.s32 $0x7480  }
0xf0: {  	[tilespmem:s11], [sflag:$0x1] =	stream.indirect_vreg.gather [hbm4b:s4+s3], $0x80, v3, vm1, $0xb8;
	[tilespmem:$0xC080] =	vst v63  }
0xf1: {  	v3 =	vld [tilespmem:$0x50];
	_ =	sdelay $0x4  }
0xf2: {  	v45 =	vshrl.u32 v3, $0x3  }
0xf3: {  	v4 =	vmul.u32 $0x18, v45  }
0xf4: {  	v3 =	vand.u32 $0x7, v3  }
0xf5: {  	v3 =	vor.u32 v3, v4  }
0xf6: {  	v4 =	vperm.xlane v3, v0;
	_ =	sdelay $0x1  }
0xf7: {  	v4 =	vadd.s32 v1, v4;
	_ =	sdelay $0x1  }
0xf8: {  	v3 =	vperm.xlane v3, v2;
	_ =	sdelay $0x1  }
0xf9: {  	s8 =	simm.s32 $0x7880;
	v3 =	vadd.s32 v1, v3  }
0xfa: {  	[tilespmem:s8], [sflag:$0x1] =	stream.indirect_vreg.gather [hbm4b:s1+s3], $0x80, v4, vm0, $0xb8;
	[tilespmem:$0xC080] =	vst v63  }
0xfb: {  	s9 =	simm.s32 $0x8080  }
0xfc: {  	[tilespmem:s9], [sflag:$0x1] =	stream.indirect_vreg.gather [hbm4b:s4+s3], $0x80, v4, vm1, $0xb8;
	[tilespmem:$0xC080] =	vst v63  }
0xfd: {  	s10 =	simm.s32 $0x8480  }
0xfe: {  	[tilespmem:s10], [sflag:$0x1] =	stream.indirect_vreg.gather [hbm4b:s1+s3], $0x80, v3, vm0, $0xb8;
	[tilespmem:$0xC080] =	vst v63  }
0xff: {  	s23 =	simm.s32 $0x8C80  }
0x100: {  	[tilespmem:s23], [sflag:$0x1] =	stream.indirect_vreg.gather [hbm4b:s4+s3], $0x80, v3, vm1, $0xb8;
	[tilespmem:$0xC080] =	vst v63  }
0x101: {  	v3 =	vld [tilespmem:$0x60];
	_ =	sdelay $0x4  }
0x102: {  	v46 =	vshrl.u32 v3, $0x3  }
0x103: {  	v4 =	vmul.u32 $0x18, v46  }
0x104: {  	v3 =	vand.u32 $0x7, v3  }
0x105: {  	v3 =	vor.u32 v3, v4  }
0x106: {  	v4 =	vperm.xlane v3, v0;
	_ =	sdelay $0x1  }
0x107: {  	v4 =	vadd.s32 v1, v4;
	_ =	sdelay $0x1  }
0x108: {  	v3 =	vperm.xlane v3, v2;
	_ =	sdelay $0x1  }
0x109: {  	s30 =	simm.s32 $0x9080;
	v3 =	vadd.s32 v1, v3  }
0x10a: {  	[tilespmem:s30], [sflag:$0x1] =	stream.indirect_vreg.gather [hbm4b:s1+s3], $0x80, v4, vm0, $0xb8;
	[tilespmem:$0xC080] =	vst v63  }
0x10b: {  	s28 =	simm.s32 $0x9880  }
0x10c: {  	[tilespmem:s28], [sflag:$0x1] =	stream.indirect_vreg.gather [hbm4b:s4+s3], $0x80, v4, vm1, $0xb8;
	[tilespmem:$0xC080] =	vst v63  }
0x10d: {  	s29 =	simm.s32 $0x9C80  }
0x10e: {  	[tilespmem:s29], [sflag:$0x1] =	stream.indirect_vreg.gather [hbm4b:s1+s3], $0x80, v3, vm0, $0xb8;
	[tilespmem:$0xC080] =	vst v63  }
0x10f: {  	s22 =	simm.s32 $0xA480  }
0x110: {  	[tilespmem:s22], [sflag:$0x1] =	stream.indirect_vreg.gather [hbm4b:s4+s3], $0x80, v3, vm1, $0xb8;
	[tilespmem:$0xC080] =	vst v63  }
0x111: {  	v3 =	vld [tilespmem:$0x70];
	_ =	sdelay $0x4  }
0x112: {  	v47 =	vshrl.u32 v3, $0x3  }
0x113: {  	v4 =	vmul.u32 $0x18, v47  }
0x114: {  	v3 =	vand.u32 $0x7, v3  }
0x115: {  	v3 =	vor.u32 v3, v4  }
0x116: {  	v4 =	vperm.xlane v3, v0;
	_ =	sdelay $0x1  }
0x117: {  	v4 =	vadd.s32 v1, v4;
	_ =	sdelay $0x1  }
0x118: {  	v3 =	vperm.xlane v3, v2;
	_ =	sdelay $0x1  }
0x119: {  	s28 =	simm.s32 $0xA880;
	v3 =	vadd.s32 v1, v3  }
0x11a: {  	[tilespmem:s28], [sflag:$0x1] =	stream.indirect_vreg.gather [hbm4b:s1+s3], $0x80, v4, vm0, $0xb8;
	[tilespmem:$0xC080] =	vst v63  }
0x11b: {  	s29 =	simm.s32 $0xB080  }
0x11c: {  	[tilespmem:s29], [sflag:$0x1] =	stream.indirect_vreg.gather [hbm4b:s4+s3], $0x80, v4, vm1, $0xb8;
	[tilespmem:$0xC080] =	vst v63  }
0x11d: {  	s30 =	simm.s32 $0xB480  }
0x11e: {  	[tilespmem:s30], [sflag:$0x1] =	stream.indirect_vreg.gather [hbm4b:s1+s3], $0x80, v3, vm0, $0xb8;
	[tilespmem:$0xC080] =	vst v63  }
0x11f: {  	s21 =	simm.s32 $0xBC80  }
0x120: {  	[tilespmem:s21], [sflag:$0x1] =	stream.indirect_vreg.gather [hbm4b:s4+s3], $0x80, v3, vm1, $0xb8;
	[tilespmem:$0xC080] =	vst v63  }
0x121: {  	_ =	swait.ge [sflag:s14], $0xC000  }
0x122: {  	[sflag:s14] =	ssyncset.done $0x0  }
0x123: {  	s21 =	rddreg [dreg:$0x7];
	[sflag:s14] =	ssyncadd.s32 $0xFFFF4000  }
0x124: {  	[hbm4b:s21+s3] =	stream.linear.scatter [tilespmem:s25], [sflag:$0x2], $0xC000, $0x38;
	[tilespmem:$0xC080] =	vst v63  }
0x125: {  	_ =	swait.ge [sflag:s6], $0xC000  }
0x126: {  	[sflag:s6] =	ssyncset.done $0x0  }
0x127: {  	s22 =	rddreg [dreg:$0x8];
	[sflag:s6] =	ssyncadd.s32 $0xFFFF4000  }
0x128: {  	[tilespmem:s3], [sflag:$0x2] =	stream.linear.gather [hbm4b:s22+s3], $0x80, $0x38;
	[tilespmem:$0xC080] =	vst v63  }
0x129: {  	_ =	swait.ge [sflag:s6], $0x80  }
0x12a: {  	[sflag:s6] =	ssyncset.done $0x0  }
0x12b: {  	[sflag:s6] =	ssyncadd.s32 $0xFFFFFF80  }
0x12c: {  	v3 =	vld [tilespmem:$0x0];
	_ =	sdelay $0x4  }
0x12d: {  	v48 =	vshrl.u32 v3, $0x3  }
0x12e: {  	v4 =	vmul.u32 $0x18, v48  }
0x12f: {  	v3 =	vand.u32 $0x7, v3  }
0x130: {  	v3 =	vor.u32 v3, v4  }
0x131: {  	v4 =	vperm.xlane v3, v0;
	_ =	sdelay $0x1  }
0x132: {  	v4 =	vadd.s32 v1, v4;
	_ =	sdelay $0x1  }
0x133: {  	v3 =	vperm.xlane v3, v2;
	_ =	sdelay $0x1  }
0x134: {  	v3 =	vadd.s32 v1, v3  }
0x135: {  	[tilespmem:s25], [sflag:$0x1] =	stream.indirect_vreg.gather [hbm4b:s1+s3], $0x80, v4, vm0, $0xb8;
	[tilespmem:$0xC080] =	vst v63  }
0x136: {  	s26 =	simm.s32 $0x880  }
0x137: {  	[tilespmem:s26], [sflag:$0x1] =	stream.indirect_vreg.gather [hbm4b:s4+s3], $0x80, v4, vm1, $0xb8;
	[tilespmem:$0xC080] =	vst v63  }
0x138: {  	s26 =	simm.s32 $0xC80  }
0x139: {  	[tilespmem:s26], [sflag:$0x1] =	stream.indirect_vreg.gather [hbm4b:s1+s3], $0x80, v3, vm0, $0xb8;
	[tilespmem:$0xC080] =	vst v63  }
0x13a: {  	_ = 	snop  }
0x13b: {  	[tilespmem:s16], [sflag:$0x1] =	stream.indirect_vreg.gather [hbm4b:s4+s3], $0x80, v3, vm1, $0xb8;
	[tilespmem:$0xC080] =	vst v63  }
0x13c: {  	v3 =	vld [tilespmem:$0x10];
	_ =	sdelay $0x4  }
0x13d: {  	v49 =	vshrl.u32 v3, $0x3  }
0x13e: {  	v4 =	vmul.u32 $0x18, v49  }
0x13f: {  	v3 =	vand.u32 $0x7, v3  }
0x140: {  	v3 =	vor.u32 v3, v4  }
0x141: {  	v4 =	vperm.xlane v3, v0;
	_ =	sdelay $0x1  }
0x142: {  	v4 =	vadd.s32 v1, v4;
	_ =	sdelay $0x1  }
0x143: {  	v3 =	vperm.xlane v3, v2;
	_ =	sdelay $0x1  }
0x144: {  	s16 =	simm.s32 $0x1880;
	v3 =	vadd.s32 v1, v3  }
0x145: {  	[tilespmem:s16], [sflag:$0x1] =	stream.indirect_vreg.gather [hbm4b:s1+s3], $0x80, v4, vm0, $0xb8;
	[tilespmem:$0xC080] =	vst v63  }
0x146: {  	s26 =	simm.s32 $0x2080  }
0x147: {  	[tilespmem:s26], [sflag:$0x1] =	stream.indirect_vreg.gather [hbm4b:s4+s3], $0x80, v4, vm1, $0xb8;
	[tilespmem:$0xC080] =	vst v63  }
0x148: {  	s16 =	simm.s32 $0x2480  }
0x149: {  	[tilespmem:s16], [sflag:$0x1] =	stream.indirect_vreg.gather [hbm4b:s1+s3], $0x80, v3, vm0, $0xb8;
	[tilespmem:$0xC080] =	vst v63  }
0x14a: {  	s26 =	simm.s32 $0x2C80  }
0x14b: {  	[tilespmem:s26], [sflag:$0x1] =	stream.indirect_vreg.gather [hbm4b:s4+s3], $0x80, v3, vm1, $0xb8;
	[tilespmem:$0xC080] =	vst v63  }
0x14c: {  	v3 =	vld [tilespmem:$0x20];
	_ =	sdelay $0x4  }
0x14d: {  	v50 =	vshrl.u32 v3, $0x3  }
0x14e: {  	v4 =	vmul.u32 $0x18, v50  }
0x14f: {  	v3 =	vand.u32 $0x7, v3  }
0x150: {  	v3 =	vor.u32 v3, v4  }
0x151: {  	v4 =	vperm.xlane v3, v0;
	_ =	sdelay $0x1  }
0x152: {  	v4 =	vadd.s32 v1, v4;
	_ =	sdelay $0x1  }
0x153: {  	v3 =	vperm.xlane v3, v2;
	_ =	sdelay $0x1  }
0x154: {  	s16 =	simm.s32 $0x3080;
	v3 =	vadd.s32 v1, v3  }
0x155: {  	[tilespmem:s16], [sflag:$0x1] =	stream.indirect_vreg.gather [hbm4b:s1+s3], $0x80, v4, vm0, $0xb8;
	[tilespmem:$0xC080] =	vst v63  }
0x156: {  	_ = 	snop  }
0x157: {  	[tilespmem:s24], [sflag:$0x1] =	stream.indirect_vreg.gather [hbm4b:s4+s3], $0x80, v4, vm1, $0xb8;
	[tilespmem:$0xC080] =	vst v63  }
0x158: {  	_ = 	snop  }
0x159: {  	[tilespmem:s12], [sflag:$0x1] =	stream.indirect_vreg.gather [hbm4b:s1+s3], $0x80, v3, vm0, $0xb8;
	[tilespmem:$0xC080] =	vst v63  }
0x15a: {  	_ = 	snop  }
0x15b: {  	[tilespmem:s13], [sflag:$0x1] =	stream.indirect_vreg.gather [hbm4b:s4+s3], $0x80, v3, vm1, $0xb8;
	[tilespmem:$0xC080] =	vst v63  }
0x15c: {  	v3 =	vld [tilespmem:$0x30];
	_ =	sdelay $0x4  }
0x15d: {  	v51 =	vshrl.u32 v3, $0x3  }
0x15e: {  	v4 =	vmul.u32 $0x18, v51  }
0x15f: {  	v3 =	vand.u32 $0x7, v3  }
0x160: {  	v3 =	vor.u32 v3, v4  }
0x161: {  	v4 =	vperm.xlane v3, v0;
	_ =	sdelay $0x1  }
0x162: {  	v4 =	vadd.s32 v1, v4;
	_ =	sdelay $0x1  }
0x163: {  	v3 =	vperm.xlane v3, v2;
	_ =	sdelay $0x1  }
0x164: {  	v3 =	vadd.s32 v1, v3  }
0x165: {  	[tilespmem:s17], [sflag:$0x1] =	stream.indirect_vreg.gather [hbm4b:s1+s3], $0x80, v4, vm0, $0xb8;
	[tilespmem:$0xC080] =	vst v63  }
0x166: {  	_ = 	snop  }
0x167: {  	[tilespmem:s18], [sflag:$0x1] =	stream.indirect_vreg.gather [hbm4b:s4+s3], $0x80, v4, vm1, $0xb8;
	[tilespmem:$0xC080] =	vst v63  }
0x168: {  	_ = 	snop  }
0x169: {  	[tilespmem:s19], [sflag:$0x1] =	stream.indirect_vreg.gather [hbm4b:s1+s3], $0x80, v3, vm0, $0xb8;
	[tilespmem:$0xC080] =	vst v63  }
0x16a: {  	_ = 	snop  }
0x16b: {  	[tilespmem:s20], [sflag:$0x1] =	stream.indirect_vreg.gather [hbm4b:s4+s3], $0x80, v3, vm1, $0xb8;
	[tilespmem:$0xC080] =	vst v63  }
0x16c: {  	v3 =	vld [tilespmem:$0x40];
	_ =	sdelay $0x4  }
0x16d: {  	v52 =	vshrl.u32 v3, $0x3  }
0x16e: {  	v4 =	vmul.u32 $0x18, v52  }
0x16f: {  	v3 =	vand.u32 $0x7, v3  }
0x170: {  	v3 =	vor.u32 v3, v4  }
0x171: {  	v4 =	vperm.xlane v3, v0;
	_ =	sdelay $0x1  }
0x172: {  	v4 =	vadd.s32 v1, v4;
	_ =	sdelay $0x1  }
0x173: {  	v3 =	vperm.xlane v3, v2;
	_ =	sdelay $0x1  }
0x174: {  	v3 =	vadd.s32 v1, v3  }
0x175: {  	[tilespmem:s0], [sflag:$0x1] =	stream.indirect_vreg.gather [hbm4b:s1+s3], $0x80, v4, vm0, $0xb8;
	[tilespmem:$0xC080] =	vst v63  }
0x176: {  	_ = 	snop  }
0x177: {  	[tilespmem:s2], [sflag:$0x1] =	stream.indirect_vreg.gather [hbm4b:s4+s3], $0x80, v4, vm1, $0xb8;
	[tilespmem:$0xC080] =	vst v63  }
0x178: {  	_ = 	snop  }
0x179: {  	[tilespmem:s7], [sflag:$0x1] =	stream.indirect_vreg.gather [hbm4b:s1+s3], $0x80, v3, vm0, $0xb8;
	[tilespmem:$0xC080] =	vst v63  }
0x17a: {  	_ = 	snop  }
0x17b: {  	[tilespmem:s11], [sflag:$0x1] =	stream.indirect_vreg.gather [hbm4b:s4+s3], $0x80, v3, vm1, $0xb8;
	[tilespmem:$0xC080] =	vst v63  }
0x17c: {  	v3 =	vld [tilespmem:$0x50];
	_ =	sdelay $0x4  }
0x17d: {  	v53 =	vshrl.u32 v3, $0x3  }
0x17e: {  	v4 =	vmul.u32 $0x18, v53  }
0x17f: {  	v3 =	vand.u32 $0x7, v3  }
0x180: {  	v3 =	vor.u32 v3, v4  }
0x181: {  	v4 =	vperm.xlane v3, v0;
	_ =	sdelay $0x1  }
0x182: {  	v4 =	vadd.s32 v1, v4;
	_ =	sdelay $0x1  }
0x183: {  	v3 =	vperm.xlane v3, v2;
	_ =	sdelay $0x1  }
0x184: {  	v3 =	vadd.s32 v1, v3  }
0x185: {  	[tilespmem:s8], [sflag:$0x1] =	stream.indirect_vreg.gather [hbm4b:s1+s3], $0x80, v4, vm0, $0xb8;
	[tilespmem:$0xC080] =	vst v63  }
0x186: {  	_ = 	snop  }
0x187: {  	[tilespmem:s9], [sflag:$0x1] =	stream.indirect_vreg.gather [hbm4b:s4+s3], $0x80, v4, vm1, $0xb8;
	[tilespmem:$0xC080] =	vst v63  }
0x188: {  	_ = 	snop  }
0x189: {  	[tilespmem:s10], [sflag:$0x1] =	stream.indirect_vreg.gather [hbm4b:s1+s3], $0x80, v3, vm0, $0xb8;
	[tilespmem:$0xC080] =	vst v63  }
0x18a: {  	s26 =	simm.s32 $0x8C80  }
0x18b: {  	[tilespmem:s26], [sflag:$0x1] =	stream.indirect_vreg.gather [hbm4b:s4+s3], $0x80, v3, vm1, $0xb8;
	[tilespmem:$0xC080] =	vst v63  }
0x18c: {  	v3 =	vld [tilespmem:$0x60];
	_ =	sdelay $0x4  }
0x18d: {  	v54 =	vshrl.u32 v3, $0x3  }
0x18e: {  	v4 =	vmul.u32 $0x18, v54  }
0x18f: {  	v3 =	vand.u32 $0x7, v3  }
0x190: {  	v3 =	vor.u32 v3, v4  }
0x191: {  	v4 =	vperm.xlane v3, v0;
	_ =	sdelay $0x1  }
0x192: {  	v4 =	vadd.s32 v1, v4;
	_ =	sdelay $0x1  }
0x193: {  	v3 =	vperm.xlane v3, v2;
	_ =	sdelay $0x1  }
0x194: {  	s31 =	simm.s32 $0x9080;
	v3 =	vadd.s32 v1, v3  }
0x195: {  	[tilespmem:s31], [sflag:$0x1] =	stream.indirect_vreg.gather [hbm4b:s1+s3], $0x80, v4, vm0, $0xb8;
	[tilespmem:$0xC080] =	vst v63  }
0x196: {  	s24 =	simm.s32 $0x9880  }
0x197: {  	[tilespmem:s24], [sflag:$0x1] =	stream.indirect_vreg.gather [hbm4b:s4+s3], $0x80, v4, vm1, $0xb8;
	[tilespmem:$0xC080] =	vst v63  }
0x198: {  	s23 =	simm.s32 $0x9C80  }
0x199: {  	[tilespmem:s23], [sflag:$0x1] =	stream.indirect_vreg.gather [hbm4b:s1+s3], $0x80, v3, vm0, $0xb8;
	[tilespmem:$0xC080] =	vst v63  }
0x19a: {  	s26 =	simm.s32 $0xA480  }
0x19b: {  	[tilespmem:s26], [sflag:$0x1] =	stream.indirect_vreg.gather [hbm4b:s4+s3], $0x80, v3, vm1, $0xb8;
	[tilespmem:$0xC080] =	vst v63  }
0x19c: {  	v3 =	vld [tilespmem:$0x70];
	_ =	sdelay $0x4  }
0x19d: {  	v55 =	vshrl.u32 v3, $0x3  }
0x19e: {  	v4 =	vmul.u32 $0x18, v55  }
0x19f: {  	v3 =	vand.u32 $0x7, v3  }
0x1a0: {  	v3 =	vor.u32 v3, v4  }
0x1a1: {  	v4 =	vperm.xlane v3, v0;
	_ =	sdelay $0x1  }
0x1a2: {  	v4 =	vadd.s32 v1, v4;
	_ =	sdelay $0x1  }
0x1a3: {  	v3 =	vperm.xlane v3, v2;
	_ =	sdelay $0x1  }
0x1a4: {  	s28 =	simm.s32 $0xA880;
	v3 =	vadd.s32 v1, v3  }
0x1a5: {  	[tilespmem:s28], [sflag:$0x1] =	stream.indirect_vreg.gather [hbm4b:s1+s3], $0x80, v4, vm0, $0xb8;
	[tilespmem:$0xC080] =	vst v63  }
0x1a6: {  	s29 =	simm.s32 $0xB080  }
0x1a7: {  	[tilespmem:s29], [sflag:$0x1] =	stream.indirect_vreg.gather [hbm4b:s4+s3], $0x80, v4, vm1, $0xb8;
	[tilespmem:$0xC080] =	vst v63  }
0x1a8: {  	s30 =	simm.s32 $0xB480  }
0x1a9: {  	[tilespmem:s30], [sflag:$0x1] =	stream.indirect_vreg.gather [hbm4b:s1+s3], $0x80, v3, vm0, $0xb8;
	[tilespmem:$0xC080] =	vst v63  }
0x1aa: {  	s29 =	simm.s32 $0xBC80  }
0x1ab: {  	[tilespmem:s29], [sflag:$0x1] =	stream.indirect_vreg.gather [hbm4b:s4+s3], $0x80, v3, vm1, $0xb8;
	[tilespmem:$0xC080] =	vst v63  }
0x1ac: {  	_ =	swait.ge [sflag:s14], $0xC000  }
0x1ad: {  	[sflag:s14] =	ssyncset.done $0x0  }
0x1ae: {  	s30 =	rddreg [dreg:$0x9];
	[sflag:s14] =	ssyncadd.s32 $0xFFFF4000  }
0x1af: {  	[hbm4b:s30+s3] =	stream.linear.scatter [tilespmem:s25], [sflag:$0x2], $0xC000, $0x38;
	[tilespmem:$0xC080] =	vst v63  }
0x1b0: {  	_ =	swait.ge [sflag:s6], $0xC000  }
0x1b1: {  	[sflag:s6] =	ssyncset.done $0x0  }
0x1b2: {  	s30 =	rddreg [dreg:$0xa];
	[sflag:s6] =	ssyncadd.s32 $0xFFFF4000  }
0x1b3: {  	[tilespmem:s3], [sflag:$0x2] =	stream.linear.gather [hbm4b:s30+s3], $0x80, $0x38;
	[tilespmem:$0xC080] =	vst v63  }
0x1b4: {  	_ =	swait.ge [sflag:s6], $0x80  }
0x1b5: {  	[sflag:s6] =	ssyncset.done $0x0  }
0x1b6: {  	[sflag:s6] =	ssyncadd.s32 $0xFFFFFF80  }
0x1b7: {  	v3 =	vld [tilespmem:$0x0];
	_ =	sdelay $0x4  }
0x1b8: {  	v56 =	vshrl.u32 v3, $0x3  }
0x1b9: {  	v4 =	vmul.u32 $0x18, v56  }
0x1ba: {  	v3 =	vand.u32 $0x7, v3  }
0x1bb: {  	v3 =	vor.u32 v3, v4  }
0x1bc: {  	v4 =	vperm.xlane v3, v0;
	_ =	sdelay $0x1  }
0x1bd: {  	v4 =	vadd.s32 v1, v4;
	_ =	sdelay $0x1  }
0x1be: {  	v3 =	vperm.xlane v3, v2;
	_ =	sdelay $0x1  }
0x1bf: {  	v3 =	vadd.s32 v1, v3  }
0x1c0: {  	[tilespmem:s25], [sflag:$0x1] =	stream.indirect_vreg.gather [hbm4b:s1+s3], $0x80, v4, vm0, $0xb8;
	[tilespmem:$0xC080] =	vst v63  }
0x1c1: {  	s22 =	simm.s32 $0x880  }
0x1c2: {  	[tilespmem:s22], [sflag:$0x1] =	stream.indirect_vreg.gather [hbm4b:s4+s3], $0x80, v4, vm1, $0xb8;
	[tilespmem:$0xC080] =	vst v63  }
0x1c3: {  	s30 =	simm.s32 $0xC80  }
0x1c4: {  	[tilespmem:s30], [sflag:$0x1] =	stream.indirect_vreg.gather [hbm4b:s1+s3], $0x80, v3, vm0, $0xb8;
	[tilespmem:$0xC080] =	vst v63  }
0x1c5: {  	s21 =	simm.s32 $0x1480  }
0x1c6: {  	[tilespmem:s21], [sflag:$0x1] =	stream.indirect_vreg.gather [hbm4b:s4+s3], $0x80, v3, vm1, $0xb8;
	[tilespmem:$0xC080] =	vst v63  }
0x1c7: {  	v3 =	vld [tilespmem:$0x10];
	_ =	sdelay $0x4  }
0x1c8: {  	v57 =	vshrl.u32 v3, $0x3  }
0x1c9: {  	v4 =	vmul.u32 $0x18, v57  }
0x1ca: {  	v3 =	vand.u32 $0x7, v3  }
0x1cb: {  	v3 =	vor.u32 v3, v4  }
0x1cc: {  	v4 =	vperm.xlane v3, v0;
	_ =	sdelay $0x1  }
0x1cd: {  	v4 =	vadd.s32 v1, v4;
	_ =	sdelay $0x1  }
0x1ce: {  	v3 =	vperm.xlane v3, v2;
	_ =	sdelay $0x1  }
0x1cf: {  	s22 =	simm.s32 $0x1880;
	v3 =	vadd.s32 v1, v3  }
0x1d0: {  	[tilespmem:s22], [sflag:$0x1] =	stream.indirect_vreg.gather [hbm4b:s1+s3], $0x80, v4, vm0, $0xb8;
	[tilespmem:$0xC080] =	vst v63  }
0x1d1: {  	s30 =	simm.s32 $0x2080  }
0x1d2: {  	[tilespmem:s30], [sflag:$0x1] =	stream.indirect_vreg.gather [hbm4b:s4+s3], $0x80, v4, vm1, $0xb8;
	[tilespmem:$0xC080] =	vst v63  }
0x1d3: {  	s21 =	simm.s32 $0x2480  }
0x1d4: {  	[tilespmem:s21], [sflag:$0x1] =	stream.indirect_vreg.gather [hbm4b:s1+s3], $0x80, v3, vm0, $0xb8;
	[tilespmem:$0xC080] =	vst v63  }
0x1d5: {  	s22 =	simm.s32 $0x2C80  }
0x1d6: {  	[tilespmem:s22], [sflag:$0x1] =	stream.indirect_vreg.gather [hbm4b:s4+s3], $0x80, v3, vm1, $0xb8;
	[tilespmem:$0xC080] =	vst v63  }
0x1d7: {  	v3 =	vld [tilespmem:$0x20];
	_ =	sdelay $0x4  }
0x1d8: {  	v58 =	vshrl.u32 v3, $0x3  }
0x1d9: {  	v4 =	vmul.u32 $0x18, v58  }
0x1da: {  	v3 =	vand.u32 $0x7, v3  }
0x1db: {  	v3 =	vor.u32 v3, v4  }
0x1dc: {  	v4 =	vperm.xlane v3, v0;
	_ =	sdelay $0x1  }
0x1dd: {  	v4 =	vadd.s32 v1, v4;
	_ =	sdelay $0x1  }
0x1de: {  	v3 =	vperm.xlane v3, v2;
	_ =	sdelay $0x1  }
0x1df: {  	s30 =	simm.s32 $0x3080;
	v3 =	vadd.s32 v1, v3  }
0x1e0: {  	[tilespmem:s30], [sflag:$0x1] =	stream.indirect_vreg.gather [hbm4b:s1+s3], $0x80, v4, vm0, $0xb8;
	[tilespmem:$0xC080] =	vst v63  }
0x1e1: {  	s16 =	simm.s32 $0x3880  }
0x1e2: {  	[tilespmem:s16], [sflag:$0x1] =	stream.indirect_vreg.gather [hbm4b:s4+s3], $0x80, v4, vm1, $0xb8;
	[tilespmem:$0xC080] =	vst v63  }
0x1e3: {  	s12 =	simm.s32 $0x3C80  }
0x1e4: {  	[tilespmem:s12], [sflag:$0x1] =	stream.indirect_vreg.gather [hbm4b:s1+s3], $0x80, v3, vm0, $0xb8;
	[tilespmem:$0xC080] =	vst v63  }
0x1e5: {  	s13 =	simm.s32 $0x4480  }
0x1e6: {  	[tilespmem:s13], [sflag:$0x1] =	stream.indirect_vreg.gather [hbm4b:s4+s3], $0x80, v3, vm1, $0xb8;
	[tilespmem:$0xC080] =	vst v63  }
0x1e7: {  	v3 =	vld [tilespmem:$0x30];
	_ =	sdelay $0x4  }
0x1e8: {  	v59 =	vshrl.u32 v3, $0x3  }
0x1e9: {  	v4 =	vmul.u32 $0x18, v59  }
0x1ea: {  	v3 =	vand.u32 $0x7, v3  }
0x1eb: {  	v3 =	vor.u32 v3, v4  }
0x1ec: {  	v4 =	vperm.xlane v3, v0;
	_ =	sdelay $0x1  }
0x1ed: {  	v4 =	vadd.s32 v1, v4;
	_ =	sdelay $0x1  }
0x1ee: {  	v3 =	vperm.xlane v3, v2;
	_ =	sdelay $0x1  }
0x1ef: {  	s17 =	simm.s32 $0x4880;
	v3 =	vadd.s32 v1, v3  }
0x1f0: {  	[tilespmem:s17], [sflag:$0x1] =	stream.indirect_vreg.gather [hbm4b:s1+s3], $0x80, v4, vm0, $0xb8;
	[tilespmem:$0xC080] =	vst v63  }
0x1f1: {  	s18 =	simm.s32 $0x5080  }
0x1f2: {  	[tilespmem:s18], [sflag:$0x1] =	stream.indirect_vreg.gather [hbm4b:s4+s3], $0x80, v4, vm1, $0xb8;
	[tilespmem:$0xC080] =	vst v63  }
0x1f3: {  	s19 =	simm.s32 $0x5480  }
0x1f4: {  	[tilespmem:s19], [sflag:$0x1] =	stream.indirect_vreg.gather [hbm4b:s1+s3], $0x80, v3, vm0, $0xb8;
	[tilespmem:$0xC080] =	vst v63  }
0x1f5: {  	s20 =	simm.s32 $0x5C80  }
0x1f6: {  	[tilespmem:s20], [sflag:$0x1] =	stream.indirect_vreg.gather [hbm4b:s4+s3], $0x80, v3, vm1, $0xb8;
	[tilespmem:$0xC080] =	vst v63  }
0x1f7: {  	v3 =	vld [tilespmem:$0x40];
	_ =	sdelay $0x4  }
0x1f8: {  	v60 =	vshrl.u32 v3, $0x3  }
0x1f9: {  	v4 =	vmul.u32 $0x18, v60  }
0x1fa: {  	v3 =	vand.u32 $0x7, v3  }
0x1fb: {  	v3 =	vor.u32 v3, v4  }
0x1fc: {  	v4 =	vperm.xlane v3, v0;
	_ =	sdelay $0x1  }
0x1fd: {  	v4 =	vadd.s32 v1, v4;
	_ =	sdelay $0x1  }
0x1fe: {  	v3 =	vperm.xlane v3, v2;
	_ =	sdelay $0x1  }
0x1ff: {  	s0 =	simm.s32 $0x6080;
	v3 =	vadd.s32 v1, v3  }
0x200: {  	[tilespmem:s0], [sflag:$0x1] =	stream.indirect_vreg.gather [hbm4b:s1+s3], $0x80, v4, vm0, $0xb8;
	[tilespmem:$0xC080] =	vst v63  }
0x201: {  	s2 =	simm.s32 $0x6880  }
0x202: {  	[tilespmem:s2], [sflag:$0x1] =	stream.indirect_vreg.gather [hbm4b:s4+s3], $0x80, v4, vm1, $0xb8;
	[tilespmem:$0xC080] =	vst v63  }
0x203: {  	s7 =	simm.s32 $0x6C80  }
0x204: {  	[tilespmem:s7], [sflag:$0x1] =	stream.indirect_vreg.gather [hbm4b:s1+s3], $0x80, v3, vm0, $0xb8;
	[tilespmem:$0xC080] =	vst v63  }
0x205: {  	s11 =	simm.s32 $0x7480  }
0x206: {  	[tilespmem:s11], [sflag:$0x1] =	stream.indirect_vreg.gather [hbm4b:s4+s3], $0x80, v3, vm1, $0xb8;
	[tilespmem:$0xC080] =	vst v63  }
0x207: {  	v3 =	vld [tilespmem:$0x50];
	_ =	sdelay $0x4  }
0x208: {  	v61 =	vshrl.u32 v3, $0x3  }
0x209: {  	v4 =	vmul.u32 $0x18, v61  }
0x20a: {  	v3 =	vand.u32 $0x7, v3  }
0x20b: {  	v3 =	vor.u32 v3, v4  }
0x20c: {  	v4 =	vperm.xlane v3, v0;
	_ =	sdelay $0x1  }
0x20d: {  	v4 =	vadd.s32 v1, v4;
	_ =	sdelay $0x1  }
0x20e: {  	v3 =	vperm.xlane v3, v2;
	_ =	sdelay $0x1  }
0x20f: {  	s8 =	simm.s32 $0x7880;
	v3 =	vadd.s32 v1, v3  }
0x210: {  	[tilespmem:s8], [sflag:$0x1] =	stream.indirect_vreg.gather [hbm4b:s1+s3], $0x80, v4, vm0, $0xb8;
	[tilespmem:$0xC080] =	vst v63  }
0x211: {  	s9 =	simm.s32 $0x8080  }
0x212: {  	[tilespmem:s9], [sflag:$0x1] =	stream.indirect_vreg.gather [hbm4b:s4+s3], $0x80, v4, vm1, $0xb8;
	[tilespmem:$0xC080] =	vst v63  }
0x213: {  	s10 =	simm.s32 $0x8480  }
0x214: {  	[tilespmem:s10], [sflag:$0x1] =	stream.indirect_vreg.gather [hbm4b:s1+s3], $0x80, v3, vm0, $0xb8;
	[tilespmem:$0xC080] =	vst v63  }
0x215: {  	s21 =	simm.s32 $0x8C80  }
0x216: {  	[tilespmem:s21], [sflag:$0x1] =	stream.indirect_vreg.gather [hbm4b:s4+s3], $0x80, v3, vm1, $0xb8;
	[tilespmem:$0xC080] =	vst v63  }
0x217: {  	v3 =	vld [tilespmem:$0x60];
	_ =	sdelay $0x4  }
0x218: {  	v62 =	vshrl.u32 v3, $0x3  }
0x219: {  	v4 =	vmul.u32 $0x18, v62  }
0x21a: {  	v3 =	vand.u32 $0x7, v3  }
0x21b: {  	v3 =	vor.u32 v3, v4  }
0x21c: {  	v4 =	vperm.xlane v3, v0;
	_ =	sdelay $0x1  }
0x21d: {  	v4 =	vadd.s32 v1, v4;
	_ =	sdelay $0x1  }
0x21e: {  	v3 =	vperm.xlane v3, v2;
	_ =	sdelay $0x1  }
0x21f: {  	s31 =	simm.s32 $0x9080;
	v3 =	vadd.s32 v1, v3  }
0x220: {  	[tilespmem:s31], [sflag:$0x1] =	stream.indirect_vreg.gather [hbm4b:s1+s3], $0x80, v4, vm0, $0xb8;
	[tilespmem:$0xC080] =	vst v63  }
0x221: {  	s22 =	simm.s32 $0x9880  }
0x222: {  	[tilespmem:s22], [sflag:$0x1] =	stream.indirect_vreg.gather [hbm4b:s4+s3], $0x80, v4, vm1, $0xb8;
	[tilespmem:$0xC080] =	vst v63  }
0x223: {  	s24 =	simm.s32 $0x9C80  }
0x224: {  	[tilespmem:s24], [sflag:$0x1] =	stream.indirect_vreg.gather [hbm4b:s1+s3], $0x80, v3, vm0, $0xb8;
	[tilespmem:$0xC080] =	vst v63  }
0x225: {  	s30 =	simm.s32 $0xA480  }
0x226: {  	[tilespmem:s30], [sflag:$0x1] =	stream.indirect_vreg.gather [hbm4b:s4+s3], $0x80, v3, vm1, $0xb8;
	[tilespmem:$0xC080] =	vst v63  }
0x227: {  	v3 =	vld [tilespmem:$0x70];
	_ =	sdelay $0x4  }
0x228: {  	v63 =	vshrl.u32 v3, $0x3  }
0x229: {  	v4 =	vmul.u32 $0x18, v63  }
0x22a: {  	v3 =	vand.u32 $0x7, v3  }
0x22b: {  	v3 =	vor.u32 v3, v4  }
0x22c: {  	v4 =	vperm.xlane v3, v0;
	_ =	sdelay $0x1  }
0x22d: {  	v4 =	vadd.s32 v1, v4;
	_ =	sdelay $0x1  }
0x22e: {  	v3 =	vperm.xlane v3, v2;
	_ =	sdelay $0x1  }
0x22f: {  	s23 =	simm.s32 $0xA880;
	v3 =	vadd.s32 v1, v3  }
0x230: {  	[tilespmem:s23], [sflag:$0x1] =	stream.indirect_vreg.gather [hbm4b:s1+s3], $0x80, v4, vm0, $0xb8;
	[tilespmem:$0xC080] =	vst v63  }
0x231: {  	s26 =	simm.s32 $0xB080  }
0x232: {  	[tilespmem:s26], [sflag:$0x1] =	stream.indirect_vreg.gather [hbm4b:s4+s3], $0x80, v4, vm1, $0xb8;
	[tilespmem:$0xC080] =	vst v63  }
0x233: {  	s28 =	simm.s32 $0xB480  }
0x234: {  	[tilespmem:s28], [sflag:$0x1] =	stream.indirect_vreg.gather [hbm4b:s1+s3], $0x80, v3, vm0, $0xb8;
	[tilespmem:$0xC080] =	vst v63  }
0x235: {  	s29 =	simm.s32 $0xBC80  }
0x236: {  	[tilespmem:s29], [sflag:$0x1] =	stream.indirect_vreg.gather [hbm4b:s4+s3], $0x80, v3, vm1, $0xb8;
	[tilespmem:$0xC080] =	vst v63  }
0x237: {  	_ =	swait.ge [sflag:s14], $0xC000  }
0x238: {  	p0 =	sne.s32 s5, $0x1;
	[sflag:s14] =	ssyncset.done $0x0  }
.Ltmp0:
0x239: {  	s31 =	rddreg [dreg:$0xb];
	[sflag:s14] =	ssyncadd.s32 $0xFFFF4000;
	(pc) =	sbr.rel @p0 .LBB2_1-.Ltmp0, $4  }
0x23a: {  	[hbm4b:s31+s3] =	stream.linear.scatter [tilespmem:s25], [sflag:$0x2], $0xC000, $0x38;
	[tilespmem:$0xC080] =	vst v63  }
0x23b: {  	_ =	swait.ge [sflag:s6], $0xC000  }
0x23c: {  	[sflag:s6] =	ssyncset.done $0x0  }
0x23d: {  	s5 =	sadd.s32 $0xFFFFFFFF, s5;
	[sflag:s6] =	ssyncadd.s32 $0xFFFF4000  }
0x23e: {  	_ =	sfence.sel $0x180000  }
0x23f: {  	[bflag:$0x0] =	sbarrier.arrive $0xFFFF  }
0x240: {  	_ =	strace $0x90000047  }
0x241: {  	s0 =	stileid.u32;
	[bflag:$0x2] =	sbarrier.arrive $0xFFFF  }
0x242: {  	p0 =	sne.s32 s0, $0x0;
	s0 =	rddreg [dreg:$0x3]  }
0x243: {  	s0 =	sadd.s32 @!p0 $0x100000, s0  }
0x244: {  	[sflag:s0] =	ssyncadd.tile.s32 @!p0 $0x1;
	_ =	shalt  }
.Lfunc_end2:
_tile_overlayer_lowered:
.L_overlay_start_2:
0x245: {  	(tag) =	ssettag $0x2  }
0x246: {  	s0 =	rddreg [dreg:$0x0];
	s2 =	stileid.u32  }
0x247: {  	s1 =	rddreg [dreg:$0x1];
	p0 =	sne.s32 s2, $0x0  }
0x248: {  	s3 =	rddreg [dreg:$0x2];
	[bflag:$0x3] =	sbarrier.arrive $0xFFFF;
	s2 =	simm.s32 @!p0 $0x1C02  }
0x249: {  	[timem:s3], [sflag:s2] =	dma.local @!p0 [hbm:s0], s1  }
0x24a: {  	s0 =	simm.s32 @!p0 $0x2  }
0x24b: {  	_ =	swait.ge @!p0 [sflag:s0], s1  }
0x24c: {  	s1 =	ssub.s32 @!p0 $0x0, s1;
	[sflag:s0] =	ssyncset.done @!p0 $0x0  }
0x24d: {  	[sflag:s0] =	ssyncadd.s32 @!p0 s1  }
0x24e: {  	[bflag:$0x3] =	sbarrier.arrive $0xFFFF  }
0x24f: {  	_ =	shalt  }

</sc_bundles>
